<compile_context>
chip_gen: v7x
topology: tpu7x:2x2x1
jax: 0.10.2.dev20260603
libtpu: 0.0.44.dev20260713+nightly
codegen_flags: <defaults>
</compile_context>

<pallas_src>
import functools

import jax
import jax.numpy as jnp
from jax import lax
from jax.experimental import pallas as pl
from jax.experimental.pallas import tpu as pltpu
from jax.experimental.pallas import tpu_sc as plsc

_M = 100000
_D = 128
_B = 16384
_SHARD = 6400
_TPAD = 16 * _SHARD
_CHUNK = _B // 32
_NC = _CHUNK // 128

_mesh = plsc.VectorSubcoreMesh(core_axis_name="c", subcore_axis_name="s")
_params = pltpu.CompilerParams(needs_layout_passes=False)


@functools.partial(
    pl.kernel,
    out_type=jax.ShapeDtypeStruct((_B, _D), jnp.float32),
    mesh=_mesh,
    compiler_params=_params,
    scratch_types=[
        pltpu.VMEM((_B,), jnp.int32),
        pltpu.VMEM((_SHARD,), jnp.int32),
        pltpu.VMEM_SHARED((_TPAD,), jnp.int32),
        pltpu.VMEM((_NC, 128), jnp.int32),
        pltpu.VMEM((_NC, 128), jnp.int32),
        pltpu.VMEM((_CHUNK,), jnp.int32),
        pltpu.VMEM((_CHUNK,), jnp.int32),
        pltpu.VMEM((_NC, 128), jnp.int32),
        pltpu.VMEM((_NC, 128), jnp.int32),
        pltpu.VMEM((_CHUNK, _D), jnp.float32),
        pltpu.VMEM((128, _D), jnp.float32),
        pltpu.SemaphoreType.DMA,
        pltpu.SemaphoreType.DMA,
        pltpu.SemaphoreType.DMA,
        pltpu.SemaphoreType.DMA((_NC,)),
    ],
)
def _fused(mem_hbm, val_hbm, widx_hbm, ridx2_hbm, out_hbm,
           widx_v, tloc_v, tsh_v, r_v, s_v, sc_v, pc_v, g2_v, d2_v,
           buf_v, vbuf_v, sem, sem2, sem3, sem4):
    sid = lax.axis_index("s")
    wid = sid * 2 + lax.axis_index("c")
    base = wid * _CHUNK
    lo = sid * _SHARD

    cp_w = pltpu.async_copy(widx_hbm, widx_v, sem)
    pltpu.sync_copy(ridx2_hbm.at[pl.ds(wid * _NC, _NC)], r_v)
    mem_dmas = [
        pltpu.async_copy(mem_hbm.at[r_v.at[c]], buf_v.at[pl.ds(c * 128, 128)], sem2)
        for c in range(_NC)
    ]

    neg1 = jnp.full((16,), -1, jnp.int32)

    def init_body(i, carry):
        tloc_v[pl.ds(i * 16, 16)] = neg1
        return carry

    lax.fori_loop(0, _SHARD // 16, init_body, 0)

    cp_w.wait()
    iota = lax.iota(jnp.int32, 16)
    shard_u = jnp.full((16,), _SHARD, jnp.uint32)

    def body(v8, carry):
        j0 = jnp.full((16,), v8 * 128, jnp.int32) + iota
        ws = [widx_v[pl.ds(v8 * 128 + k * 16, 16)] for k in range(8)]
        lasts = [plsc.scan_count(w)[1] for w in ws]
        for k in range(8):
            u = ws[k] - lo
            msk = lasts[k] & (plsc.bitcast(u, jnp.uint32) < shard_u)
            plsc.store_scatter(tloc_v, [u], j0 + (k * 16), mask=msk)
        return carry

    lax.fori_loop(0, _B // 128, body, 0)

    pub_dma = pltpu.async_copy(tloc_v, tsh_v.at[pl.ds(lo, _SHARD)], sem)

    for h in mem_dmas:
        h.wait()
    out_dma = pltpu.async_copy(buf_v, out_hbm.at[pl.ds(base, _CHUNK)], sem3)

    pub_dma.wait()
    plsc.subcore_barrier()

    slot_dmas = [
        pltpu.async_copy(tsh_v.at[r_v.at[c]], s_v.at[c], sem4.at[c])
        for c in range(_NC)
    ]

    n = 0
    for g in range(_CHUNK // 128):
        slot_dmas[g].wait()
        ss = [s_v[g, pl.ds(o * 16, 16)] for o in range(8)]
        ms = [s >= 0 for s in ss]
        mis = [jnp.where(m, 1, 0) for m in ms]
        css = [plsc.cumsum(mi) for mi in mis]
        tots = [jnp.sum(mi) for mi in mis]
        for o in range(8):
            pos = jnp.full((16,), base + (g * 8 + o) * 16, jnp.int32) + iota
            idx = css[o] - 1 + n
            plsc.store_scatter(sc_v, [idx], ss[o], mask=ms[o])
            plsc.store_scatter(pc_v, [idx], pos, mask=ms[o])
            n = n + tots[o]

    zeros16 = jnp.full((16,), 0, jnp.int32)
    sv0 = sc_v[pl.ds(0, 16)]
    pv0 = pc_v[pl.ds(0, 16)]
    s_ent0 = sv0.at[zeros16].get(mode="promise_in_bounds")
    p_ent0 = pv0.at[zeros16].get(mode="promise_in_bounds")
    n_splat = jnp.full((16,), 0, jnp.int32) + n

    for q in range(_CHUNK // 16):
        c = q // 8
        o = q % 8
        lanes = jnp.full((16,), q * 16, jnp.int32) + iota
        valid = lanes < n_splat
        g2_v[c, pl.ds(o * 16, 16)] = jnp.where(valid, sc_v[pl.ds(q * 16, 16)], s_ent0)
        d2_v[c, pl.ds(o * 16, 16)] = jnp.where(valid, pc_v[pl.ds(q * 16, 16)], p_ent0)

    nchunk = (n + 127) >> 7
    out_dma.wait()

    for i in range(_NC):
        @pl.when(i < nchunk)
        def _():
            pltpu.async_copy(val_hbm.at[g2_v.at[i]], vbuf_v, sem2).wait()
            pltpu.async_copy(vbuf_v, out_hbm.at[d2_v.at[i]], sem2).wait()


def kernel(mem, val, write_idx, read_idx):
    return _fused(mem, val, write_idx, read_idx.reshape(_B // 128, 128))

# --- scband reference (transcript-rebuilt; emitter-appended) ---
"""Pipeline reference for scband-trcmemory-5377299054979 (READ-ONLY COPY).

The authoritative reference and input builder live on the scoring server;
editing this copy changes nothing except your own understanding.
"""

import jax, jax.numpy as jnp
import numpy as np

M, D, B = 100000, 128, 16384

def setup_inputs(seed: int = 0) -> dict:
    key = jax.random.key(seed)
    k1, k2, k3, k4 = jax.random.split(key, 4)
    mem = jax.random.normal(k1, (M, D), dtype=jnp.float32)
    val = jax.random.normal(k2, (B, D), dtype=jnp.float32)
    write_idx = jax.random.randint(k3, (B,), 0, M, dtype=jnp.int32)
    read_idx = jax.random.randint(k4, (B,), 0, M, dtype=jnp.int32)
    return {"mem": mem, "val": val, "write_idx": write_idx, "read_idx": read_idx}

def reference(mem, val, write_idx, read_idx):
    # update_memories: overwrite memory rows at write_idx with new hist embeddings
    # (dict assignment -> scatter-overwrite; last duplicate key wins, matching dict semantics up to tie-order)
    new_mem = mem.at[write_idx].set(val)
    # get_memories: gather rows at read_idx. Unwritten/unseen rows correspond to
    # whatever the table holds (PAD_ZERO fallback is modeled by the dense table contents).
    out = jnp.take(new_mem, read_idx, axis=0)
    return out

if __name__ == "__main__":
    import jax
    _d = setup_inputs()
    print(jax.jit(kernel)(*tuple(_d.values())))

</pallas_src>

<mosaic_0001>
#map = affine_map<(d0, d1) -> (0, 0)>
#map1 = affine_map<(d0, d1) -> (0)>
module attributes {stable_mosaic.version = 14 : i64} {
  func.func @_fused(%arg0: i32, %arg1: i32, %arg2: memref<100000x128xf32, #tpu.memory_space<hbm>>, %arg3: memref<16384x128xf32, #tpu.memory_space<hbm>>, %arg4: memref<16384xi32, #tpu.memory_space<hbm>>, %arg5: memref<128x128xi32, #tpu.memory_space<hbm>>, %arg6: memref<16384x128xf32, #tpu.memory_space<hbm>>, %arg7: memref<16384xi32, #tpu.memory_space<vmem>>, %arg8: memref<6400xi32, #tpu.memory_space<vmem>>, %arg9: memref<102400xi32, #tpu.memory_space<vmem_shared>>, %arg10: memref<4x128xi32, #tpu.memory_space<vmem>>, %arg11: memref<4x128xi32, #tpu.memory_space<vmem>>, %arg12: memref<512xi32, #tpu.memory_space<vmem>>, %arg13: memref<512xi32, #tpu.memory_space<vmem>>, %arg14: memref<4x128xi32, #tpu.memory_space<vmem>>, %arg15: memref<4x128xi32, #tpu.memory_space<vmem>>, %arg16: memref<512x128xf32, #tpu.memory_space<vmem>>, %arg17: memref<128x128xf32, #tpu.memory_space<vmem>>, %arg18: memref<!tpu.dma_semaphore, #tpu.memory_space<semaphore_mem>>, %arg19: memref<!tpu.dma_semaphore, #tpu.memory_space<semaphore_mem>>, %arg20: memref<!tpu.dma_semaphore, #tpu.memory_space<semaphore_mem>>, %arg21: memref<4x!tpu.dma_semaphore, #tpu.memory_space<semaphore_mem>>) attributes {dimension_semantics = [#tpu.dimension_semantics<core_parallel>, #tpu.dimension_semantics<subcore_parallel>], iteration_bounds = array<i64: 2, 16>, scalar_prefetch = 0 : i64, scratch_operands = 15 : i64, tpu.core_type = #tpu.core_type<sc_vector_subcore>, window_params = [{transform_indices = #map}, {transform_indices = #map}, {transform_indices = #map1}, {transform_indices = #map}, {transform_indices = #map}]} {
    %mul3A = arith.constant 2 : i32
    %mul3A_0 = arith.muli %arg1, %mul3A : i32
    %add3A = arith.addi %mul3A_0, %arg0 : i32
    %mul3A_1 = arith.constant 512 : i32
    %mul3A_2 = arith.muli %add3A, %mul3A_1 : i32
    %mul3A_3 = arith.constant 6400 : i32
    %mul3A_4 = arith.muli %arg1, %mul3A_3 : i32
    tpu.enqueue_dma source(%arg4 : memref<16384xi32, #tpu.memory_space<hbm>>) target(%arg7 : memref<16384xi32, #tpu.memory_space<vmem>>) target_semaphore(%arg18 : memref<!tpu.dma_semaphore, #tpu.memory_space<semaphore_mem>>)
    %mul3A_5 = arith.constant 4 : i32
    %mul3A_6 = arith.muli %add3A, %mul3A_5 : i32
    "tpu.region"() ({
      %run_scoped3A = tpu.sem_alloc : memref<!tpu.dma_semaphore, #tpu.memory_space<semaphore_mem>>
      %dma_start3A_1761 = arith.constant 0 : i32
      %dma_start3A_1762 = tpu.memref_slice %arg5[%mul3A_6, %dma_start3A_1761] : memref<128x128xi32, #tpu.memory_space<hbm>> -> memref<4x128xi32, #tpu.memory_space<hbm>>
      %dma_start3A_1763 = arith.constant 0 : i32
      %dma_start3A_1764 = tpu.memref_slice %arg5[%mul3A_6, %dma_start3A_1763] : memref<128x128xi32, #tpu.memory_space<hbm>> -> memref<4x128xi32, #tpu.memory_space<hbm>>
      tpu.enqueue_dma source(%dma_start3A_1764 : memref<4x128xi32, #tpu.memory_space<hbm>>) target(%arg10 : memref<4x128xi32, #tpu.memory_space<vmem>>) target_semaphore(%run_scoped3A : memref<!tpu.dma_semaphore, #tpu.memory_space<semaphore_mem>>)
      %dma_wait3A_1765 = arith.constant 0 : i32
      %dma_wait3A_1766 = tpu.memref_slice %arg5[%mul3A_6, %dma_wait3A_1765] : memref<128x128xi32, #tpu.memory_space<hbm>> -> memref<4x128xi32, #tpu.memory_space<hbm>>
      %dma_wait3A_1767 = arith.constant 0 : i32
      %dma_wait3A_1768 = tpu.memref_slice %arg5[%mul3A_6, %dma_wait3A_1767] : memref<128x128xi32, #tpu.memory_space<hbm>> -> memref<4x128xi32, #tpu.memory_space<hbm>>
      tpu.wait_dma2 semaphore(%run_scoped3A : memref<!tpu.dma_semaphore, #tpu.memory_space<semaphore_mem>>) src(%dma_wait3A_1768 : memref<4x128xi32, #tpu.memory_space<hbm>>) dst(%arg10 : memref<4x128xi32, #tpu.memory_space<vmem>>)
      tpu.yield
    }) : () -> ()
    %dma_start3A = arith.constant 0 : i32
    %dma_start3A_7 = arith.constant 0 : i32
    %dma_start3A_8 = arith.constant 0 : i32
    %dma_start3A_9 = tpu.memref_slice %arg16[%dma_start3A_7, %dma_start3A_8] : memref<512x128xf32, #tpu.memory_space<vmem>> -> memref<128x128xf32, #tpu.memory_space<vmem>>
    %dma_start3A_10 = arith.constant 0 : i32
    %dma_start3A_11 = tpu.memref_slice %arg10[%dma_start3A, %dma_start3A_10] : memref<4x128xi32, #tpu.memory_space<vmem>> -> memref<1x128xi32, #tpu.memory_space<vmem>>
    %dma_start3A_12 = tpu.memref_squeeze %dma_start3A_11 : memref<1x128xi32, #tpu.memory_space<vmem>> -> memref<128xi32, #tpu.memory_space<vmem>>
    %dma_start3A_13 = arith.constant 0 : i32
    %dma_start3A_14 = arith.constant 0 : i32
    %dma_start3A_15 = tpu.memref_slice %arg2[%dma_start3A_13, %dma_start3A_14] : memref<100000x128xf32, #tpu.memory_space<hbm>> -> memref<100000x128xf32, #tpu.memory_space<hbm>>
    tpu.enqueue_indirect_dma source(%dma_start3A_15 : memref<100000x128xf32, #tpu.memory_space<hbm>>) target(%dma_start3A_9 : memref<128x128xf32, #tpu.memory_space<vmem>>) offsets(%dma_start3A_12 : memref<128xi32, #tpu.memory_space<vmem>>) semaphore(%arg19 : memref<!tpu.dma_semaphore, #tpu.memory_space<semaphore_mem>>)
    %dma_start3A_16 = arith.constant 1 : i32
    %dma_start3A_17 = arith.constant 128 : i32
    %dma_start3A_18 = arith.constant 0 : i32
    %dma_start3A_19 = tpu.memref_slice %arg16[%dma_start3A_17, %dma_start3A_18] : memref<512x128xf32, #tpu.memory_space<vmem>> -> memref<128x128xf32, #tpu.memory_space<vmem>>
    %dma_start3A_20 = arith.constant 0 : i32
    %dma_start3A_21 = tpu.memref_slice %arg10[%dma_start3A_16, %dma_start3A_20] : memref<4x128xi32, #tpu.memory_space<vmem>> -> memref<1x128xi32, #tpu.memory_space<vmem>>
    %dma_start3A_22 = tpu.memref_squeeze %dma_start3A_21 : memref<1x128xi32, #tpu.memory_space<vmem>> -> memref<128xi32, #tpu.memory_space<vmem>>
    %dma_start3A_23 = arith.constant 0 : i32
    %dma_start3A_24 = arith.constant 0 : i32
    %dma_start3A_25 = tpu.memref_slice %arg2[%dma_start3A_23, %dma_start3A_24] : memref<100000x128xf32, #tpu.memory_space<hbm>> -> memref<100000x128xf32, #tpu.memory_space<hbm>>
    tpu.enqueue_indirect_dma source(%dma_start3A_25 : memref<100000x128xf32, #tpu.memory_space<hbm>>) target(%dma_start3A_19 : memref<128x128xf32, #tpu.memory_space<vmem>>) offsets(%dma_start3A_22 : memref<128xi32, #tpu.memory_space<vmem>>) semaphore(%arg19 : memref<!tpu.dma_semaphore, #tpu.memory_space<semaphore_mem>>)
    %dma_start3A_26 = arith.constant 2 : i32
    %dma_start3A_27 = arith.constant 256 : i32
    %dma_start3A_28 = arith.constant 0 : i32
    %dma_start3A_29 = tpu.memref_slice %arg16[%dma_start3A_27, %dma_start3A_28] : memref<512x128xf32, #tpu.memory_space<vmem>> -> memref<128x128xf32, #tpu.memory_space<vmem>>
    %dma_start3A_30 = arith.constant 0 : i32
    %dma_start3A_31 = tpu.memref_slice %arg10[%dma_start3A_26, %dma_start3A_30] : memref<4x128xi32, #tpu.memory_space<vmem>> -> memref<1x128xi32, #tpu.memory_space<vmem>>
    %dma_start3A_32 = tpu.memref_squeeze %dma_start3A_31 : memref<1x128xi32, #tpu.memory_space<vmem>> -> memref<128xi32, #tpu.memory_space<vmem>>
    %dma_start3A_33 = arith.constant 0 : i32
    %dma_start3A_34 = arith.constant 0 : i32
    %dma_start3A_35 = tpu.memref_slice %arg2[%dma_start3A_33, %dma_start3A_34] : memref<100000x128xf32, #tpu.memory_space<hbm>> -> memref<100000x128xf32, #tpu.memory_space<hbm>>
    tpu.enqueue_indirect_dma source(%dma_start3A_35 : memref<100000x128xf32, #tpu.memory_space<hbm>>) target(%dma_start3A_29 : memref<128x128xf32, #tpu.memory_space<vmem>>) offsets(%dma_start3A_32 : memref<128xi32, #tpu.memory_space<vmem>>) semaphore(%arg19 : memref<!tpu.dma_semaphore, #tpu.memory_space<semaphore_mem>>)
    %dma_start3A_36 = arith.constant 3 : i32
    %dma_start3A_37 = arith.constant 384 : i32
    %dma_start3A_38 = arith.constant 0 : i32
    %dma_start3A_39 = tpu.memref_slice %arg16[%dma_start3A_37, %dma_start3A_38] : memref<512x128xf32, #tpu.memory_space<vmem>> -> memref<128x128xf32, #tpu.memory_space<vmem>>
    %dma_start3A_40 = arith.constant 0 : i32
    %dma_start3A_41 = tpu.memref_slice %arg10[%dma_start3A_36, %dma_start3A_40] : memref<4x128xi32, #tpu.memory_space<vmem>> -> memref<1x128xi32, #tpu.memory_space<vmem>>
    %dma_start3A_42 = tpu.memref_squeeze %dma_start3A_41 : memref<1x128xi32, #tpu.memory_space<vmem>> -> memref<128xi32, #tpu.memory_space<vmem>>
    %dma_start3A_43 = arith.constant 0 : i32
    %dma_start3A_44 = arith.constant 0 : i32
    %dma_start3A_45 = tpu.memref_slice %arg2[%dma_start3A_43, %dma_start3A_44] : memref<100000x128xf32, #tpu.memory_space<hbm>> -> memref<100000x128xf32, #tpu.memory_space<hbm>>
    tpu.enqueue_indirect_dma source(%dma_start3A_45 : memref<100000x128xf32, #tpu.memory_space<hbm>>) target(%dma_start3A_39 : memref<128x128xf32, #tpu.memory_space<vmem>>) offsets(%dma_start3A_42 : memref<128xi32, #tpu.memory_space<vmem>>) semaphore(%arg19 : memref<!tpu.dma_semaphore, #tpu.memory_space<semaphore_mem>>)
    %broadcast_in_dim3A = arith.constant -1 : i32
    %broadcast_in_dim3A_46 = vector.broadcast %broadcast_in_dim3A : i32 to vector<16xi32>
    %scan3A = arith.constant 0 : i32
    %scan3A_47 = arith.constant 0 : i32
    %scan3A_48 = arith.constant 400 : i32
    %scan3A_49 = arith.addi %scan3A_47, %scan3A_48 : i32
    %scan3A_50 = arith.constant 1 : i32
    scf.for %scan3A_1761 = %scan3A_47 to %scan3A_49 step %scan3A_50  : i32 {
      %mul3A_1762 = arith.constant 16 : i32
      %mul3A_1763 = arith.muli %scan3A_1761, %mul3A_1762 : i32
      %swap3A_1764 = arith.index_cast %mul3A_1763 : i32 to index
      %swap3A_1765 = tpu.vector_load %arg8[%swap3A_1764] {strides = array<i32>} : memref<6400xi32, #tpu.memory_space<vmem>>, vector<16xi32>,
      tpu.vector_store %arg8[%swap3A_1764], %broadcast_in_dim3A_46 {strides = array<i32>} : memref<6400xi32, #tpu.memory_space<vmem>>, vector<16xi32>,
    }
    %scan3A_51 = arith.constant 400 : i32
    tpu.wait_dma2 semaphore(%arg18 : memref<!tpu.dma_semaphore, #tpu.memory_space<semaphore_mem>>) src(%arg4 : memref<16384xi32, #tpu.memory_space<hbm>>) dst(%arg7 : memref<16384xi32, #tpu.memory_space<vmem>>)
    %iota3A = tpu.iota {dimensions = array<i32: 0>} : vector<16xi32>
    %broadcast_in_dim3A_52 = arith.constant 6400 : i32
    %broadcast_in_dim3A_53 = vector.broadcast %broadcast_in_dim3A_52 : i32 to vector<16xi32>
    %scan3A_54 = arith.constant 0 : i32
    %scan3A_55 = arith.constant 0 : i32
    %scan3A_56 = arith.constant 128 : i32
    %scan3A_57 = arith.addi %scan3A_55, %scan3A_56 : i32
    %scan3A_58 = arith.constant 1 : i32
    scf.for %scan3A_1761 = %scan3A_55 to %scan3A_57 step %scan3A_58  : i32 {
      %mul3A_1762 = arith.constant 128 : i32
      %mul3A_1763 = arith.muli %scan3A_1761, %mul3A_1762 : i32
      %broadcast_in_dim3A_1764 = vector.broadcast %mul3A_1763 : i32 to vector<16xi32>
      %add3A_1765 = arith.addi %broadcast_in_dim3A_1764, %iota3A : vector<16xi32>
      %mul3A_1766 = arith.constant 128 : i32
      %mul3A_1767 = arith.muli %scan3A_1761, %mul3A_1766 : i32
      %add3A_1768 = arith.constant 0 : i32
      %add3A_1769 = arith.addi %mul3A_1767, %add3A_1768 : i32
      %get3A_1770 = arith.index_cast %add3A_1769 : i32 to index
      %get3A_1771 = tpu.vector_load %arg7[%get3A_1770] {strides = array<i32>} : memref<16384xi32, #tpu.memory_space<vmem>>, vector<16xi32>,
      %mul3A_1772 = arith.constant 128 : i32
      %mul3A_1773 = arith.muli %scan3A_1761, %mul3A_1772 : i32
      %add3A_1774 = arith.constant 16 : i32
      %add3A_1775 = arith.addi %mul3A_1773, %add3A_1774 : i32
      %get3A_1776 = arith.index_cast %add3A_1775 : i32 to index
      %get3A_1777 = tpu.vector_load %arg7[%get3A_1776] {strides = array<i32>} : memref<16384xi32, #tpu.memory_space<vmem>>, vector<16xi32>,
      %mul3A_1778 = arith.constant 128 : i32
      %mul3A_1779 = arith.muli %scan3A_1761, %mul3A_1778 : i32
      %add3A_1780 = arith.constant 32 : i32
      %add3A_1781 = arith.addi %mul3A_1779, %add3A_1780 : i32
      %get3A_1782 = arith.index_cast %add3A_1781 : i32 to index
      %get3A_1783 = tpu.vector_load %arg7[%get3A_1782] {strides = array<i32>} : memref<16384xi32, #tpu.memory_space<vmem>>, vector<16xi32>,
      %mul3A_1784 = arith.constant 128 : i32
      %mul3A_1785 = arith.muli %scan3A_1761, %mul3A_1784 : i32
      %add3A_1786 = arith.constant 48 : i32
      %add3A_1787 = arith.addi %mul3A_1785, %add3A_1786 : i32
      %get3A_1788 = arith.index_cast %add3A_1787 : i32 to index
      %get3A_1789 = tpu.vector_load %arg7[%get3A_1788] {strides = array<i32>} : memref<16384xi32, #tpu.memory_space<vmem>>, vector<16xi32>,
      %mul3A_1790 = arith.constant 128 : i32
      %mul3A_1791 = arith.muli %scan3A_1761, %mul3A_1790 : i32
      %add3A_1792 = arith.constant 64 : i32
      %add3A_1793 = arith.addi %mul3A_1791, %add3A_1792 : i32
      %get3A_1794 = arith.index_cast %add3A_1793 : i32 to index
      %get3A_1795 = tpu.vector_load %arg7[%get3A_1794] {strides = array<i32>} : memref<16384xi32, #tpu.memory_space<vmem>>, vector<16xi32>,
      %mul3A_1796 = arith.constant 128 : i32
      %mul3A_1797 = arith.muli %scan3A_1761, %mul3A_1796 : i32
      %add3A_1798 = arith.constant 80 : i32
      %add3A_1799 = arith.addi %mul3A_1797, %add3A_1798 : i32
      %get3A_1800 = arith.index_cast %add3A_1799 : i32 to index
      %get3A_1801 = tpu.vector_load %arg7[%get3A_1800] {strides = array<i32>} : memref<16384xi32, #tpu.memory_space<vmem>>, vector<16xi32>,
      %mul3A_1802 = arith.constant 128 : i32
      %mul3A_1803 = arith.muli %scan3A_1761, %mul3A_1802 : i32
      %add3A_1804 = arith.constant 96 : i32
      %add3A_1805 = arith.addi %mul3A_1803, %add3A_1804 : i32
      %get3A_1806 = arith.index_cast %add3A_1805 : i32 to index
      %get3A_1807 = tpu.vector_load %arg7[%get3A_1806] {strides = array<i32>} : memref<16384xi32, #tpu.memory_space<vmem>>, vector<16xi32>,
      %mul3A_1808 = arith.constant 128 : i32
      %mul3A_1809 = arith.muli %scan3A_1761, %mul3A_1808 : i32
      %add3A_1810 = arith.constant 112 : i32
      %add3A_1811 = arith.addi %mul3A_1809, %add3A_1810 : i32
      %get3A_1812 = arith.index_cast %add3A_1811 : i32 to index
      %get3A_1813 = tpu.vector_load %arg7[%get3A_1812] {strides = array<i32>} : memref<16384xi32, #tpu.memory_space<vmem>>, vector<16xi32>,
      %broadcast_in_dim3A_1814 = arith.constant true
      %broadcast_in_dim3A_1815 = vector.broadcast %broadcast_in_dim3A_1814 : i1 to vector<16xi1>
      %unique3A, %unique3A_1816 = tpu.scan_count mask(%broadcast_in_dim3A_1815 : vector<16xi1>) value(%get3A_1771 : vector<16xi32>) : vector<16xi1>, vector<16xi32>
      %broadcast_in_dim3A_1817 = arith.constant true
      %broadcast_in_dim3A_1818 = vector.broadcast %broadcast_in_dim3A_1817 : i1 to vector<16xi1>
      %unique3A_1819, %unique3A_1820 = tpu.scan_count mask(%broadcast_in_dim3A_1818 : vector<16xi1>) value(%get3A_1777 : vector<16xi32>) : vector<16xi1>, vector<16xi32>
      %broadcast_in_dim3A_1821 = arith.constant true
      %broadcast_in_dim3A_1822 = vector.broadcast %broadcast_in_dim3A_1821 : i1 to vector<16xi1>
      %unique3A_1823, %unique3A_1824 = tpu.scan_count mask(%broadcast_in_dim3A_1822 : vector<16xi1>) value(%get3A_1783 : vector<16xi32>) : vector<16xi1>, vector<16xi32>
      %broadcast_in_dim3A_1825 = arith.constant true
      %broadcast_in_dim3A_1826 = vector.broadcast %broadcast_in_dim3A_1825 : i1 to vector<16xi1>
      %unique3A_1827, %unique3A_1828 = tpu.scan_count mask(%broadcast_in_dim3A_1826 : vector<16xi1>) value(%get3A_1789 : vector<16xi32>) : vector<16xi1>, vector<16xi32>
      %broadcast_in_dim3A_1829 = arith.constant true
      %broadcast_in_dim3A_1830 = vector.broadcast %broadcast_in_dim3A_1829 : i1 to vector<16xi1>
      %unique3A_1831, %unique3A_1832 = tpu.scan_count mask(%broadcast_in_dim3A_1830 : vector<16xi1>) value(%get3A_1795 : vector<16xi32>) : vector<16xi1>, vector<16xi32>
      %broadcast_in_dim3A_1833 = arith.constant true
      %broadcast_in_dim3A_1834 = vector.broadcast %broadcast_in_dim3A_1833 : i1 to vector<16xi1>
      %unique3A_1835, %unique3A_1836 = tpu.scan_count mask(%broadcast_in_dim3A_1834 : vector<16xi1>) value(%get3A_1801 : vector<16xi32>) : vector<16xi1>, vector<16xi32>
      %broadcast_in_dim3A_1837 = arith.constant true
      %broadcast_in_dim3A_1838 = vector.broadcast %broadcast_in_dim3A_1837 : i1 to vector<16xi1>
      %unique3A_1839, %unique3A_1840 = tpu.scan_count mask(%broadcast_in_dim3A_1838 : vector<16xi1>) value(%get3A_1807 : vector<16xi32>) : vector<16xi1>, vector<16xi32>
      %broadcast_in_dim3A_1841 = arith.constant true
      %broadcast_in_dim3A_1842 = vector.broadcast %broadcast_in_dim3A_1841 : i1 to vector<16xi1>
      %unique3A_1843, %unique3A_1844 = tpu.scan_count mask(%broadcast_in_dim3A_1842 : vector<16xi1>) value(%get3A_1813 : vector<16xi32>) : vector<16xi1>, vector<16xi32>
      %sub3A_1845 = vector.broadcast %mul3A_4 : i32 to vector<16xi32>
      %sub3A_1846 = arith.subi %get3A_1771, %sub3A_1845 : vector<16xi32>
      %bitcast3A = vector.bitcast %sub3A_1846 : vector<16xi32> to vector<16xi32>
      %lt3A_1847 = arith.cmpi ult, %bitcast3A, %broadcast_in_dim3A_53 : vector<16xi32>
      %and3A = arith.andi %unique3A, %lt3A_1847 : vector<16xi1>
      %add3A_1848 = arith.constant 0 : i32
      %add3A_1849 = vector.broadcast %add3A_1848 : i32 to vector<16xi32>
      %add3A_1850 = arith.addi %add3A_1765, %add3A_1849 : vector<16xi32>
      tpu.vector_store_idx %arg8[%sub3A_1846], %add3A_1850 masked %and3A : memref<6400xi32, #tpu.memory_space<vmem>>[vector<16xi32>], vector<16xi32>, vector<16xi1>
      %sub3A_1851 = vector.broadcast %mul3A_4 : i32 to vector<16xi32>
      %sub3A_1852 = arith.subi %get3A_1777, %sub3A_1851 : vector<16xi32>
      %bitcast3A_1853 = vector.bitcast %sub3A_1852 : vector<16xi32> to vector<16xi32>
      %lt3A_1854 = arith.cmpi ult, %bitcast3A_1853, %broadcast_in_dim3A_53 : vector<16xi32>
      %and3A_1855 = arith.andi %unique3A_1819, %lt3A_1854 : vector<16xi1>
      %add3A_1856 = arith.constant 16 : i32
      %add3A_1857 = vector.broadcast %add3A_1856 : i32 to vector<16xi32>
      %add3A_1858 = arith.addi %add3A_1765, %add3A_1857 : vector<16xi32>
      tpu.vector_store_idx %arg8[%sub3A_1852], %add3A_1858 masked %and3A_1855 : memref<6400xi32, #tpu.memory_space<vmem>>[vector<16xi32>], vector<16xi32>, vector<16xi1>
      %sub3A_1859 = vector.broadcast %mul3A_4 : i32 to vector<16xi32>
      %sub3A_1860 = arith.subi %get3A_1783, %sub3A_1859 : vector<16xi32>
      %bitcast3A_1861 = vector.bitcast %sub3A_1860 : vector<16xi32> to vector<16xi32>
      %lt3A_1862 = arith.cmpi ult, %bitcast3A_1861, %broadcast_in_dim3A_53 : vector<16xi32>
      %and3A_1863 = arith.andi %unique3A_1823, %lt3A_1862 : vector<16xi1>
      %add3A_1864 = arith.constant 32 : i32
      %add3A_1865 = vector.broadcast %add3A_1864 : i32 to vector<16xi32>
      %add3A_1866 = arith.addi %add3A_1765, %add3A_1865 : vector<16xi32>
      tpu.vector_store_idx %arg8[%sub3A_1860], %add3A_1866 masked %and3A_1863 : memref<6400xi32, #tpu.memory_space<vmem>>[vector<16xi32>], vector<16xi32>, vector<16xi1>
      %sub3A_1867 = vector.broadcast %mul3A_4 : i32 to vector<16xi32>
      %sub3A_1868 = arith.subi %get3A_1789, %sub3A_1867 : vector<16xi32>
      %bitcast3A_1869 = vector.bitcast %sub3A_1868 : vector<16xi32> to vector<16xi32>
      %lt3A_1870 = arith.cmpi ult, %bitcast3A_1869, %broadcast_in_dim3A_53 : vector<16xi32>
      %and3A_1871 = arith.andi %unique3A_1827, %lt3A_1870 : vector<16xi1>
      %add3A_1872 = arith.constant 48 : i32
      %add3A_1873 = vector.broadcast %add3A_1872 : i32 to vector<16xi32>
      %add3A_1874 = arith.addi %add3A_1765, %add3A_1873 : vector<16xi32>
      tpu.vector_store_idx %arg8[%sub3A_1868], %add3A_1874 masked %and3A_1871 : memref<6400xi32, #tpu.memory_space<vmem>>[vector<16xi32>], vector<16xi32>, vector<16xi1>
      %sub3A_1875 = vector.broadcast %mul3A_4 : i32 to vector<16xi32>
      %sub3A_1876 = arith.subi %get3A_1795, %sub3A_1875 : vector<16xi32>
      %bitcast3A_1877 = vector.bitcast %sub3A_1876 : vector<16xi32> to vector<16xi32>
      %lt3A_1878 = arith.cmpi ult, %bitcast3A_1877, %broadcast_in_dim3A_53 : vector<16xi32>
      %and3A_1879 = arith.andi %unique3A_1831, %lt3A_1878 : vector<16xi1>
      %add3A_1880 = arith.constant 64 : i32
      %add3A_1881 = vector.broadcast %add3A_1880 : i32 to vector<16xi32>
      %add3A_1882 = arith.addi %add3A_1765, %add3A_1881 : vector<16xi32>
      tpu.vector_store_idx %arg8[%sub3A_1876], %add3A_1882 masked %and3A_1879 : memref<6400xi32, #tpu.memory_space<vmem>>[vector<16xi32>], vector<16xi32>, vector<16xi1>
      %sub3A_1883 = vector.broadcast %mul3A_4 : i32 to vector<16xi32>
      %sub3A_1884 = arith.subi %get3A_1801, %sub3A_1883 : vector<16xi32>
      %bitcast3A_1885 = vector.bitcast %sub3A_1884 : vector<16xi32> to vector<16xi32>
      %lt3A_1886 = arith.cmpi ult, %bitcast3A_1885, %broadcast_in_dim3A_53 : vector<16xi32>
      %and3A_1887 = arith.andi %unique3A_1835, %lt3A_1886 : vector<16xi1>
      %add3A_1888 = arith.constant 80 : i32
      %add3A_1889 = vector.broadcast %add3A_1888 : i32 to vector<16xi32>
      %add3A_1890 = arith.addi %add3A_1765, %add3A_1889 : vector<16xi32>
      tpu.vector_store_idx %arg8[%sub3A_1884], %add3A_1890 masked %and3A_1887 : memref<6400xi32, #tpu.memory_space<vmem>>[vector<16xi32>], vector<16xi32>, vector<16xi1>
      %sub3A_1891 = vector.broadcast %mul3A_4 : i32 to vector<16xi32>
      %sub3A_1892 = arith.subi %get3A_1807, %sub3A_1891 : vector<16xi32>
      %bitcast3A_1893 = vector.bitcast %sub3A_1892 : vector<16xi32> to vector<16xi32>
      %lt3A_1894 = arith.cmpi ult, %bitcast3A_1893, %broadcast_in_dim3A_53 : vector<16xi32>
      %and3A_1895 = arith.andi %unique3A_1839, %lt3A_1894 : vector<16xi1>
      %add3A_1896 = arith.constant 96 : i32
      %add3A_1897 = vector.broadcast %add3A_1896 : i32 to vector<16xi32>
      %add3A_1898 = arith.addi %add3A_1765, %add3A_1897 : vector<16xi32>
      tpu.vector_store_idx %arg8[%sub3A_1892], %add3A_1898 masked %and3A_1895 : memref<6400xi32, #tpu.memory_space<vmem>>[vector<16xi32>], vector<16xi32>, vector<16xi1>
      %sub3A_1899 = vector.broadcast %mul3A_4 : i32 to vector<16xi32>
      %sub3A_1900 = arith.subi %get3A_1813, %sub3A_1899 : vector<16xi32>
      %bitcast3A_1901 = vector.bitcast %sub3A_1900 : vector<16xi32> to vector<16xi32>
      %lt3A_1902 = arith.cmpi ult, %bitcast3A_1901, %broadcast_in_dim3A_53 : vector<16xi32>
      %and3A_1903 = arith.andi %unique3A_1843, %lt3A_1902 : vector<16xi1>
      %add3A_1904 = arith.constant 112 : i32
      %add3A_1905 = vector.broadcast %add3A_1904 : i32 to vector<16xi32>
      %add3A_1906 = arith.addi %add3A_1765, %add3A_1905 : vector<16xi32>
      tpu.vector_store_idx %arg8[%sub3A_1900], %add3A_1906 masked %and3A_1903 : memref<6400xi32, #tpu.memory_space<vmem>>[vector<16xi32>], vector<16xi32>, vector<16xi1>
    }
    %scan3A_59 = arith.constant 128 : i32
    %dma_start3A_60 = tpu.memref_slice %arg9[%mul3A_4] : memref<102400xi32, #tpu.memory_space<vmem_shared>> -> memref<6400xi32, #tpu.memory_space<vmem_shared>>
    %dma_start3A_61 = tpu.memref_slice %arg9[%mul3A_4] : memref<102400xi32, #tpu.memory_space<vmem_shared>> -> memref<6400xi32, #tpu.memory_space<vmem_shared>>
    tpu.enqueue_dma source(%arg8 : memref<6400xi32, #tpu.memory_space<vmem>>) target(%dma_start3A_61 : memref<6400xi32, #tpu.memory_space<vmem_shared>>) target_semaphore(%arg18 : memref<!tpu.dma_semaphore, #tpu.memory_space<semaphore_mem>>)
    %dma_wait3A = arith.constant 0 : i32
    %dma_wait3A_62 = arith.constant 0 : i32
    %dma_wait3A_63 = arith.constant 0 : i32
    %dma_wait3A_64 = tpu.memref_slice %arg16[%dma_wait3A_62, %dma_wait3A_63] : memref<512x128xf32, #tpu.memory_space<vmem>> -> memref<128x128xf32, #tpu.memory_space<vmem>>
    %dma_wait3A_65 = arith.constant 0 : i32
    %dma_wait3A_66 = tpu.memref_slice %arg10[%dma_wait3A, %dma_wait3A_65] : memref<4x128xi32, #tpu.memory_space<vmem>> -> memref<1x128xi32, #tpu.memory_space<vmem>>
    %dma_wait3A_67 = tpu.memref_squeeze %dma_wait3A_66 : memref<1x128xi32, #tpu.memory_space<vmem>> -> memref<128xi32, #tpu.memory_space<vmem>>
    %dma_wait3A_68 = arith.constant 0 : i32
    %dma_wait3A_69 = arith.constant 0 : i32
    %dma_wait3A_70 = tpu.memref_slice %arg2[%dma_wait3A_68, %dma_wait3A_69] : memref<100000x128xf32, #tpu.memory_space<hbm>> -> memref<100000x128xf32, #tpu.memory_space<hbm>>
    tpu.wait_indirect_dma semaphore(%arg19 : memref<!tpu.dma_semaphore, #tpu.memory_space<semaphore_mem>>) src(%dma_wait3A_70 : memref<100000x128xf32, #tpu.memory_space<hbm>>) dst(%dma_wait3A_64 : memref<128x128xf32, #tpu.memory_space<vmem>>)
    %dma_wait3A_71 = arith.constant 1 : i32
    %dma_wait3A_72 = arith.constant 128 : i32
    %dma_wait3A_73 = arith.constant 0 : i32
    %dma_wait3A_74 = tpu.memref_slice %arg16[%dma_wait3A_72, %dma_wait3A_73] : memref<512x128xf32, #tpu.memory_space<vmem>> -> memref<128x128xf32, #tpu.memory_space<vmem>>
    %dma_wait3A_75 = arith.constant 0 : i32
    %dma_wait3A_76 = tpu.memref_slice %arg10[%dma_wait3A_71, %dma_wait3A_75] : memref<4x128xi32, #tpu.memory_space<vmem>> -> memref<1x128xi32, #tpu.memory_space<vmem>>
    %dma_wait3A_77 = tpu.memref_squeeze %dma_wait3A_76 : memref<1x128xi32, #tpu.memory_space<vmem>> -> memref<128xi32, #tpu.memory_space<vmem>>
    %dma_wait3A_78 = arith.constant 0 : i32
    %dma_wait3A_79 = arith.constant 0 : i32
    %dma_wait3A_80 = tpu.memref_slice %arg2[%dma_wait3A_78, %dma_wait3A_79] : memref<100000x128xf32, #tpu.memory_space<hbm>> -> memref<100000x128xf32, #tpu.memory_space<hbm>>
    tpu.wait_indirect_dma semaphore(%arg19 : memref<!tpu.dma_semaphore, #tpu.memory_space<semaphore_mem>>) src(%dma_wait3A_80 : memref<100000x128xf32, #tpu.memory_space<hbm>>) dst(%dma_wait3A_74 : memref<128x128xf32, #tpu.memory_space<vmem>>)
    %dma_wait3A_81 = arith.constant 2 : i32
    %dma_wait3A_82 = arith.constant 256 : i32
    %dma_wait3A_83 = arith.constant 0 : i32
    %dma_wait3A_84 = tpu.memref_slice %arg16[%dma_wait3A_82, %dma_wait3A_83] : memref<512x128xf32, #tpu.memory_space<vmem>> -> memref<128x128xf32, #tpu.memory_space<vmem>>
    %dma_wait3A_85 = arith.constant 0 : i32
    %dma_wait3A_86 = tpu.memref_slice %arg10[%dma_wait3A_81, %dma_wait3A_85] : memref<4x128xi32, #tpu.memory_space<vmem>> -> memref<1x128xi32, #tpu.memory_space<vmem>>
    %dma_wait3A_87 = tpu.memref_squeeze %dma_wait3A_86 : memref<1x128xi32, #tpu.memory_space<vmem>> -> memref<128xi32, #tpu.memory_space<vmem>>
    %dma_wait3A_88 = arith.constant 0 : i32
    %dma_wait3A_89 = arith.constant 0 : i32
    %dma_wait3A_90 = tpu.memref_slice %arg2[%dma_wait3A_88, %dma_wait3A_89] : memref<100000x128xf32, #tpu.memory_space<hbm>> -> memref<100000x128xf32, #tpu.memory_space<hbm>>
    tpu.wait_indirect_dma semaphore(%arg19 : memref<!tpu.dma_semaphore, #tpu.memory_space<semaphore_mem>>) src(%dma_wait3A_90 : memref<100000x128xf32, #tpu.memory_space<hbm>>) dst(%dma_wait3A_84 : memref<128x128xf32, #tpu.memory_space<vmem>>)
    %dma_wait3A_91 = arith.constant 3 : i32
    %dma_wait3A_92 = arith.constant 384 : i32
    %dma_wait3A_93 = arith.constant 0 : i32
    %dma_wait3A_94 = tpu.memref_slice %arg16[%dma_wait3A_92, %dma_wait3A_93] : memref<512x128xf32, #tpu.memory_space<vmem>> -> memref<128x128xf32, #tpu.memory_space<vmem>>
    %dma_wait3A_95 = arith.constant 0 : i32
    %dma_wait3A_96 = tpu.memref_slice %arg10[%dma_wait3A_91, %dma_wait3A_95] : memref<4x128xi32, #tpu.memory_space<vmem>> -> memref<1x128xi32, #tpu.memory_space<vmem>>
    %dma_wait3A_97 = tpu.memref_squeeze %dma_wait3A_96 : memref<1x128xi32, #tpu.memory_space<vmem>> -> memref<128xi32, #tpu.memory_space<vmem>>
    %dma_wait3A_98 = arith.constant 0 : i32
    %dma_wait3A_99 = arith.constant 0 : i32
    %dma_wait3A_100 = tpu.memref_slice %arg2[%dma_wait3A_98, %dma_wait3A_99] : memref<100000x128xf32, #tpu.memory_space<hbm>> -> memref<100000x128xf32, #tpu.memory_space<hbm>>
    tpu.wait_indirect_dma semaphore(%arg19 : memref<!tpu.dma_semaphore, #tpu.memory_space<semaphore_mem>>) src(%dma_wait3A_100 : memref<100000x128xf32, #tpu.memory_space<hbm>>) dst(%dma_wait3A_94 : memref<128x128xf32, #tpu.memory_space<vmem>>)
    %dma_start3A_101 = arith.constant 0 : i32
    %dma_start3A_102 = tpu.memref_slice %arg6[%mul3A_2, %dma_start3A_101] : memref<16384x128xf32, #tpu.memory_space<hbm>> -> memref<512x128xf32, #tpu.memory_space<hbm>>
    %dma_start3A_103 = arith.constant 0 : i32
    %dma_start3A_104 = tpu.memref_slice %arg6[%mul3A_2, %dma_start3A_103] : memref<16384x128xf32, #tpu.memory_space<hbm>> -> memref<512x128xf32, #tpu.memory_space<hbm>>
    tpu.enqueue_dma source(%arg16 : memref<512x128xf32, #tpu.memory_space<vmem>>) target(%dma_start3A_104 : memref<512x128xf32, #tpu.memory_space<hbm>>) target_semaphore(%arg20 : memref<!tpu.dma_semaphore, #tpu.memory_space<semaphore_mem>>)
    %dma_wait3A_105 = tpu.memref_slice %arg9[%mul3A_4] : memref<102400xi32, #tpu.memory_space<vmem_shared>> -> memref<6400xi32, #tpu.memory_space<vmem_shared>>
    %dma_wait3A_106 = tpu.memref_slice %arg9[%mul3A_4] : memref<102400xi32, #tpu.memory_space<vmem_shared>> -> memref<6400xi32, #tpu.memory_space<vmem_shared>>
    tpu.wait_dma2 semaphore(%arg18 : memref<!tpu.dma_semaphore, #tpu.memory_space<semaphore_mem>>) src(%arg8 : memref<6400xi32, #tpu.memory_space<vmem>>) dst(%dma_wait3A_106 : memref<6400xi32, #tpu.memory_space<vmem_shared>>)
    %barrier3A = arith.constant 0 : index
    tpu.barrier barrier_id(%barrier3A)
    %dma_start3A_107 = arith.constant 0 : i32
    %dma_start3A_108 = arith.constant 0 : i32
    %dma_start3A_109 = arith.constant 0 : i32
    %dma_start3A_110 = arith.constant 0 : i32
    %dma_start3A_111 = tpu.memref_slice %arg11[%dma_start3A_108, %dma_start3A_110] : memref<4x128xi32, #tpu.memory_space<vmem>> -> memref<1x128xi32, #tpu.memory_space<vmem>>
    %dma_start3A_112 = tpu.memref_squeeze %dma_start3A_111 : memref<1x128xi32, #tpu.memory_space<vmem>> -> memref<128xi32, #tpu.memory_space<vmem>>
    %dma_start3A_113 = arith.constant 0 : i32
    %dma_start3A_114 = tpu.memref_slice %arg10[%dma_start3A_107, %dma_start3A_113] : memref<4x128xi32, #tpu.memory_space<vmem>> -> memref<1x128xi32, #tpu.memory_space<vmem>>
    %dma_start3A_115 = tpu.memref_squeeze %dma_start3A_114 : memref<1x128xi32, #tpu.memory_space<vmem>> -> memref<128xi32, #tpu.memory_space<vmem>>
    %dma_start3A_116 = arith.constant 0 : i32
    %dma_start3A_117 = tpu.memref_slice %arg9[%dma_start3A_116] : memref<102400xi32, #tpu.memory_space<vmem_shared>> -> memref<102400xi32, #tpu.memory_space<vmem_shared>>
    %dma_start3A_118 = tpu.memref_slice %arg21[%dma_start3A_109] : memref<4x!tpu.dma_semaphore, #tpu.memory_space<semaphore_mem>> -> memref<1x!tpu.dma_semaphore, #tpu.memory_space<semaphore_mem>>
    %dma_start3A_119 = tpu.memref_squeeze %dma_start3A_118 : memref<1x!tpu.dma_semaphore, #tpu.memory_space<semaphore_mem>> -> memref<!tpu.dma_semaphore, #tpu.memory_space<semaphore_mem>>
    tpu.enqueue_indirect_dma source(%dma_start3A_117 : memref<102400xi32, #tpu.memory_space<vmem_shared>>) target(%dma_start3A_112 : memref<128xi32, #tpu.memory_space<vmem>>) offsets(%dma_start3A_115 : memref<128xi32, #tpu.memory_space<vmem>>) semaphore(%dma_start3A_119 : memref<!tpu.dma_semaphore, #tpu.memory_space<semaphore_mem>>)
    %dma_start3A_120 = arith.constant 1 : i32
    %dma_start3A_121 = arith.constant 1 : i32
    %dma_start3A_122 = arith.constant 1 : i32
    %dma_start3A_123 = arith.constant 0 : i32
    %dma_start3A_124 = tpu.memref_slice %arg11[%dma_start3A_121, %dma_start3A_123] : memref<4x128xi32, #tpu.memory_space<vmem>> -> memref<1x128xi32, #tpu.memory_space<vmem>>
    %dma_start3A_125 = tpu.memref_squeeze %dma_start3A_124 : memref<1x128xi32, #tpu.memory_space<vmem>> -> memref<128xi32, #tpu.memory_space<vmem>>
    %dma_start3A_126 = arith.constant 0 : i32
    %dma_start3A_127 = tpu.memref_slice %arg10[%dma_start3A_120, %dma_start3A_126] : memref<4x128xi32, #tpu.memory_space<vmem>> -> memref<1x128xi32, #tpu.memory_space<vmem>>
    %dma_start3A_128 = tpu.memref_squeeze %dma_start3A_127 : memref<1x128xi32, #tpu.memory_space<vmem>> -> memref<128xi32, #tpu.memory_space<vmem>>
    %dma_start3A_129 = arith.constant 0 : i32
    %dma_start3A_130 = tpu.memref_slice %arg9[%dma_start3A_129] : memref<102400xi32, #tpu.memory_space<vmem_shared>> -> memref<102400xi32, #tpu.memory_space<vmem_shared>>
    %dma_start3A_131 = tpu.memref_slice %arg21[%dma_start3A_122] : memref<4x!tpu.dma_semaphore, #tpu.memory_space<semaphore_mem>> -> memref<1x!tpu.dma_semaphore, #tpu.memory_space<semaphore_mem>>
    %dma_start3A_132 = tpu.memref_squeeze %dma_start3A_131 : memref<1x!tpu.dma_semaphore, #tpu.memory_space<semaphore_mem>> -> memref<!tpu.dma_semaphore, #tpu.memory_space<semaphore_mem>>
    tpu.enqueue_indirect_dma source(%dma_start3A_130 : memref<102400xi32, #tpu.memory_space<vmem_shared>>) target(%dma_start3A_125 : memref<128xi32, #tpu.memory_space<vmem>>) offsets(%dma_start3A_128 : memref<128xi32, #tpu.memory_space<vmem>>) semaphore(%dma_start3A_132 : memref<!tpu.dma_semaphore, #tpu.memory_space<semaphore_mem>>)
    %dma_start3A_133 = arith.constant 2 : i32
    %dma_start3A_134 = arith.constant 2 : i32
    %dma_start3A_135 = arith.constant 2 : i32
    %dma_start3A_136 = arith.constant 0 : i32
    %dma_start3A_137 = tpu.memref_slice %arg11[%dma_start3A_134, %dma_start3A_136] : memref<4x128xi32, #tpu.memory_space<vmem>> -> memref<1x128xi32, #tpu.memory_space<vmem>>
    %dma_start3A_138 = tpu.memref_squeeze %dma_start3A_137 : memref<1x128xi32, #tpu.memory_space<vmem>> -> memref<128xi32, #tpu.memory_space<vmem>>
    %dma_start3A_139 = arith.constant 0 : i32
    %dma_start3A_140 = tpu.memref_slice %arg10[%dma_start3A_133, %dma_start3A_139] : memref<4x128xi32, #tpu.memory_space<vmem>> -> memref<1x128xi32, #tpu.memory_space<vmem>>
    %dma_start3A_141 = tpu.memref_squeeze %dma_start3A_140 : memref<1x128xi32, #tpu.memory_space<vmem>> -> memref<128xi32, #tpu.memory_space<vmem>>
    %dma_start3A_142 = arith.constant 0 : i32
    %dma_start3A_143 = tpu.memref_slice %arg9[%dma_start3A_142] : memref<102400xi32, #tpu.memory_space<vmem_shared>> -> memref<102400xi32, #tpu.memory_space<vmem_shared>>
    %dma_start3A_144 = tpu.memref_slice %arg21[%dma_start3A_135] : memref<4x!tpu.dma_semaphore, #tpu.memory_space<semaphore_mem>> -> memref<1x!tpu.dma_semaphore, #tpu.memory_space<semaphore_mem>>
    %dma_start3A_145 = tpu.memref_squeeze %dma_start3A_144 : memref<1x!tpu.dma_semaphore, #tpu.memory_space<semaphore_mem>> -> memref<!tpu.dma_semaphore, #tpu.memory_space<semaphore_mem>>
    tpu.enqueue_indirect_dma source(%dma_start3A_143 : memref<102400xi32, #tpu.memory_space<vmem_shared>>) target(%dma_start3A_138 : memref<128xi32, #tpu.memory_space<vmem>>) offsets(%dma_start3A_141 : memref<128xi32, #tpu.memory_space<vmem>>) semaphore(%dma_start3A_145 : memref<!tpu.dma_semaphore, #tpu.memory_space<semaphore_mem>>)
    %dma_start3A_146 = arith.constant 3 : i32
    %dma_start3A_147 = arith.constant 3 : i32
    %dma_start3A_148 = arith.constant 3 : i32
    %dma_start3A_149 = arith.constant 0 : i32
    %dma_start3A_150 = tpu.memref_slice %arg11[%dma_start3A_147, %dma_start3A_149] : memref<4x128xi32, #tpu.memory_space<vmem>> -> memref<1x128xi32, #tpu.memory_space<vmem>>
    %dma_start3A_151 = tpu.memref_squeeze %dma_start3A_150 : memref<1x128xi32, #tpu.memory_space<vmem>> -> memref<128xi32, #tpu.memory_space<vmem>>
    %dma_start3A_152 = arith.constant 0 : i32
    %dma_start3A_153 = tpu.memref_slice %arg10[%dma_start3A_146, %dma_start3A_152] : memref<4x128xi32, #tpu.memory_space<vmem>> -> memref<1x128xi32, #tpu.memory_space<vmem>>
    %dma_start3A_154 = tpu.memref_squeeze %dma_start3A_153 : memref<1x128xi32, #tpu.memory_space<vmem>> -> memref<128xi32, #tpu.memory_space<vmem>>
    %dma_start3A_155 = arith.constant 0 : i32
    %dma_start3A_156 = tpu.memref_slice %arg9[%dma_start3A_155] : memref<102400xi32, #tpu.memory_space<vmem_shared>> -> memref<102400xi32, #tpu.memory_space<vmem_shared>>
    %dma_start3A_157 = tpu.memref_slice %arg21[%dma_start3A_148] : memref<4x!tpu.dma_semaphore, #tpu.memory_space<semaphore_mem>> -> memref<1x!tpu.dma_semaphore, #tpu.memory_space<semaphore_mem>>
    %dma_start3A_158 = tpu.memref_squeeze %dma_start3A_157 : memref<1x!tpu.dma_semaphore, #tpu.memory_space<semaphore_mem>> -> memref<!tpu.dma_semaphore, #tpu.memory_space<semaphore_mem>>
    tpu.enqueue_indirect_dma source(%dma_start3A_156 : memref<102400xi32, #tpu.memory_space<vmem_shared>>) target(%dma_start3A_151 : memref<128xi32, #tpu.memory_space<vmem>>) offsets(%dma_start3A_154 : memref<128xi32, #tpu.memory_space<vmem>>) semaphore(%dma_start3A_158 : memref<!tpu.dma_semaphore, #tpu.memory_space<semaphore_mem>>)
    %dma_wait3A_159 = arith.constant 0 : i32
    %dma_wait3A_160 = arith.constant 0 : i32
    %dma_wait3A_161 = arith.constant 0 : i32
    %dma_wait3A_162 = arith.constant 0 : i32
    %dma_wait3A_163 = tpu.memref_slice %arg11[%dma_wait3A_160, %dma_wait3A_162] : memref<4x128xi32, #tpu.memory_space<vmem>> -> memref<1x128xi32, #tpu.memory_space<vmem>>
    %dma_wait3A_164 = tpu.memref_squeeze %dma_wait3A_163 : memref<1x128xi32, #tpu.memory_space<vmem>> -> memref<128xi32, #tpu.memory_space<vmem>>
    %dma_wait3A_165 = arith.constant 0 : i32
    %dma_wait3A_166 = tpu.memref_slice %arg10[%dma_wait3A_159, %dma_wait3A_165] : memref<4x128xi32, #tpu.memory_space<vmem>> -> memref<1x128xi32, #tpu.memory_space<vmem>>
    %dma_wait3A_167 = tpu.memref_squeeze %dma_wait3A_166 : memref<1x128xi32, #tpu.memory_space<vmem>> -> memref<128xi32, #tpu.memory_space<vmem>>
    %dma_wait3A_168 = arith.constant 0 : i32
    %dma_wait3A_169 = tpu.memref_slice %arg9[%dma_wait3A_168] : memref<102400xi32, #tpu.memory_space<vmem_shared>> -> memref<102400xi32, #tpu.memory_space<vmem_shared>>
    %dma_wait3A_170 = tpu.memref_slice %arg21[%dma_wait3A_161] : memref<4x!tpu.dma_semaphore, #tpu.memory_space<semaphore_mem>> -> memref<1x!tpu.dma_semaphore, #tpu.memory_space<semaphore_mem>>
    %dma_wait3A_171 = tpu.memref_squeeze %dma_wait3A_170 : memref<1x!tpu.dma_semaphore, #tpu.memory_space<semaphore_mem>> -> memref<!tpu.dma_semaphore, #tpu.memory_space<semaphore_mem>>
    tpu.wait_indirect_dma semaphore(%dma_wait3A_171 : memref<!tpu.dma_semaphore, #tpu.memory_space<semaphore_mem>>) src(%dma_wait3A_169 : memref<102400xi32, #tpu.memory_space<vmem_shared>>) dst(%dma_wait3A_164 : memref<128xi32, #tpu.memory_space<vmem>>)
    %get3A = arith.constant 0 : i32
    %get3A_172 = arith.index_cast %get3A : i32 to index
    %get3A_173 = arith.constant 0 : index
    %get3A_174 = tpu.vector_load %arg11[%get3A_172, %get3A_173] {strides = array<i32>} : memref<4x128xi32, #tpu.memory_space<vmem>>, vector<16xi32>,
    %get3A_175 = arith.constant 0 : i32
    %get3A_176 = arith.index_cast %get3A_175 : i32 to index
    %get3A_177 = arith.constant 16 : index
    %get3A_178 = tpu.vector_load %arg11[%get3A_176, %get3A_177] {strides = array<i32>} : memref<4x128xi32, #tpu.memory_space<vmem>>, vector<16xi32>,
    %get3A_179 = arith.constant 0 : i32
    %get3A_180 = arith.index_cast %get3A_179 : i32 to index
    %get3A_181 = arith.constant 32 : index
    %get3A_182 = tpu.vector_load %arg11[%get3A_180, %get3A_181] {strides = array<i32>} : memref<4x128xi32, #tpu.memory_space<vmem>>, vector<16xi32>,
    %get3A_183 = arith.constant 0 : i32
    %get3A_184 = arith.index_cast %get3A_183 : i32 to index
    %get3A_185 = arith.constant 48 : index
    %get3A_186 = tpu.vector_load %arg11[%get3A_184, %get3A_185] {strides = array<i32>} : memref<4x128xi32, #tpu.memory_space<vmem>>, vector<16xi32>,
    %get3A_187 = arith.constant 0 : i32
    %get3A_188 = arith.index_cast %get3A_187 : i32 to index
    %get3A_189 = arith.constant 64 : index
    %get3A_190 = tpu.vector_load %arg11[%get3A_188, %get3A_189] {strides = array<i32>} : memref<4x128xi32, #tpu.memory_space<vmem>>, vector<16xi32>,
    %get3A_191 = arith.constant 0 : i32
    %get3A_192 = arith.index_cast %get3A_191 : i32 to index
    %get3A_193 = arith.constant 80 : index
    %get3A_194 = tpu.vector_load %arg11[%get3A_192, %get3A_193] {strides = array<i32>} : memref<4x128xi32, #tpu.memory_space<vmem>>, vector<16xi32>,
    %get3A_195 = arith.constant 0 : i32
    %get3A_196 = arith.index_cast %get3A_195 : i32 to index
    %get3A_197 = arith.constant 96 : index
    %get3A_198 = tpu.vector_load %arg11[%get3A_196, %get3A_197] {strides = array<i32>} : memref<4x128xi32, #tpu.memory_space<vmem>>, vector<16xi32>,
    %get3A_199 = arith.constant 0 : i32
    %get3A_200 = arith.index_cast %get3A_199 : i32 to index
    %get3A_201 = arith.constant 112 : index
    %get3A_202 = tpu.vector_load %arg11[%get3A_200, %get3A_201] {strides = array<i32>} : memref<4x128xi32, #tpu.memory_space<vmem>>, vector<16xi32>,
    %ge3A = arith.constant 0 : i32
    %ge3A_203 = vector.broadcast %ge3A : i32 to vector<16xi32>
    %ge3A_204 = arith.cmpi sge, %get3A_174, %ge3A_203 : vector<16xi32>
    %ge3A_205 = arith.constant 0 : i32
    %ge3A_206 = vector.broadcast %ge3A_205 : i32 to vector<16xi32>
    %ge3A_207 = arith.cmpi sge, %get3A_178, %ge3A_206 : vector<16xi32>
    %ge3A_208 = arith.constant 0 : i32
    %ge3A_209 = vector.broadcast %ge3A_208 : i32 to vector<16xi32>
    %ge3A_210 = arith.cmpi sge, %get3A_182, %ge3A_209 : vector<16xi32>
    %ge3A_211 = arith.constant 0 : i32
    %ge3A_212 = vector.broadcast %ge3A_211 : i32 to vector<16xi32>
    %ge3A_213 = arith.cmpi sge, %get3A_186, %ge3A_212 : vector<16xi32>
    %ge3A_214 = arith.constant 0 : i32
    %ge3A_215 = vector.broadcast %ge3A_214 : i32 to vector<16xi32>
    %ge3A_216 = arith.cmpi sge, %get3A_190, %ge3A_215 : vector<16xi32>
    %ge3A_217 = arith.constant 0 : i32
    %ge3A_218 = vector.broadcast %ge3A_217 : i32 to vector<16xi32>
    %ge3A_219 = arith.cmpi sge, %get3A_194, %ge3A_218 : vector<16xi32>
    %ge3A_220 = arith.constant 0 : i32
    %ge3A_221 = vector.broadcast %ge3A_220 : i32 to vector<16xi32>
    %ge3A_222 = arith.cmpi sge, %get3A_198, %ge3A_221 : vector<16xi32>
    %ge3A_223 = arith.constant 0 : i32
    %ge3A_224 = vector.broadcast %ge3A_223 : i32 to vector<16xi32>
    %ge3A_225 = arith.cmpi sge, %get3A_202, %ge3A_224 : vector<16xi32>
    %jit3A = arith.constant 1 : i32
    %jit3A_226 = arith.constant 0 : i32
    %broadcast_in_dim3A_227 = vector.broadcast %jit3A : i32 to vector<16xi32>
    %broadcast_in_dim3A_228 = vector.broadcast %jit3A_226 : i32 to vector<16xi32>
    %select_n3A = arith.select %ge3A_204, %broadcast_in_dim3A_227, %broadcast_in_dim3A_228 : vector<16xi1>, vector<16xi32>
    %jit3A_229 = arith.constant 1 : i32
    %jit3A_230 = arith.constant 0 : i32
    %broadcast_in_dim3A_231 = vector.broadcast %jit3A_229 : i32 to vector<16xi32>
    %broadcast_in_dim3A_232 = vector.broadcast %jit3A_230 : i32 to vector<16xi32>
    %select_n3A_233 = arith.select %ge3A_207, %broadcast_in_dim3A_231, %broadcast_in_dim3A_232 : vector<16xi1>, vector<16xi32>
    %jit3A_234 = arith.constant 1 : i32
    %jit3A_235 = arith.constant 0 : i32
    %broadcast_in_dim3A_236 = vector.broadcast %jit3A_234 : i32 to vector<16xi32>
    %broadcast_in_dim3A_237 = vector.broadcast %jit3A_235 : i32 to vector<16xi32>
    %select_n3A_238 = arith.select %ge3A_210, %broadcast_in_dim3A_236, %broadcast_in_dim3A_237 : vector<16xi1>, vector<16xi32>
    %jit3A_239 = arith.constant 1 : i32
    %jit3A_240 = arith.constant 0 : i32
    %broadcast_in_dim3A_241 = vector.broadcast %jit3A_239 : i32 to vector<16xi32>
    %broadcast_in_dim3A_242 = vector.broadcast %jit3A_240 : i32 to vector<16xi32>
    %select_n3A_243 = arith.select %ge3A_213, %broadcast_in_dim3A_241, %broadcast_in_dim3A_242 : vector<16xi1>, vector<16xi32>
    %jit3A_244 = arith.constant 1 : i32
    %jit3A_245 = arith.constant 0 : i32
    %broadcast_in_dim3A_246 = vector.broadcast %jit3A_244 : i32 to vector<16xi32>
    %broadcast_in_dim3A_247 = vector.broadcast %jit3A_245 : i32 to vector<16xi32>
    %select_n3A_248 = arith.select %ge3A_216, %broadcast_in_dim3A_246, %broadcast_in_dim3A_247 : vector<16xi1>, vector<16xi32>
    %jit3A_249 = arith.constant 1 : i32
    %jit3A_250 = arith.constant 0 : i32
    %broadcast_in_dim3A_251 = vector.broadcast %jit3A_249 : i32 to vector<16xi32>
    %broadcast_in_dim3A_252 = vector.broadcast %jit3A_250 : i32 to vector<16xi32>
    %select_n3A_253 = arith.select %ge3A_219, %broadcast_in_dim3A_251, %broadcast_in_dim3A_252 : vector<16xi1>, vector<16xi32>
    %jit3A_254 = arith.constant 1 : i32
    %jit3A_255 = arith.constant 0 : i32
    %broadcast_in_dim3A_256 = vector.broadcast %jit3A_254 : i32 to vector<16xi32>
    %broadcast_in_dim3A_257 = vector.broadcast %jit3A_255 : i32 to vector<16xi32>
    %select_n3A_258 = arith.select %ge3A_222, %broadcast_in_dim3A_256, %broadcast_in_dim3A_257 : vector<16xi1>, vector<16xi32>
    %jit3A_259 = arith.constant 1 : i32
    %jit3A_260 = arith.constant 0 : i32
    %broadcast_in_dim3A_261 = vector.broadcast %jit3A_259 : i32 to vector<16xi32>
    %broadcast_in_dim3A_262 = vector.broadcast %jit3A_260 : i32 to vector<16xi32>
    %select_n3A_263 = arith.select %ge3A_225, %broadcast_in_dim3A_261, %broadcast_in_dim3A_262 : vector<16xi1>, vector<16xi32>
    %broadcast_in_dim3A_264 = arith.constant true
    %broadcast_in_dim3A_265 = vector.broadcast %broadcast_in_dim3A_264 : i1 to vector<16xi1>
    %masked_cumsum3A = tpu.scan <sum>, %select_n3A masked %broadcast_in_dim3A_265 : vector<16xi32>, vector<16xi1> -> vector<16xi32>
    %broadcast_in_dim3A_266 = arith.constant true
    %broadcast_in_dim3A_267 = vector.broadcast %broadcast_in_dim3A_266 : i1 to vector<16xi1>
    %masked_cumsum3A_268 = tpu.scan <sum>, %select_n3A_233 masked %broadcast_in_dim3A_267 : vector<16xi32>, vector<16xi1> -> vector<16xi32>
    %broadcast_in_dim3A_269 = arith.constant true
    %broadcast_in_dim3A_270 = vector.broadcast %broadcast_in_dim3A_269 : i1 to vector<16xi1>
    %masked_cumsum3A_271 = tpu.scan <sum>, %select_n3A_238 masked %broadcast_in_dim3A_270 : vector<16xi32>, vector<16xi1> -> vector<16xi32>
    %broadcast_in_dim3A_272 = arith.constant true
    %broadcast_in_dim3A_273 = vector.broadcast %broadcast_in_dim3A_272 : i1 to vector<16xi1>
    %masked_cumsum3A_274 = tpu.scan <sum>, %select_n3A_243 masked %broadcast_in_dim3A_273 : vector<16xi32>, vector<16xi1> -> vector<16xi32>
    %broadcast_in_dim3A_275 = arith.constant true
    %broadcast_in_dim3A_276 = vector.broadcast %broadcast_in_dim3A_275 : i1 to vector<16xi1>
    %masked_cumsum3A_277 = tpu.scan <sum>, %select_n3A_248 masked %broadcast_in_dim3A_276 : vector<16xi32>, vector<16xi1> -> vector<16xi32>
    %broadcast_in_dim3A_278 = arith.constant true
    %broadcast_in_dim3A_279 = vector.broadcast %broadcast_in_dim3A_278 : i1 to vector<16xi1>
    %masked_cumsum3A_280 = tpu.scan <sum>, %select_n3A_253 masked %broadcast_in_dim3A_279 : vector<16xi32>, vector<16xi1> -> vector<16xi32>
    %broadcast_in_dim3A_281 = arith.constant true
    %broadcast_in_dim3A_282 = vector.broadcast %broadcast_in_dim3A_281 : i1 to vector<16xi1>
    %masked_cumsum3A_283 = tpu.scan <sum>, %select_n3A_258 masked %broadcast_in_dim3A_282 : vector<16xi32>, vector<16xi1> -> vector<16xi32>
    %broadcast_in_dim3A_284 = arith.constant true
    %broadcast_in_dim3A_285 = vector.broadcast %broadcast_in_dim3A_284 : i1 to vector<16xi1>
    %masked_cumsum3A_286 = tpu.scan <sum>, %select_n3A_263 masked %broadcast_in_dim3A_285 : vector<16xi32>, vector<16xi1> -> vector<16xi32>
    %reduce_sum3A = arith.constant true
    %reduce_sum3A_287 = vector.broadcast %reduce_sum3A : i1 to vector<16xi1>
    %reduce_sum3A_288 = tpu.scan <sum>, %select_n3A masked %reduce_sum3A_287 : vector<16xi32>, vector<16xi1> -> vector<16xi32>
    %reduce_sum3A_289 = vector.extract %reduce_sum3A_288[15] : i32 from vector<16xi32>
    %reduce_sum3A_290 = arith.constant true
    %reduce_sum3A_291 = vector.broadcast %reduce_sum3A_290 : i1 to vector<16xi1>
    %reduce_sum3A_292 = tpu.scan <sum>, %select_n3A_233 masked %reduce_sum3A_291 : vector<16xi32>, vector<16xi1> -> vector<16xi32>
    %reduce_sum3A_293 = vector.extract %reduce_sum3A_292[15] : i32 from vector<16xi32>
    %reduce_sum3A_294 = arith.constant true
    %reduce_sum3A_295 = vector.broadcast %reduce_sum3A_294 : i1 to vector<16xi1>
    %reduce_sum3A_296 = tpu.scan <sum>, %select_n3A_238 masked %reduce_sum3A_295 : vector<16xi32>, vector<16xi1> -> vector<16xi32>
    %reduce_sum3A_297 = vector.extract %reduce_sum3A_296[15] : i32 from vector<16xi32>
    %reduce_sum3A_298 = arith.constant true
    %reduce_sum3A_299 = vector.broadcast %reduce_sum3A_298 : i1 to vector<16xi1>
    %reduce_sum3A_300 = tpu.scan <sum>, %select_n3A_243 masked %reduce_sum3A_299 : vector<16xi32>, vector<16xi1> -> vector<16xi32>
    %reduce_sum3A_301 = vector.extract %reduce_sum3A_300[15] : i32 from vector<16xi32>
    %reduce_sum3A_302 = arith.constant true
    %reduce_sum3A_303 = vector.broadcast %reduce_sum3A_302 : i1 to vector<16xi1>
    %reduce_sum3A_304 = tpu.scan <sum>, %select_n3A_248 masked %reduce_sum3A_303 : vector<16xi32>, vector<16xi1> -> vector<16xi32>
    %reduce_sum3A_305 = vector.extract %reduce_sum3A_304[15] : i32 from vector<16xi32>
    %reduce_sum3A_306 = arith.constant true
    %reduce_sum3A_307 = vector.broadcast %reduce_sum3A_306 : i1 to vector<16xi1>
    %reduce_sum3A_308 = tpu.scan <sum>, %select_n3A_253 masked %reduce_sum3A_307 : vector<16xi32>, vector<16xi1> -> vector<16xi32>
    %reduce_sum3A_309 = vector.extract %reduce_sum3A_308[15] : i32 from vector<16xi32>
    %reduce_sum3A_310 = arith.constant true
    %reduce_sum3A_311 = vector.broadcast %reduce_sum3A_310 : i1 to vector<16xi1>
    %reduce_sum3A_312 = tpu.scan <sum>, %select_n3A_258 masked %reduce_sum3A_311 : vector<16xi32>, vector<16xi1> -> vector<16xi32>
    %reduce_sum3A_313 = vector.extract %reduce_sum3A_312[15] : i32 from vector<16xi32>
    %reduce_sum3A_314 = arith.constant true
    %reduce_sum3A_315 = vector.broadcast %reduce_sum3A_314 : i1 to vector<16xi1>
    %reduce_sum3A_316 = tpu.scan <sum>, %select_n3A_263 masked %reduce_sum3A_315 : vector<16xi32>, vector<16xi1> -> vector<16xi32>
    %reduce_sum3A_317 = vector.extract %reduce_sum3A_316[15] : i32 from vector<16xi32>
    %add3A_318 = arith.constant 0 : i32
    %add3A_319 = arith.addi %mul3A_2, %add3A_318 : i32
    %broadcast_in_dim3A_320 = vector.broadcast %add3A_319 : i32 to vector<16xi32>
    %add3A_321 = arith.addi %broadcast_in_dim3A_320, %iota3A : vector<16xi32>
    %sub3A = arith.constant 1 : i32
    %sub3A_322 = vector.broadcast %sub3A : i32 to vector<16xi32>
    %sub3A_323 = arith.subi %masked_cumsum3A, %sub3A_322 : vector<16xi32>
    %add3A_324 = arith.constant 0 : i32
    %add3A_325 = vector.broadcast %add3A_324 : i32 to vector<16xi32>
    %add3A_326 = arith.addi %sub3A_323, %add3A_325 : vector<16xi32>
    tpu.vector_store_idx %arg12[%add3A_326], %get3A_174 masked %ge3A_204 : memref<512xi32, #tpu.memory_space<vmem>>[vector<16xi32>], vector<16xi32>, vector<16xi1>
    tpu.vector_store_idx %arg13[%add3A_326], %add3A_321 masked %ge3A_204 : memref<512xi32, #tpu.memory_space<vmem>>[vector<16xi32>], vector<16xi32>, vector<16xi1>
    %add3A_327 = arith.constant 0 : i32
    %add3A_328 = arith.addi %add3A_327, %reduce_sum3A_289 : i32
    %add3A_329 = arith.constant 16 : i32
    %add3A_330 = arith.addi %mul3A_2, %add3A_329 : i32
    %broadcast_in_dim3A_331 = vector.broadcast %add3A_330 : i32 to vector<16xi32>
    %add3A_332 = arith.addi %broadcast_in_dim3A_331, %iota3A : vector<16xi32>
    %sub3A_333 = arith.constant 1 : i32
    %sub3A_334 = vector.broadcast %sub3A_333 : i32 to vector<16xi32>
    %sub3A_335 = arith.subi %masked_cumsum3A_268, %sub3A_334 : vector<16xi32>
    %add3A_336 = vector.broadcast %add3A_328 : i32 to vector<16xi32>
    %add3A_337 = arith.addi %sub3A_335, %add3A_336 : vector<16xi32>
    tpu.vector_store_idx %arg12[%add3A_337], %get3A_178 masked %ge3A_207 : memref<512xi32, #tpu.memory_space<vmem>>[vector<16xi32>], vector<16xi32>, vector<16xi1>
    tpu.vector_store_idx %arg13[%add3A_337], %add3A_332 masked %ge3A_207 : memref<512xi32, #tpu.memory_space<vmem>>[vector<16xi32>], vector<16xi32>, vector<16xi1>
    %add3A_338 = arith.addi %add3A_328, %reduce_sum3A_293 : i32
    %add3A_339 = arith.constant 32 : i32
    %add3A_340 = arith.addi %mul3A_2, %add3A_339 : i32
    %broadcast_in_dim3A_341 = vector.broadcast %add3A_340 : i32 to vector<16xi32>
    %add3A_342 = arith.addi %broadcast_in_dim3A_341, %iota3A : vector<16xi32>
    %sub3A_343 = arith.constant 1 : i32
    %sub3A_344 = vector.broadcast %sub3A_343 : i32 to vector<16xi32>
    %sub3A_345 = arith.subi %masked_cumsum3A_271, %sub3A_344 : vector<16xi32>
    %add3A_346 = vector.broadcast %add3A_338 : i32 to vector<16xi32>
    %add3A_347 = arith.addi %sub3A_345, %add3A_346 : vector<16xi32>
    tpu.vector_store_idx %arg12[%add3A_347], %get3A_182 masked %ge3A_210 : memref<512xi32, #tpu.memory_space<vmem>>[vector<16xi32>], vector<16xi32>, vector<16xi1>
    tpu.vector_store_idx %arg13[%add3A_347], %add3A_342 masked %ge3A_210 : memref<512xi32, #tpu.memory_space<vmem>>[vector<16xi32>], vector<16xi32>, vector<16xi1>
    %add3A_348 = arith.addi %add3A_338, %reduce_sum3A_297 : i32
    %add3A_349 = arith.constant 48 : i32
    %add3A_350 = arith.addi %mul3A_2, %add3A_349 : i32
    %broadcast_in_dim3A_351 = vector.broadcast %add3A_350 : i32 to vector<16xi32>
    %add3A_352 = arith.addi %broadcast_in_dim3A_351, %iota3A : vector<16xi32>
    %sub3A_353 = arith.constant 1 : i32
    %sub3A_354 = vector.broadcast %sub3A_353 : i32 to vector<16xi32>
    %sub3A_355 = arith.subi %masked_cumsum3A_274, %sub3A_354 : vector<16xi32>
    %add3A_356 = vector.broadcast %add3A_348 : i32 to vector<16xi32>
    %add3A_357 = arith.addi %sub3A_355, %add3A_356 : vector<16xi32>
    tpu.vector_store_idx %arg12[%add3A_357], %get3A_186 masked %ge3A_213 : memref<512xi32, #tpu.memory_space<vmem>>[vector<16xi32>], vector<16xi32>, vector<16xi1>
    tpu.vector_store_idx %arg13[%add3A_357], %add3A_352 masked %ge3A_213 : memref<512xi32, #tpu.memory_space<vmem>>[vector<16xi32>], vector<16xi32>, vector<16xi1>
    %add3A_358 = arith.addi %add3A_348, %reduce_sum3A_301 : i32
    %add3A_359 = arith.constant 64 : i32
    %add3A_360 = arith.addi %mul3A_2, %add3A_359 : i32
    %broadcast_in_dim3A_361 = vector.broadcast %add3A_360 : i32 to vector<16xi32>
    %add3A_362 = arith.addi %broadcast_in_dim3A_361, %iota3A : vector<16xi32>
    %sub3A_363 = arith.constant 1 : i32
    %sub3A_364 = vector.broadcast %sub3A_363 : i32 to vector<16xi32>
    %sub3A_365 = arith.subi %masked_cumsum3A_277, %sub3A_364 : vector<16xi32>
    %add3A_366 = vector.broadcast %add3A_358 : i32 to vector<16xi32>
    %add3A_367 = arith.addi %sub3A_365, %add3A_366 : vector<16xi32>
    tpu.vector_store_idx %arg12[%add3A_367], %get3A_190 masked %ge3A_216 : memref<512xi32, #tpu.memory_space<vmem>>[vector<16xi32>], vector<16xi32>, vector<16xi1>
    tpu.vector_store_idx %arg13[%add3A_367], %add3A_362 masked %ge3A_216 : memref<512xi32, #tpu.memory_space<vmem>>[vector<16xi32>], vector<16xi32>, vector<16xi1>
    %add3A_368 = arith.addi %add3A_358, %reduce_sum3A_305 : i32
    %add3A_369 = arith.constant 80 : i32
    %add3A_370 = arith.addi %mul3A_2, %add3A_369 : i32
    %broadcast_in_dim3A_371 = vector.broadcast %add3A_370 : i32 to vector<16xi32>
    %add3A_372 = arith.addi %broadcast_in_dim3A_371, %iota3A : vector<16xi32>
    %sub3A_373 = arith.constant 1 : i32
    %sub3A_374 = vector.broadcast %sub3A_373 : i32 to vector<16xi32>
    %sub3A_375 = arith.subi %masked_cumsum3A_280, %sub3A_374 : vector<16xi32>
    %add3A_376 = vector.broadcast %add3A_368 : i32 to vector<16xi32>
    %add3A_377 = arith.addi %sub3A_375, %add3A_376 : vector<16xi32>
    tpu.vector_store_idx %arg12[%add3A_377], %get3A_194 masked %ge3A_219 : memref<512xi32, #tpu.memory_space<vmem>>[vector<16xi32>], vector<16xi32>, vector<16xi1>
    tpu.vector_store_idx %arg13[%add3A_377], %add3A_372 masked %ge3A_219 : memref<512xi32, #tpu.memory_space<vmem>>[vector<16xi32>], vector<16xi32>, vector<16xi1>
    %add3A_378 = arith.addi %add3A_368, %reduce_sum3A_309 : i32
    %add3A_379 = arith.constant 96 : i32
    %add3A_380 = arith.addi %mul3A_2, %add3A_379 : i32
    %broadcast_in_dim3A_381 = vector.broadcast %add3A_380 : i32 to vector<16xi32>
    %add3A_382 = arith.addi %broadcast_in_dim3A_381, %iota3A : vector<16xi32>
    %sub3A_383 = arith.constant 1 : i32
    %sub3A_384 = vector.broadcast %sub3A_383 : i32 to vector<16xi32>
    %sub3A_385 = arith.subi %masked_cumsum3A_283, %sub3A_384 : vector<16xi32>
    %add3A_386 = vector.broadcast %add3A_378 : i32 to vector<16xi32>
    %add3A_387 = arith.addi %sub3A_385, %add3A_386 : vector<16xi32>
    tpu.vector_store_idx %arg12[%add3A_387], %get3A_198 masked %ge3A_222 : memref<512xi32, #tpu.memory_space<vmem>>[vector<16xi32>], vector<16xi32>, vector<16xi1>
    tpu.vector_store_idx %arg13[%add3A_387], %add3A_382 masked %ge3A_222 : memref<512xi32, #tpu.memory_space<vmem>>[vector<16xi32>], vector<16xi32>, vector<16xi1>
    %add3A_388 = arith.addi %add3A_378, %reduce_sum3A_313 : i32
    %add3A_389 = arith.constant 112 : i32
    %add3A_390 = arith.addi %mul3A_2, %add3A_389 : i32
    %broadcast_in_dim3A_391 = vector.broadcast %add3A_390 : i32 to vector<16xi32>
    %add3A_392 = arith.addi %broadcast_in_dim3A_391, %iota3A : vector<16xi32>
    %sub3A_393 = arith.constant 1 : i32
    %sub3A_394 = vector.broadcast %sub3A_393 : i32 to vector<16xi32>
    %sub3A_395 = arith.subi %masked_cumsum3A_286, %sub3A_394 : vector<16xi32>
    %add3A_396 = vector.broadcast %add3A_388 : i32 to vector<16xi32>
    %add3A_397 = arith.addi %sub3A_395, %add3A_396 : vector<16xi32>
    tpu.vector_store_idx %arg12[%add3A_397], %get3A_202 masked %ge3A_225 : memref<512xi32, #tpu.memory_space<vmem>>[vector<16xi32>], vector<16xi32>, vector<16xi1>
    tpu.vector_store_idx %arg13[%add3A_397], %add3A_392 masked %ge3A_225 : memref<512xi32, #tpu.memory_space<vmem>>[vector<16xi32>], vector<16xi32>, vector<16xi1>
    %add3A_398 = arith.addi %add3A_388, %reduce_sum3A_317 : i32
    %dma_wait3A_399 = arith.constant 1 : i32
    %dma_wait3A_400 = arith.constant 1 : i32
    %dma_wait3A_401 = arith.constant 1 : i32
    %dma_wait3A_402 = arith.constant 0 : i32
    %dma_wait3A_403 = tpu.memref_slice %arg11[%dma_wait3A_400, %dma_wait3A_402] : memref<4x128xi32, #tpu.memory_space<vmem>> -> memref<1x128xi32, #tpu.memory_space<vmem>>
    %dma_wait3A_404 = tpu.memref_squeeze %dma_wait3A_403 : memref<1x128xi32, #tpu.memory_space<vmem>> -> memref<128xi32, #tpu.memory_space<vmem>>
    %dma_wait3A_405 = arith.constant 0 : i32
    %dma_wait3A_406 = tpu.memref_slice %arg10[%dma_wait3A_399, %dma_wait3A_405] : memref<4x128xi32, #tpu.memory_space<vmem>> -> memref<1x128xi32, #tpu.memory_space<vmem>>
    %dma_wait3A_407 = tpu.memref_squeeze %dma_wait3A_406 : memref<1x128xi32, #tpu.memory_space<vmem>> -> memref<128xi32, #tpu.memory_space<vmem>>
    %dma_wait3A_408 = arith.constant 0 : i32
    %dma_wait3A_409 = tpu.memref_slice %arg9[%dma_wait3A_408] : memref<102400xi32, #tpu.memory_space<vmem_shared>> -> memref<102400xi32, #tpu.memory_space<vmem_shared>>
    %dma_wait3A_410 = tpu.memref_slice %arg21[%dma_wait3A_401] : memref<4x!tpu.dma_semaphore, #tpu.memory_space<semaphore_mem>> -> memref<1x!tpu.dma_semaphore, #tpu.memory_space<semaphore_mem>>
    %dma_wait3A_411 = tpu.memref_squeeze %dma_wait3A_410 : memref<1x!tpu.dma_semaphore, #tpu.memory_space<semaphore_mem>> -> memref<!tpu.dma_semaphore, #tpu.memory_space<semaphore_mem>>
    tpu.wait_indirect_dma semaphore(%dma_wait3A_411 : memref<!tpu.dma_semaphore, #tpu.memory_space<semaphore_mem>>) src(%dma_wait3A_409 : memref<102400xi32, #tpu.memory_space<vmem_shared>>) dst(%dma_wait3A_404 : memref<128xi32, #tpu.memory_space<vmem>>)
    %get3A_412 = arith.constant 1 : i32
    %get3A_413 = arith.index_cast %get3A_412 : i32 to index
    %get3A_414 = arith.constant 0 : index
    %get3A_415 = tpu.vector_load %arg11[%get3A_413, %get3A_414] {strides = array<i32>} : memref<4x128xi32, #tpu.memory_space<vmem>>, vector<16xi32>,
    %get3A_416 = arith.constant 1 : i32
    %get3A_417 = arith.index_cast %get3A_416 : i32 to index
    %get3A_418 = arith.constant 16 : index
    %get3A_419 = tpu.vector_load %arg11[%get3A_417, %get3A_418] {strides = array<i32>} : memref<4x128xi32, #tpu.memory_space<vmem>>, vector<16xi32>,
    %get3A_420 = arith.constant 1 : i32
    %get3A_421 = arith.index_cast %get3A_420 : i32 to index
    %get3A_422 = arith.constant 32 : index
    %get3A_423 = tpu.vector_load %arg11[%get3A_421, %get3A_422] {strides = array<i32>} : memref<4x128xi32, #tpu.memory_space<vmem>>, vector<16xi32>,
    %get3A_424 = arith.constant 1 : i32
    %get3A_425 = arith.index_cast %get3A_424 : i32 to index
    %get3A_426 = arith.constant 48 : index
    %get3A_427 = tpu.vector_load %arg11[%get3A_425, %get3A_426] {strides = array<i32>} : memref<4x128xi32, #tpu.memory_space<vmem>>, vector<16xi32>,
    %get3A_428 = arith.constant 1 : i32
    %get3A_429 = arith.index_cast %get3A_428 : i32 to index
    %get3A_430 = arith.constant 64 : index
    %get3A_431 = tpu.vector_load %arg11[%get3A_429, %get3A_430] {strides = array<i32>} : memref<4x128xi32, #tpu.memory_space<vmem>>, vector<16xi32>,
    %get3A_432 = arith.constant 1 : i32
    %get3A_433 = arith.index_cast %get3A_432 : i32 to index
    %get3A_434 = arith.constant 80 : index
    %get3A_435 = tpu.vector_load %arg11[%get3A_433, %get3A_434] {strides = array<i32>} : memref<4x128xi32, #tpu.memory_space<vmem>>, vector<16xi32>,
    %get3A_436 = arith.constant 1 : i32
    %get3A_437 = arith.index_cast %get3A_436 : i32 to index
    %get3A_438 = arith.constant 96 : index
    %get3A_439 = tpu.vector_load %arg11[%get3A_437, %get3A_438] {strides = array<i32>} : memref<4x128xi32, #tpu.memory_space<vmem>>, vector<16xi32>,
    %get3A_440 = arith.constant 1 : i32
    %get3A_441 = arith.index_cast %get3A_440 : i32 to index
    %get3A_442 = arith.constant 112 : index
    %get3A_443 = tpu.vector_load %arg11[%get3A_441, %get3A_442] {strides = array<i32>} : memref<4x128xi32, #tpu.memory_space<vmem>>, vector<16xi32>,
    %ge3A_444 = arith.constant 0 : i32
    %ge3A_445 = vector.broadcast %ge3A_444 : i32 to vector<16xi32>
    %ge3A_446 = arith.cmpi sge, %get3A_415, %ge3A_445 : vector<16xi32>
    %ge3A_447 = arith.constant 0 : i32
    %ge3A_448 = vector.broadcast %ge3A_447 : i32 to vector<16xi32>
    %ge3A_449 = arith.cmpi sge, %get3A_419, %ge3A_448 : vector<16xi32>
    %ge3A_450 = arith.constant 0 : i32
    %ge3A_451 = vector.broadcast %ge3A_450 : i32 to vector<16xi32>
    %ge3A_452 = arith.cmpi sge, %get3A_423, %ge3A_451 : vector<16xi32>
    %ge3A_453 = arith.constant 0 : i32
    %ge3A_454 = vector.broadcast %ge3A_453 : i32 to vector<16xi32>
    %ge3A_455 = arith.cmpi sge, %get3A_427, %ge3A_454 : vector<16xi32>
    %ge3A_456 = arith.constant 0 : i32
    %ge3A_457 = vector.broadcast %ge3A_456 : i32 to vector<16xi32>
    %ge3A_458 = arith.cmpi sge, %get3A_431, %ge3A_457 : vector<16xi32>
    %ge3A_459 = arith.constant 0 : i32
    %ge3A_460 = vector.broadcast %ge3A_459 : i32 to vector<16xi32>
    %ge3A_461 = arith.cmpi sge, %get3A_435, %ge3A_460 : vector<16xi32>
    %ge3A_462 = arith.constant 0 : i32
    %ge3A_463 = vector.broadcast %ge3A_462 : i32 to vector<16xi32>
    %ge3A_464 = arith.cmpi sge, %get3A_439, %ge3A_463 : vector<16xi32>
    %ge3A_465 = arith.constant 0 : i32
    %ge3A_466 = vector.broadcast %ge3A_465 : i32 to vector<16xi32>
    %ge3A_467 = arith.cmpi sge, %get3A_443, %ge3A_466 : vector<16xi32>
    %jit3A_468 = arith.constant 1 : i32
    %jit3A_469 = arith.constant 0 : i32
    %broadcast_in_dim3A_470 = vector.broadcast %jit3A_468 : i32 to vector<16xi32>
    %broadcast_in_dim3A_471 = vector.broadcast %jit3A_469 : i32 to vector<16xi32>
    %select_n3A_472 = arith.select %ge3A_446, %broadcast_in_dim3A_470, %broadcast_in_dim3A_471 : vector<16xi1>, vector<16xi32>
    %jit3A_473 = arith.constant 1 : i32
    %jit3A_474 = arith.constant 0 : i32
    %broadcast_in_dim3A_475 = vector.broadcast %jit3A_473 : i32 to vector<16xi32>
    %broadcast_in_dim3A_476 = vector.broadcast %jit3A_474 : i32 to vector<16xi32>
    %select_n3A_477 = arith.select %ge3A_449, %broadcast_in_dim3A_475, %broadcast_in_dim3A_476 : vector<16xi1>, vector<16xi32>
    %jit3A_478 = arith.constant 1 : i32
    %jit3A_479 = arith.constant 0 : i32
    %broadcast_in_dim3A_480 = vector.broadcast %jit3A_478 : i32 to vector<16xi32>
    %broadcast_in_dim3A_481 = vector.broadcast %jit3A_479 : i32 to vector<16xi32>
    %select_n3A_482 = arith.select %ge3A_452, %broadcast_in_dim3A_480, %broadcast_in_dim3A_481 : vector<16xi1>, vector<16xi32>
    %jit3A_483 = arith.constant 1 : i32
    %jit3A_484 = arith.constant 0 : i32
    %broadcast_in_dim3A_485 = vector.broadcast %jit3A_483 : i32 to vector<16xi32>
    %broadcast_in_dim3A_486 = vector.broadcast %jit3A_484 : i32 to vector<16xi32>
    %select_n3A_487 = arith.select %ge3A_455, %broadcast_in_dim3A_485, %broadcast_in_dim3A_486 : vector<16xi1>, vector<16xi32>
    %jit3A_488 = arith.constant 1 : i32
    %jit3A_489 = arith.constant 0 : i32
    %broadcast_in_dim3A_490 = vector.broadcast %jit3A_488 : i32 to vector<16xi32>
    %broadcast_in_dim3A_491 = vector.broadcast %jit3A_489 : i32 to vector<16xi32>
    %select_n3A_492 = arith.select %ge3A_458, %broadcast_in_dim3A_490, %broadcast_in_dim3A_491 : vector<16xi1>, vector<16xi32>
    %jit3A_493 = arith.constant 1 : i32
    %jit3A_494 = arith.constant 0 : i32
    %broadcast_in_dim3A_495 = vector.broadcast %jit3A_493 : i32 to vector<16xi32>
    %broadcast_in_dim3A_496 = vector.broadcast %jit3A_494 : i32 to vector<16xi32>
    %select_n3A_497 = arith.select %ge3A_461, %broadcast_in_dim3A_495, %broadcast_in_dim3A_496 : vector<16xi1>, vector<16xi32>
    %jit3A_498 = arith.constant 1 : i32
    %jit3A_499 = arith.constant 0 : i32
    %broadcast_in_dim3A_500 = vector.broadcast %jit3A_498 : i32 to vector<16xi32>
    %broadcast_in_dim3A_501 = vector.broadcast %jit3A_499 : i32 to vector<16xi32>
    %select_n3A_502 = arith.select %ge3A_464, %broadcast_in_dim3A_500, %broadcast_in_dim3A_501 : vector<16xi1>, vector<16xi32>
    %jit3A_503 = arith.constant 1 : i32
    %jit3A_504 = arith.constant 0 : i32
    %broadcast_in_dim3A_505 = vector.broadcast %jit3A_503 : i32 to vector<16xi32>
    %broadcast_in_dim3A_506 = vector.broadcast %jit3A_504 : i32 to vector<16xi32>
    %select_n3A_507 = arith.select %ge3A_467, %broadcast_in_dim3A_505, %broadcast_in_dim3A_506 : vector<16xi1>, vector<16xi32>
    %broadcast_in_dim3A_508 = arith.constant true
    %broadcast_in_dim3A_509 = vector.broadcast %broadcast_in_dim3A_508 : i1 to vector<16xi1>
    %masked_cumsum3A_510 = tpu.scan <sum>, %select_n3A_472 masked %broadcast_in_dim3A_509 : vector<16xi32>, vector<16xi1> -> vector<16xi32>
    %broadcast_in_dim3A_511 = arith.constant true
    %broadcast_in_dim3A_512 = vector.broadcast %broadcast_in_dim3A_511 : i1 to vector<16xi1>
    %masked_cumsum3A_513 = tpu.scan <sum>, %select_n3A_477 masked %broadcast_in_dim3A_512 : vector<16xi32>, vector<16xi1> -> vector<16xi32>
    %broadcast_in_dim3A_514 = arith.constant true
    %broadcast_in_dim3A_515 = vector.broadcast %broadcast_in_dim3A_514 : i1 to vector<16xi1>
    %masked_cumsum3A_516 = tpu.scan <sum>, %select_n3A_482 masked %broadcast_in_dim3A_515 : vector<16xi32>, vector<16xi1> -> vector<16xi32>
    %broadcast_in_dim3A_517 = arith.constant true
    %broadcast_in_dim3A_518 = vector.broadcast %broadcast_in_dim3A_517 : i1 to vector<16xi1>
    %masked_cumsum3A_519 = tpu.scan <sum>, %select_n3A_487 masked %broadcast_in_dim3A_518 : vector<16xi32>, vector<16xi1> -> vector<16xi32>
    %broadcast_in_dim3A_520 = arith.constant true
    %broadcast_in_dim3A_521 = vector.broadcast %broadcast_in_dim3A_520 : i1 to vector<16xi1>
    %masked_cumsum3A_522 = tpu.scan <sum>, %select_n3A_492 masked %broadcast_in_dim3A_521 : vector<16xi32>, vector<16xi1> -> vector<16xi32>
    %broadcast_in_dim3A_523 = arith.constant true
    %broadcast_in_dim3A_524 = vector.broadcast %broadcast_in_dim3A_523 : i1 to vector<16xi1>
    %masked_cumsum3A_525 = tpu.scan <sum>, %select_n3A_497 masked %broadcast_in_dim3A_524 : vector<16xi32>, vector<16xi1> -> vector<16xi32>
    %broadcast_in_dim3A_526 = arith.constant true
    %broadcast_in_dim3A_527 = vector.broadcast %broadcast_in_dim3A_526 : i1 to vector<16xi1>
    %masked_cumsum3A_528 = tpu.scan <sum>, %select_n3A_502 masked %broadcast_in_dim3A_527 : vector<16xi32>, vector<16xi1> -> vector<16xi32>
    %broadcast_in_dim3A_529 = arith.constant true
    %broadcast_in_dim3A_530 = vector.broadcast %broadcast_in_dim3A_529 : i1 to vector<16xi1>
    %masked_cumsum3A_531 = tpu.scan <sum>, %select_n3A_507 masked %broadcast_in_dim3A_530 : vector<16xi32>, vector<16xi1> -> vector<16xi32>
    %reduce_sum3A_532 = arith.constant true
    %reduce_sum3A_533 = vector.broadcast %reduce_sum3A_532 : i1 to vector<16xi1>
    %reduce_sum3A_534 = tpu.scan <sum>, %select_n3A_472 masked %reduce_sum3A_533 : vector<16xi32>, vector<16xi1> -> vector<16xi32>
    %reduce_sum3A_535 = vector.extract %reduce_sum3A_534[15] : i32 from vector<16xi32>
    %reduce_sum3A_536 = arith.constant true
    %reduce_sum3A_537 = vector.broadcast %reduce_sum3A_536 : i1 to vector<16xi1>
    %reduce_sum3A_538 = tpu.scan <sum>, %select_n3A_477 masked %reduce_sum3A_537 : vector<16xi32>, vector<16xi1> -> vector<16xi32>
    %reduce_sum3A_539 = vector.extract %reduce_sum3A_538[15] : i32 from vector<16xi32>
    %reduce_sum3A_540 = arith.constant true
    %reduce_sum3A_541 = vector.broadcast %reduce_sum3A_540 : i1 to vector<16xi1>
    %reduce_sum3A_542 = tpu.scan <sum>, %select_n3A_482 masked %reduce_sum3A_541 : vector<16xi32>, vector<16xi1> -> vector<16xi32>
    %reduce_sum3A_543 = vector.extract %reduce_sum3A_542[15] : i32 from vector<16xi32>
    %reduce_sum3A_544 = arith.constant true
    %reduce_sum3A_545 = vector.broadcast %reduce_sum3A_544 : i1 to vector<16xi1>
    %reduce_sum3A_546 = tpu.scan <sum>, %select_n3A_487 masked %reduce_sum3A_545 : vector<16xi32>, vector<16xi1> -> vector<16xi32>
    %reduce_sum3A_547 = vector.extract %reduce_sum3A_546[15] : i32 from vector<16xi32>
    %reduce_sum3A_548 = arith.constant true
    %reduce_sum3A_549 = vector.broadcast %reduce_sum3A_548 : i1 to vector<16xi1>
    %reduce_sum3A_550 = tpu.scan <sum>, %select_n3A_492 masked %reduce_sum3A_549 : vector<16xi32>, vector<16xi1> -> vector<16xi32>
    %reduce_sum3A_551 = vector.extract %reduce_sum3A_550[15] : i32 from vector<16xi32>
    %reduce_sum3A_552 = arith.constant true
    %reduce_sum3A_553 = vector.broadcast %reduce_sum3A_552 : i1 to vector<16xi1>
    %reduce_sum3A_554 = tpu.scan <sum>, %select_n3A_497 masked %reduce_sum3A_553 : vector<16xi32>, vector<16xi1> -> vector<16xi32>
    %reduce_sum3A_555 = vector.extract %reduce_sum3A_554[15] : i32 from vector<16xi32>
    %reduce_sum3A_556 = arith.constant true
    %reduce_sum3A_557 = vector.broadcast %reduce_sum3A_556 : i1 to vector<16xi1>
    %reduce_sum3A_558 = tpu.scan <sum>, %select_n3A_502 masked %reduce_sum3A_557 : vector<16xi32>, vector<16xi1> -> vector<16xi32>
    %reduce_sum3A_559 = vector.extract %reduce_sum3A_558[15] : i32 from vector<16xi32>
    %reduce_sum3A_560 = arith.constant true
    %reduce_sum3A_561 = vector.broadcast %reduce_sum3A_560 : i1 to vector<16xi1>
    %reduce_sum3A_562 = tpu.scan <sum>, %select_n3A_507 masked %reduce_sum3A_561 : vector<16xi32>, vector<16xi1> -> vector<16xi32>
    %reduce_sum3A_563 = vector.extract %reduce_sum3A_562[15] : i32 from vector<16xi32>
    %add3A_564 = arith.constant 128 : i32
    %add3A_565 = arith.addi %mul3A_2, %add3A_564 : i32
    %broadcast_in_dim3A_566 = vector.broadcast %add3A_565 : i32 to vector<16xi32>
    %add3A_567 = arith.addi %broadcast_in_dim3A_566, %iota3A : vector<16xi32>
    %sub3A_568 = arith.constant 1 : i32
    %sub3A_569 = vector.broadcast %sub3A_568 : i32 to vector<16xi32>
    %sub3A_570 = arith.subi %masked_cumsum3A_510, %sub3A_569 : vector<16xi32>
    %add3A_571 = vector.broadcast %add3A_398 : i32 to vector<16xi32>
    %add3A_572 = arith.addi %sub3A_570, %add3A_571 : vector<16xi32>
    tpu.vector_store_idx %arg12[%add3A_572], %get3A_415 masked %ge3A_446 : memref<512xi32, #tpu.memory_space<vmem>>[vector<16xi32>], vector<16xi32>, vector<16xi1>
    tpu.vector_store_idx %arg13[%add3A_572], %add3A_567 masked %ge3A_446 : memref<512xi32, #tpu.memory_space<vmem>>[vector<16xi32>], vector<16xi32>, vector<16xi1>
    %add3A_573 = arith.addi %add3A_398, %reduce_sum3A_535 : i32
    %add3A_574 = arith.constant 144 : i32
    %add3A_575 = arith.addi %mul3A_2, %add3A_574 : i32
    %broadcast_in_dim3A_576 = vector.broadcast %add3A_575 : i32 to vector<16xi32>
    %add3A_577 = arith.addi %broadcast_in_dim3A_576, %iota3A : vector<16xi32>
    %sub3A_578 = arith.constant 1 : i32
    %sub3A_579 = vector.broadcast %sub3A_578 : i32 to vector<16xi32>
    %sub3A_580 = arith.subi %masked_cumsum3A_513, %sub3A_579 : vector<16xi32>
    %add3A_581 = vector.broadcast %add3A_573 : i32 to vector<16xi32>
    %add3A_582 = arith.addi %sub3A_580, %add3A_581 : vector<16xi32>
    tpu.vector_store_idx %arg12[%add3A_582], %get3A_419 masked %ge3A_449 : memref<512xi32, #tpu.memory_space<vmem>>[vector<16xi32>], vector<16xi32>, vector<16xi1>
    tpu.vector_store_idx %arg13[%add3A_582], %add3A_577 masked %ge3A_449 : memref<512xi32, #tpu.memory_space<vmem>>[vector<16xi32>], vector<16xi32>, vector<16xi1>
    %add3A_583 = arith.addi %add3A_573, %reduce_sum3A_539 : i32
    %add3A_584 = arith.constant 160 : i32
    %add3A_585 = arith.addi %mul3A_2, %add3A_584 : i32
    %broadcast_in_dim3A_586 = vector.broadcast %add3A_585 : i32 to vector<16xi32>
    %add3A_587 = arith.addi %broadcast_in_dim3A_586, %iota3A : vector<16xi32>
    %sub3A_588 = arith.constant 1 : i32
    %sub3A_589 = vector.broadcast %sub3A_588 : i32 to vector<16xi32>
    %sub3A_590 = arith.subi %masked_cumsum3A_516, %sub3A_589 : vector<16xi32>
    %add3A_591 = vector.broadcast %add3A_583 : i32 to vector<16xi32>
    %add3A_592 = arith.addi %sub3A_590, %add3A_591 : vector<16xi32>
    tpu.vector_store_idx %arg12[%add3A_592], %get3A_423 masked %ge3A_452 : memref<512xi32, #tpu.memory_space<vmem>>[vector<16xi32>], vector<16xi32>, vector<16xi1>
    tpu.vector_store_idx %arg13[%add3A_592], %add3A_587 masked %ge3A_452 : memref<512xi32, #tpu.memory_space<vmem>>[vector<16xi32>], vector<16xi32>, vector<16xi1>
    %add3A_593 = arith.addi %add3A_583, %reduce_sum3A_543 : i32
    %add3A_594 = arith.constant 176 : i32
    %add3A_595 = arith.addi %mul3A_2, %add3A_594 : i32
    %broadcast_in_dim3A_596 = vector.broadcast %add3A_595 : i32 to vector<16xi32>
    %add3A_597 = arith.addi %broadcast_in_dim3A_596, %iota3A : vector<16xi32>
    %sub3A_598 = arith.constant 1 : i32
    %sub3A_599 = vector.broadcast %sub3A_598 : i32 to vector<16xi32>
    %sub3A_600 = arith.subi %masked_cumsum3A_519, %sub3A_599 : vector<16xi32>
    %add3A_601 = vector.broadcast %add3A_593 : i32 to vector<16xi32>
    %add3A_602 = arith.addi %sub3A_600, %add3A_601 : vector<16xi32>
    tpu.vector_store_idx %arg12[%add3A_602], %get3A_427 masked %ge3A_455 : memref<512xi32, #tpu.memory_space<vmem>>[vector<16xi32>], vector<16xi32>, vector<16xi1>
    tpu.vector_store_idx %arg13[%add3A_602], %add3A_597 masked %ge3A_455 : memref<512xi32, #tpu.memory_space<vmem>>[vector<16xi32>], vector<16xi32>, vector<16xi1>
    %add3A_603 = arith.addi %add3A_593, %reduce_sum3A_547 : i32
    %add3A_604 = arith.constant 192 : i32
    %add3A_605 = arith.addi %mul3A_2, %add3A_604 : i32
    %broadcast_in_dim3A_606 = vector.broadcast %add3A_605 : i32 to vector<16xi32>
    %add3A_607 = arith.addi %broadcast_in_dim3A_606, %iota3A : vector<16xi32>
    %sub3A_608 = arith.constant 1 : i32
    %sub3A_609 = vector.broadcast %sub3A_608 : i32 to vector<16xi32>
    %sub3A_610 = arith.subi %masked_cumsum3A_522, %sub3A_609 : vector<16xi32>
    %add3A_611 = vector.broadcast %add3A_603 : i32 to vector<16xi32>
    %add3A_612 = arith.addi %sub3A_610, %add3A_611 : vector<16xi32>
    tpu.vector_store_idx %arg12[%add3A_612], %get3A_431 masked %ge3A_458 : memref<512xi32, #tpu.memory_space<vmem>>[vector<16xi32>], vector<16xi32>, vector<16xi1>
    tpu.vector_store_idx %arg13[%add3A_612], %add3A_607 masked %ge3A_458 : memref<512xi32, #tpu.memory_space<vmem>>[vector<16xi32>], vector<16xi32>, vector<16xi1>
    %add3A_613 = arith.addi %add3A_603, %reduce_sum3A_551 : i32
    %add3A_614 = arith.constant 208 : i32
    %add3A_615 = arith.addi %mul3A_2, %add3A_614 : i32
    %broadcast_in_dim3A_616 = vector.broadcast %add3A_615 : i32 to vector<16xi32>
    %add3A_617 = arith.addi %broadcast_in_dim3A_616, %iota3A : vector<16xi32>
    %sub3A_618 = arith.constant 1 : i32
    %sub3A_619 = vector.broadcast %sub3A_618 : i32 to vector<16xi32>
    %sub3A_620 = arith.subi %masked_cumsum3A_525, %sub3A_619 : vector<16xi32>
    %add3A_621 = vector.broadcast %add3A_613 : i32 to vector<16xi32>
    %add3A_622 = arith.addi %sub3A_620, %add3A_621 : vector<16xi32>
    tpu.vector_store_idx %arg12[%add3A_622], %get3A_435 masked %ge3A_461 : memref<512xi32, #tpu.memory_space<vmem>>[vector<16xi32>], vector<16xi32>, vector<16xi1>
    tpu.vector_store_idx %arg13[%add3A_622], %add3A_617 masked %ge3A_461 : memref<512xi32, #tpu.memory_space<vmem>>[vector<16xi32>], vector<16xi32>, vector<16xi1>
    %add3A_623 = arith.addi %add3A_613, %reduce_sum3A_555 : i32
    %add3A_624 = arith.constant 224 : i32
    %add3A_625 = arith.addi %mul3A_2, %add3A_624 : i32
    %broadcast_in_dim3A_626 = vector.broadcast %add3A_625 : i32 to vector<16xi32>
    %add3A_627 = arith.addi %broadcast_in_dim3A_626, %iota3A : vector<16xi32>
    %sub3A_628 = arith.constant 1 : i32
    %sub3A_629 = vector.broadcast %sub3A_628 : i32 to vector<16xi32>
    %sub3A_630 = arith.subi %masked_cumsum3A_528, %sub3A_629 : vector<16xi32>
    %add3A_631 = vector.broadcast %add3A_623 : i32 to vector<16xi32>
    %add3A_632 = arith.addi %sub3A_630, %add3A_631 : vector<16xi32>
    tpu.vector_store_idx %arg12[%add3A_632], %get3A_439 masked %ge3A_464 : memref<512xi32, #tpu.memory_space<vmem>>[vector<16xi32>], vector<16xi32>, vector<16xi1>
    tpu.vector_store_idx %arg13[%add3A_632], %add3A_627 masked %ge3A_464 : memref<512xi32, #tpu.memory_space<vmem>>[vector<16xi32>], vector<16xi32>, vector<16xi1>
    %add3A_633 = arith.addi %add3A_623, %reduce_sum3A_559 : i32
    %add3A_634 = arith.constant 240 : i32
    %add3A_635 = arith.addi %mul3A_2, %add3A_634 : i32
    %broadcast_in_dim3A_636 = vector.broadcast %add3A_635 : i32 to vector<16xi32>
    %add3A_637 = arith.addi %broadcast_in_dim3A_636, %iota3A : vector<16xi32>
    %sub3A_638 = arith.constant 1 : i32
    %sub3A_639 = vector.broadcast %sub3A_638 : i32 to vector<16xi32>
    %sub3A_640 = arith.subi %masked_cumsum3A_531, %sub3A_639 : vector<16xi32>
    %add3A_641 = vector.broadcast %add3A_633 : i32 to vector<16xi32>
    %add3A_642 = arith.addi %sub3A_640, %add3A_641 : vector<16xi32>
    tpu.vector_store_idx %arg12[%add3A_642], %get3A_443 masked %ge3A_467 : memref<512xi32, #tpu.memory_space<vmem>>[vector<16xi32>], vector<16xi32>, vector<16xi1>
    tpu.vector_store_idx %arg13[%add3A_642], %add3A_637 masked %ge3A_467 : memref<512xi32, #tpu.memory_space<vmem>>[vector<16xi32>], vector<16xi32>, vector<16xi1>
    %add3A_643 = arith.addi %add3A_633, %reduce_sum3A_563 : i32
    %dma_wait3A_644 = arith.constant 2 : i32
    %dma_wait3A_645 = arith.constant 2 : i32
    %dma_wait3A_646 = arith.constant 2 : i32
    %dma_wait3A_647 = arith.constant 0 : i32
    %dma_wait3A_648 = tpu.memref_slice %arg11[%dma_wait3A_645, %dma_wait3A_647] : memref<4x128xi32, #tpu.memory_space<vmem>> -> memref<1x128xi32, #tpu.memory_space<vmem>>
    %dma_wait3A_649 = tpu.memref_squeeze %dma_wait3A_648 : memref<1x128xi32, #tpu.memory_space<vmem>> -> memref<128xi32, #tpu.memory_space<vmem>>
    %dma_wait3A_650 = arith.constant 0 : i32
    %dma_wait3A_651 = tpu.memref_slice %arg10[%dma_wait3A_644, %dma_wait3A_650] : memref<4x128xi32, #tpu.memory_space<vmem>> -> memref<1x128xi32, #tpu.memory_space<vmem>>
    %dma_wait3A_652 = tpu.memref_squeeze %dma_wait3A_651 : memref<1x128xi32, #tpu.memory_space<vmem>> -> memref<128xi32, #tpu.memory_space<vmem>>
    %dma_wait3A_653 = arith.constant 0 : i32
    %dma_wait3A_654 = tpu.memref_slice %arg9[%dma_wait3A_653] : memref<102400xi32, #tpu.memory_space<vmem_shared>> -> memref<102400xi32, #tpu.memory_space<vmem_shared>>
    %dma_wait3A_655 = tpu.memref_slice %arg21[%dma_wait3A_646] : memref<4x!tpu.dma_semaphore, #tpu.memory_space<semaphore_mem>> -> memref<1x!tpu.dma_semaphore, #tpu.memory_space<semaphore_mem>>
    %dma_wait3A_656 = tpu.memref_squeeze %dma_wait3A_655 : memref<1x!tpu.dma_semaphore, #tpu.memory_space<semaphore_mem>> -> memref<!tpu.dma_semaphore, #tpu.memory_space<semaphore_mem>>
    tpu.wait_indirect_dma semaphore(%dma_wait3A_656 : memref<!tpu.dma_semaphore, #tpu.memory_space<semaphore_mem>>) src(%dma_wait3A_654 : memref<102400xi32, #tpu.memory_space<vmem_shared>>) dst(%dma_wait3A_649 : memref<128xi32, #tpu.memory_space<vmem>>)
    %get3A_657 = arith.constant 2 : i32
    %get3A_658 = arith.index_cast %get3A_657 : i32 to index
    %get3A_659 = arith.constant 0 : index
    %get3A_660 = tpu.vector_load %arg11[%get3A_658, %get3A_659] {strides = array<i32>} : memref<4x128xi32, #tpu.memory_space<vmem>>, vector<16xi32>,
    %get3A_661 = arith.constant 2 : i32
    %get3A_662 = arith.index_cast %get3A_661 : i32 to index
    %get3A_663 = arith.constant 16 : index
    %get3A_664 = tpu.vector_load %arg11[%get3A_662, %get3A_663] {strides = array<i32>} : memref<4x128xi32, #tpu.memory_space<vmem>>, vector<16xi32>,
    %get3A_665 = arith.constant 2 : i32
    %get3A_666 = arith.index_cast %get3A_665 : i32 to index
    %get3A_667 = arith.constant 32 : index
    %get3A_668 = tpu.vector_load %arg11[%get3A_666, %get3A_667] {strides = array<i32>} : memref<4x128xi32, #tpu.memory_space<vmem>>, vector<16xi32>,
    %get3A_669 = arith.constant 2 : i32
    %get3A_670 = arith.index_cast %get3A_669 : i32 to index
    %get3A_671 = arith.constant 48 : index
    %get3A_672 = tpu.vector_load %arg11[%get3A_670, %get3A_671] {strides = array<i32>} : memref<4x128xi32, #tpu.memory_space<vmem>>, vector<16xi32>,
    %get3A_673 = arith.constant 2 : i32
    %get3A_674 = arith.index_cast %get3A_673 : i32 to index
    %get3A_675 = arith.constant 64 : index
    %get3A_676 = tpu.vector_load %arg11[%get3A_674, %get3A_675] {strides = array<i32>} : memref<4x128xi32, #tpu.memory_space<vmem>>, vector<16xi32>,
    %get3A_677 = arith.constant 2 : i32
    %get3A_678 = arith.index_cast %get3A_677 : i32 to index
    %get3A_679 = arith.constant 80 : index
    %get3A_680 = tpu.vector_load %arg11[%get3A_678, %get3A_679] {strides = array<i32>} : memref<4x128xi32, #tpu.memory_space<vmem>>, vector<16xi32>,
    %get3A_681 = arith.constant 2 : i32
    %get3A_682 = arith.index_cast %get3A_681 : i32 to index
    %get3A_683 = arith.constant 96 : index
    %get3A_684 = tpu.vector_load %arg11[%get3A_682, %get3A_683] {strides = array<i32>} : memref<4x128xi32, #tpu.memory_space<vmem>>, vector<16xi32>,
    %get3A_685 = arith.constant 2 : i32
    %get3A_686 = arith.index_cast %get3A_685 : i32 to index
    %get3A_687 = arith.constant 112 : index
    %get3A_688 = tpu.vector_load %arg11[%get3A_686, %get3A_687] {strides = array<i32>} : memref<4x128xi32, #tpu.memory_space<vmem>>, vector<16xi32>,
    %ge3A_689 = arith.constant 0 : i32
    %ge3A_690 = vector.broadcast %ge3A_689 : i32 to vector<16xi32>
    %ge3A_691 = arith.cmpi sge, %get3A_660, %ge3A_690 : vector<16xi32>
    %ge3A_692 = arith.constant 0 : i32
    %ge3A_693 = vector.broadcast %ge3A_692 : i32 to vector<16xi32>
    %ge3A_694 = arith.cmpi sge, %get3A_664, %ge3A_693 : vector<16xi32>
    %ge3A_695 = arith.constant 0 : i32
    %ge3A_696 = vector.broadcast %ge3A_695 : i32 to vector<16xi32>
    %ge3A_697 = arith.cmpi sge, %get3A_668, %ge3A_696 : vector<16xi32>
    %ge3A_698 = arith.constant 0 : i32
    %ge3A_699 = vector.broadcast %ge3A_698 : i32 to vector<16xi32>
    %ge3A_700 = arith.cmpi sge, %get3A_672, %ge3A_699 : vector<16xi32>
    %ge3A_701 = arith.constant 0 : i32
    %ge3A_702 = vector.broadcast %ge3A_701 : i32 to vector<16xi32>
    %ge3A_703 = arith.cmpi sge, %get3A_676, %ge3A_702 : vector<16xi32>
    %ge3A_704 = arith.constant 0 : i32
    %ge3A_705 = vector.broadcast %ge3A_704 : i32 to vector<16xi32>
    %ge3A_706 = arith.cmpi sge, %get3A_680, %ge3A_705 : vector<16xi32>
    %ge3A_707 = arith.constant 0 : i32
    %ge3A_708 = vector.broadcast %ge3A_707 : i32 to vector<16xi32>
    %ge3A_709 = arith.cmpi sge, %get3A_684, %ge3A_708 : vector<16xi32>
    %ge3A_710 = arith.constant 0 : i32
    %ge3A_711 = vector.broadcast %ge3A_710 : i32 to vector<16xi32>
    %ge3A_712 = arith.cmpi sge, %get3A_688, %ge3A_711 : vector<16xi32>
    %jit3A_713 = arith.constant 1 : i32
    %jit3A_714 = arith.constant 0 : i32
    %broadcast_in_dim3A_715 = vector.broadcast %jit3A_713 : i32 to vector<16xi32>
    %broadcast_in_dim3A_716 = vector.broadcast %jit3A_714 : i32 to vector<16xi32>
    %select_n3A_717 = arith.select %ge3A_691, %broadcast_in_dim3A_715, %broadcast_in_dim3A_716 : vector<16xi1>, vector<16xi32>
    %jit3A_718 = arith.constant 1 : i32
    %jit3A_719 = arith.constant 0 : i32
    %broadcast_in_dim3A_720 = vector.broadcast %jit3A_718 : i32 to vector<16xi32>
    %broadcast_in_dim3A_721 = vector.broadcast %jit3A_719 : i32 to vector<16xi32>
    %select_n3A_722 = arith.select %ge3A_694, %broadcast_in_dim3A_720, %broadcast_in_dim3A_721 : vector<16xi1>, vector<16xi32>
    %jit3A_723 = arith.constant 1 : i32
    %jit3A_724 = arith.constant 0 : i32
    %broadcast_in_dim3A_725 = vector.broadcast %jit3A_723 : i32 to vector<16xi32>
    %broadcast_in_dim3A_726 = vector.broadcast %jit3A_724 : i32 to vector<16xi32>
    %select_n3A_727 = arith.select %ge3A_697, %broadcast_in_dim3A_725, %broadcast_in_dim3A_726 : vector<16xi1>, vector<16xi32>
    %jit3A_728 = arith.constant 1 : i32
    %jit3A_729 = arith.constant 0 : i32
    %broadcast_in_dim3A_730 = vector.broadcast %jit3A_728 : i32 to vector<16xi32>
    %broadcast_in_dim3A_731 = vector.broadcast %jit3A_729 : i32 to vector<16xi32>
    %select_n3A_732 = arith.select %ge3A_700, %broadcast_in_dim3A_730, %broadcast_in_dim3A_731 : vector<16xi1>, vector<16xi32>
    %jit3A_733 = arith.constant 1 : i32
    %jit3A_734 = arith.constant 0 : i32
    %broadcast_in_dim3A_735 = vector.broadcast %jit3A_733 : i32 to vector<16xi32>
    %broadcast_in_dim3A_736 = vector.broadcast %jit3A_734 : i32 to vector<16xi32>
    %select_n3A_737 = arith.select %ge3A_703, %broadcast_in_dim3A_735, %broadcast_in_dim3A_736 : vector<16xi1>, vector<16xi32>
    %jit3A_738 = arith.constant 1 : i32
    %jit3A_739 = arith.constant 0 : i32
    %broadcast_in_dim3A_740 = vector.broadcast %jit3A_738 : i32 to vector<16xi32>
    %broadcast_in_dim3A_741 = vector.broadcast %jit3A_739 : i32 to vector<16xi32>
    %select_n3A_742 = arith.select %ge3A_706, %broadcast_in_dim3A_740, %broadcast_in_dim3A_741 : vector<16xi1>, vector<16xi32>
    %jit3A_743 = arith.constant 1 : i32
    %jit3A_744 = arith.constant 0 : i32
    %broadcast_in_dim3A_745 = vector.broadcast %jit3A_743 : i32 to vector<16xi32>
    %broadcast_in_dim3A_746 = vector.broadcast %jit3A_744 : i32 to vector<16xi32>
    %select_n3A_747 = arith.select %ge3A_709, %broadcast_in_dim3A_745, %broadcast_in_dim3A_746 : vector<16xi1>, vector<16xi32>
    %jit3A_748 = arith.constant 1 : i32
    %jit3A_749 = arith.constant 0 : i32
    %broadcast_in_dim3A_750 = vector.broadcast %jit3A_748 : i32 to vector<16xi32>
    %broadcast_in_dim3A_751 = vector.broadcast %jit3A_749 : i32 to vector<16xi32>
    %select_n3A_752 = arith.select %ge3A_712, %broadcast_in_dim3A_750, %broadcast_in_dim3A_751 : vector<16xi1>, vector<16xi32>
    %broadcast_in_dim3A_753 = arith.constant true
    %broadcast_in_dim3A_754 = vector.broadcast %broadcast_in_dim3A_753 : i1 to vector<16xi1>
    %masked_cumsum3A_755 = tpu.scan <sum>, %select_n3A_717 masked %broadcast_in_dim3A_754 : vector<16xi32>, vector<16xi1> -> vector<16xi32>
    %broadcast_in_dim3A_756 = arith.constant true
    %broadcast_in_dim3A_757 = vector.broadcast %broadcast_in_dim3A_756 : i1 to vector<16xi1>
    %masked_cumsum3A_758 = tpu.scan <sum>, %select_n3A_722 masked %broadcast_in_dim3A_757 : vector<16xi32>, vector<16xi1> -> vector<16xi32>
    %broadcast_in_dim3A_759 = arith.constant true
    %broadcast_in_dim3A_760 = vector.broadcast %broadcast_in_dim3A_759 : i1 to vector<16xi1>
    %masked_cumsum3A_761 = tpu.scan <sum>, %select_n3A_727 masked %broadcast_in_dim3A_760 : vector<16xi32>, vector<16xi1> -> vector<16xi32>
    %broadcast_in_dim3A_762 = arith.constant true
    %broadcast_in_dim3A_763 = vector.broadcast %broadcast_in_dim3A_762 : i1 to vector<16xi1>
    %masked_cumsum3A_764 = tpu.scan <sum>, %select_n3A_732 masked %broadcast_in_dim3A_763 : vector<16xi32>, vector<16xi1> -> vector<16xi32>
    %broadcast_in_dim3A_765 = arith.constant true
    %broadcast_in_dim3A_766 = vector.broadcast %broadcast_in_dim3A_765 : i1 to vector<16xi1>
    %masked_cumsum3A_767 = tpu.scan <sum>, %select_n3A_737 masked %broadcast_in_dim3A_766 : vector<16xi32>, vector<16xi1> -> vector<16xi32>
    %broadcast_in_dim3A_768 = arith.constant true
    %broadcast_in_dim3A_769 = vector.broadcast %broadcast_in_dim3A_768 : i1 to vector<16xi1>
    %masked_cumsum3A_770 = tpu.scan <sum>, %select_n3A_742 masked %broadcast_in_dim3A_769 : vector<16xi32>, vector<16xi1> -> vector<16xi32>
    %broadcast_in_dim3A_771 = arith.constant true
    %broadcast_in_dim3A_772 = vector.broadcast %broadcast_in_dim3A_771 : i1 to vector<16xi1>
    %masked_cumsum3A_773 = tpu.scan <sum>, %select_n3A_747 masked %broadcast_in_dim3A_772 : vector<16xi32>, vector<16xi1> -> vector<16xi32>
    %broadcast_in_dim3A_774 = arith.constant true
    %broadcast_in_dim3A_775 = vector.broadcast %broadcast_in_dim3A_774 : i1 to vector<16xi1>
    %masked_cumsum3A_776 = tpu.scan <sum>, %select_n3A_752 masked %broadcast_in_dim3A_775 : vector<16xi32>, vector<16xi1> -> vector<16xi32>
    %reduce_sum3A_777 = arith.constant true
    %reduce_sum3A_778 = vector.broadcast %reduce_sum3A_777 : i1 to vector<16xi1>
    %reduce_sum3A_779 = tpu.scan <sum>, %select_n3A_717 masked %reduce_sum3A_778 : vector<16xi32>, vector<16xi1> -> vector<16xi32>
    %reduce_sum3A_780 = vector.extract %reduce_sum3A_779[15] : i32 from vector<16xi32>
    %reduce_sum3A_781 = arith.constant true
    %reduce_sum3A_782 = vector.broadcast %reduce_sum3A_781 : i1 to vector<16xi1>
    %reduce_sum3A_783 = tpu.scan <sum>, %select_n3A_722 masked %reduce_sum3A_782 : vector<16xi32>, vector<16xi1> -> vector<16xi32>
    %reduce_sum3A_784 = vector.extract %reduce_sum3A_783[15] : i32 from vector<16xi32>
    %reduce_sum3A_785 = arith.constant true
    %reduce_sum3A_786 = vector.broadcast %reduce_sum3A_785 : i1 to vector<16xi1>
    %reduce_sum3A_787 = tpu.scan <sum>, %select_n3A_727 masked %reduce_sum3A_786 : vector<16xi32>, vector<16xi1> -> vector<16xi32>
    %reduce_sum3A_788 = vector.extract %reduce_sum3A_787[15] : i32 from vector<16xi32>
    %reduce_sum3A_789 = arith.constant true
    %reduce_sum3A_790 = vector.broadcast %reduce_sum3A_789 : i1 to vector<16xi1>
    %reduce_sum3A_791 = tpu.scan <sum>, %select_n3A_732 masked %reduce_sum3A_790 : vector<16xi32>, vector<16xi1> -> vector<16xi32>
    %reduce_sum3A_792 = vector.extract %reduce_sum3A_791[15] : i32 from vector<16xi32>
    %reduce_sum3A_793 = arith.constant true
    %reduce_sum3A_794 = vector.broadcast %reduce_sum3A_793 : i1 to vector<16xi1>
    %reduce_sum3A_795 = tpu.scan <sum>, %select_n3A_737 masked %reduce_sum3A_794 : vector<16xi32>, vector<16xi1> -> vector<16xi32>
    %reduce_sum3A_796 = vector.extract %reduce_sum3A_795[15] : i32 from vector<16xi32>
    %reduce_sum3A_797 = arith.constant true
    %reduce_sum3A_798 = vector.broadcast %reduce_sum3A_797 : i1 to vector<16xi1>
    %reduce_sum3A_799 = tpu.scan <sum>, %select_n3A_742 masked %reduce_sum3A_798 : vector<16xi32>, vector<16xi1> -> vector<16xi32>
    %reduce_sum3A_800 = vector.extract %reduce_sum3A_799[15] : i32 from vector<16xi32>
    %reduce_sum3A_801 = arith.constant true
    %reduce_sum3A_802 = vector.broadcast %reduce_sum3A_801 : i1 to vector<16xi1>
    %reduce_sum3A_803 = tpu.scan <sum>, %select_n3A_747 masked %reduce_sum3A_802 : vector<16xi32>, vector<16xi1> -> vector<16xi32>
    %reduce_sum3A_804 = vector.extract %reduce_sum3A_803[15] : i32 from vector<16xi32>
    %reduce_sum3A_805 = arith.constant true
    %reduce_sum3A_806 = vector.broadcast %reduce_sum3A_805 : i1 to vector<16xi1>
    %reduce_sum3A_807 = tpu.scan <sum>, %select_n3A_752 masked %reduce_sum3A_806 : vector<16xi32>, vector<16xi1> -> vector<16xi32>
    %reduce_sum3A_808 = vector.extract %reduce_sum3A_807[15] : i32 from vector<16xi32>
    %add3A_809 = arith.constant 256 : i32
    %add3A_810 = arith.addi %mul3A_2, %add3A_809 : i32
    %broadcast_in_dim3A_811 = vector.broadcast %add3A_810 : i32 to vector<16xi32>
    %add3A_812 = arith.addi %broadcast_in_dim3A_811, %iota3A : vector<16xi32>
    %sub3A_813 = arith.constant 1 : i32
    %sub3A_814 = vector.broadcast %sub3A_813 : i32 to vector<16xi32>
    %sub3A_815 = arith.subi %masked_cumsum3A_755, %sub3A_814 : vector<16xi32>
    %add3A_816 = vector.broadcast %add3A_643 : i32 to vector<16xi32>
    %add3A_817 = arith.addi %sub3A_815, %add3A_816 : vector<16xi32>
    tpu.vector_store_idx %arg12[%add3A_817], %get3A_660 masked %ge3A_691 : memref<512xi32, #tpu.memory_space<vmem>>[vector<16xi32>], vector<16xi32>, vector<16xi1>
    tpu.vector_store_idx %arg13[%add3A_817], %add3A_812 masked %ge3A_691 : memref<512xi32, #tpu.memory_space<vmem>>[vector<16xi32>], vector<16xi32>, vector<16xi1>
    %add3A_818 = arith.addi %add3A_643, %reduce_sum3A_780 : i32
    %add3A_819 = arith.constant 272 : i32
    %add3A_820 = arith.addi %mul3A_2, %add3A_819 : i32
    %broadcast_in_dim3A_821 = vector.broadcast %add3A_820 : i32 to vector<16xi32>
    %add3A_822 = arith.addi %broadcast_in_dim3A_821, %iota3A : vector<16xi32>
    %sub3A_823 = arith.constant 1 : i32
    %sub3A_824 = vector.broadcast %sub3A_823 : i32 to vector<16xi32>
    %sub3A_825 = arith.subi %masked_cumsum3A_758, %sub3A_824 : vector<16xi32>
    %add3A_826 = vector.broadcast %add3A_818 : i32 to vector<16xi32>
    %add3A_827 = arith.addi %sub3A_825, %add3A_826 : vector<16xi32>
    tpu.vector_store_idx %arg12[%add3A_827], %get3A_664 masked %ge3A_694 : memref<512xi32, #tpu.memory_space<vmem>>[vector<16xi32>], vector<16xi32>, vector<16xi1>
    tpu.vector_store_idx %arg13[%add3A_827], %add3A_822 masked %ge3A_694 : memref<512xi32, #tpu.memory_space<vmem>>[vector<16xi32>], vector<16xi32>, vector<16xi1>
    %add3A_828 = arith.addi %add3A_818, %reduce_sum3A_784 : i32
    %add3A_829 = arith.constant 288 : i32
    %add3A_830 = arith.addi %mul3A_2, %add3A_829 : i32
    %broadcast_in_dim3A_831 = vector.broadcast %add3A_830 : i32 to vector<16xi32>
    %add3A_832 = arith.addi %broadcast_in_dim3A_831, %iota3A : vector<16xi32>
    %sub3A_833 = arith.constant 1 : i32
    %sub3A_834 = vector.broadcast %sub3A_833 : i32 to vector<16xi32>
    %sub3A_835 = arith.subi %masked_cumsum3A_761, %sub3A_834 : vector<16xi32>
    %add3A_836 = vector.broadcast %add3A_828 : i32 to vector<16xi32>
    %add3A_837 = arith.addi %sub3A_835, %add3A_836 : vector<16xi32>
    tpu.vector_store_idx %arg12[%add3A_837], %get3A_668 masked %ge3A_697 : memref<512xi32, #tpu.memory_space<vmem>>[vector<16xi32>], vector<16xi32>, vector<16xi1>
    tpu.vector_store_idx %arg13[%add3A_837], %add3A_832 masked %ge3A_697 : memref<512xi32, #tpu.memory_space<vmem>>[vector<16xi32>], vector<16xi32>, vector<16xi1>
    %add3A_838 = arith.addi %add3A_828, %reduce_sum3A_788 : i32
    %add3A_839 = arith.constant 304 : i32
    %add3A_840 = arith.addi %mul3A_2, %add3A_839 : i32
    %broadcast_in_dim3A_841 = vector.broadcast %add3A_840 : i32 to vector<16xi32>
    %add3A_842 = arith.addi %broadcast_in_dim3A_841, %iota3A : vector<16xi32>
    %sub3A_843 = arith.constant 1 : i32
    %sub3A_844 = vector.broadcast %sub3A_843 : i32 to vector<16xi32>
    %sub3A_845 = arith.subi %masked_cumsum3A_764, %sub3A_844 : vector<16xi32>
    %add3A_846 = vector.broadcast %add3A_838 : i32 to vector<16xi32>
    %add3A_847 = arith.addi %sub3A_845, %add3A_846 : vector<16xi32>
    tpu.vector_store_idx %arg12[%add3A_847], %get3A_672 masked %ge3A_700 : memref<512xi32, #tpu.memory_space<vmem>>[vector<16xi32>], vector<16xi32>, vector<16xi1>
    tpu.vector_store_idx %arg13[%add3A_847], %add3A_842 masked %ge3A_700 : memref<512xi32, #tpu.memory_space<vmem>>[vector<16xi32>], vector<16xi32>, vector<16xi1>
    %add3A_848 = arith.addi %add3A_838, %reduce_sum3A_792 : i32
    %add3A_849 = arith.constant 320 : i32
    %add3A_850 = arith.addi %mul3A_2, %add3A_849 : i32
    %broadcast_in_dim3A_851 = vector.broadcast %add3A_850 : i32 to vector<16xi32>
    %add3A_852 = arith.addi %broadcast_in_dim3A_851, %iota3A : vector<16xi32>
    %sub3A_853 = arith.constant 1 : i32
    %sub3A_854 = vector.broadcast %sub3A_853 : i32 to vector<16xi32>
    %sub3A_855 = arith.subi %masked_cumsum3A_767, %sub3A_854 : vector<16xi32>
    %add3A_856 = vector.broadcast %add3A_848 : i32 to vector<16xi32>
    %add3A_857 = arith.addi %sub3A_855, %add3A_856 : vector<16xi32>
    tpu.vector_store_idx %arg12[%add3A_857], %get3A_676 masked %ge3A_703 : memref<512xi32, #tpu.memory_space<vmem>>[vector<16xi32>], vector<16xi32>, vector<16xi1>
    tpu.vector_store_idx %arg13[%add3A_857], %add3A_852 masked %ge3A_703 : memref<512xi32, #tpu.memory_space<vmem>>[vector<16xi32>], vector<16xi32>, vector<16xi1>
    %add3A_858 = arith.addi %add3A_848, %reduce_sum3A_796 : i32
    %add3A_859 = arith.constant 336 : i32
    %add3A_860 = arith.addi %mul3A_2, %add3A_859 : i32
    %broadcast_in_dim3A_861 = vector.broadcast %add3A_860 : i32 to vector<16xi32>
    %add3A_862 = arith.addi %broadcast_in_dim3A_861, %iota3A : vector<16xi32>
    %sub3A_863 = arith.constant 1 : i32
    %sub3A_864 = vector.broadcast %sub3A_863 : i32 to vector<16xi32>
    %sub3A_865 = arith.subi %masked_cumsum3A_770, %sub3A_864 : vector<16xi32>
    %add3A_866 = vector.broadcast %add3A_858 : i32 to vector<16xi32>
    %add3A_867 = arith.addi %sub3A_865, %add3A_866 : vector<16xi32>
    tpu.vector_store_idx %arg12[%add3A_867], %get3A_680 masked %ge3A_706 : memref<512xi32, #tpu.memory_space<vmem>>[vector<16xi32>], vector<16xi32>, vector<16xi1>
    tpu.vector_store_idx %arg13[%add3A_867], %add3A_862 masked %ge3A_706 : memref<512xi32, #tpu.memory_space<vmem>>[vector<16xi32>], vector<16xi32>, vector<16xi1>
    %add3A_868 = arith.addi %add3A_858, %reduce_sum3A_800 : i32
    %add3A_869 = arith.constant 352 : i32
    %add3A_870 = arith.addi %mul3A_2, %add3A_869 : i32
    %broadcast_in_dim3A_871 = vector.broadcast %add3A_870 : i32 to vector<16xi32>
    %add3A_872 = arith.addi %broadcast_in_dim3A_871, %iota3A : vector<16xi32>
    %sub3A_873 = arith.constant 1 : i32
    %sub3A_874 = vector.broadcast %sub3A_873 : i32 to vector<16xi32>
    %sub3A_875 = arith.subi %masked_cumsum3A_773, %sub3A_874 : vector<16xi32>
    %add3A_876 = vector.broadcast %add3A_868 : i32 to vector<16xi32>
    %add3A_877 = arith.addi %sub3A_875, %add3A_876 : vector<16xi32>
    tpu.vector_store_idx %arg12[%add3A_877], %get3A_684 masked %ge3A_709 : memref<512xi32, #tpu.memory_space<vmem>>[vector<16xi32>], vector<16xi32>, vector<16xi1>
    tpu.vector_store_idx %arg13[%add3A_877], %add3A_872 masked %ge3A_709 : memref<512xi32, #tpu.memory_space<vmem>>[vector<16xi32>], vector<16xi32>, vector<16xi1>
    %add3A_878 = arith.addi %add3A_868, %reduce_sum3A_804 : i32
    %add3A_879 = arith.constant 368 : i32
    %add3A_880 = arith.addi %mul3A_2, %add3A_879 : i32
    %broadcast_in_dim3A_881 = vector.broadcast %add3A_880 : i32 to vector<16xi32>
    %add3A_882 = arith.addi %broadcast_in_dim3A_881, %iota3A : vector<16xi32>
    %sub3A_883 = arith.constant 1 : i32
    %sub3A_884 = vector.broadcast %sub3A_883 : i32 to vector<16xi32>
    %sub3A_885 = arith.subi %masked_cumsum3A_776, %sub3A_884 : vector<16xi32>
    %add3A_886 = vector.broadcast %add3A_878 : i32 to vector<16xi32>
    %add3A_887 = arith.addi %sub3A_885, %add3A_886 : vector<16xi32>
    tpu.vector_store_idx %arg12[%add3A_887], %get3A_688 masked %ge3A_712 : memref<512xi32, #tpu.memory_space<vmem>>[vector<16xi32>], vector<16xi32>, vector<16xi1>
    tpu.vector_store_idx %arg13[%add3A_887], %add3A_882 masked %ge3A_712 : memref<512xi32, #tpu.memory_space<vmem>>[vector<16xi32>], vector<16xi32>, vector<16xi1>
    %add3A_888 = arith.addi %add3A_878, %reduce_sum3A_808 : i32
    %dma_wait3A_889 = arith.constant 3 : i32
    %dma_wait3A_890 = arith.constant 3 : i32
    %dma_wait3A_891 = arith.constant 3 : i32
    %dma_wait3A_892 = arith.constant 0 : i32
    %dma_wait3A_893 = tpu.memref_slice %arg11[%dma_wait3A_890, %dma_wait3A_892] : memref<4x128xi32, #tpu.memory_space<vmem>> -> memref<1x128xi32, #tpu.memory_space<vmem>>
    %dma_wait3A_894 = tpu.memref_squeeze %dma_wait3A_893 : memref<1x128xi32, #tpu.memory_space<vmem>> -> memref<128xi32, #tpu.memory_space<vmem>>
    %dma_wait3A_895 = arith.constant 0 : i32
    %dma_wait3A_896 = tpu.memref_slice %arg10[%dma_wait3A_889, %dma_wait3A_895] : memref<4x128xi32, #tpu.memory_space<vmem>> -> memref<1x128xi32, #tpu.memory_space<vmem>>
    %dma_wait3A_897 = tpu.memref_squeeze %dma_wait3A_896 : memref<1x128xi32, #tpu.memory_space<vmem>> -> memref<128xi32, #tpu.memory_space<vmem>>
    %dma_wait3A_898 = arith.constant 0 : i32
    %dma_wait3A_899 = tpu.memref_slice %arg9[%dma_wait3A_898] : memref<102400xi32, #tpu.memory_space<vmem_shared>> -> memref<102400xi32, #tpu.memory_space<vmem_shared>>
    %dma_wait3A_900 = tpu.memref_slice %arg21[%dma_wait3A_891] : memref<4x!tpu.dma_semaphore, #tpu.memory_space<semaphore_mem>> -> memref<1x!tpu.dma_semaphore, #tpu.memory_space<semaphore_mem>>
    %dma_wait3A_901 = tpu.memref_squeeze %dma_wait3A_900 : memref<1x!tpu.dma_semaphore, #tpu.memory_space<semaphore_mem>> -> memref<!tpu.dma_semaphore, #tpu.memory_space<semaphore_mem>>
    tpu.wait_indirect_dma semaphore(%dma_wait3A_901 : memref<!tpu.dma_semaphore, #tpu.memory_space<semaphore_mem>>) src(%dma_wait3A_899 : memref<102400xi32, #tpu.memory_space<vmem_shared>>) dst(%dma_wait3A_894 : memref<128xi32, #tpu.memory_space<vmem>>)
    %get3A_902 = arith.constant 3 : i32
    %get3A_903 = arith.index_cast %get3A_902 : i32 to index
    %get3A_904 = arith.constant 0 : index
    %get3A_905 = tpu.vector_load %arg11[%get3A_903, %get3A_904] {strides = array<i32>} : memref<4x128xi32, #tpu.memory_space<vmem>>, vector<16xi32>,
    %get3A_906 = arith.constant 3 : i32
    %get3A_907 = arith.index_cast %get3A_906 : i32 to index
    %get3A_908 = arith.constant 16 : index
    %get3A_909 = tpu.vector_load %arg11[%get3A_907, %get3A_908] {strides = array<i32>} : memref<4x128xi32, #tpu.memory_space<vmem>>, vector<16xi32>,
    %get3A_910 = arith.constant 3 : i32
    %get3A_911 = arith.index_cast %get3A_910 : i32 to index
    %get3A_912 = arith.constant 32 : index
    %get3A_913 = tpu.vector_load %arg11[%get3A_911, %get3A_912] {strides = array<i32>} : memref<4x128xi32, #tpu.memory_space<vmem>>, vector<16xi32>,
    %get3A_914 = arith.constant 3 : i32
    %get3A_915 = arith.index_cast %get3A_914 : i32 to index
    %get3A_916 = arith.constant 48 : index
    %get3A_917 = tpu.vector_load %arg11[%get3A_915, %get3A_916] {strides = array<i32>} : memref<4x128xi32, #tpu.memory_space<vmem>>, vector<16xi32>,
    %get3A_918 = arith.constant 3 : i32
    %get3A_919 = arith.index_cast %get3A_918 : i32 to index
    %get3A_920 = arith.constant 64 : index
    %get3A_921 = tpu.vector_load %arg11[%get3A_919, %get3A_920] {strides = array<i32>} : memref<4x128xi32, #tpu.memory_space<vmem>>, vector<16xi32>,
    %get3A_922 = arith.constant 3 : i32
    %get3A_923 = arith.index_cast %get3A_922 : i32 to index
    %get3A_924 = arith.constant 80 : index
    %get3A_925 = tpu.vector_load %arg11[%get3A_923, %get3A_924] {strides = array<i32>} : memref<4x128xi32, #tpu.memory_space<vmem>>, vector<16xi32>,
    %get3A_926 = arith.constant 3 : i32
    %get3A_927 = arith.index_cast %get3A_926 : i32 to index
    %get3A_928 = arith.constant 96 : index
    %get3A_929 = tpu.vector_load %arg11[%get3A_927, %get3A_928] {strides = array<i32>} : memref<4x128xi32, #tpu.memory_space<vmem>>, vector<16xi32>,
    %get3A_930 = arith.constant 3 : i32
    %get3A_931 = arith.index_cast %get3A_930 : i32 to index
    %get3A_932 = arith.constant 112 : index
    %get3A_933 = tpu.vector_load %arg11[%get3A_931, %get3A_932] {strides = array<i32>} : memref<4x128xi32, #tpu.memory_space<vmem>>, vector<16xi32>,
    %ge3A_934 = arith.constant 0 : i32
    %ge3A_935 = vector.broadcast %ge3A_934 : i32 to vector<16xi32>
    %ge3A_936 = arith.cmpi sge, %get3A_905, %ge3A_935 : vector<16xi32>
    %ge3A_937 = arith.constant 0 : i32
    %ge3A_938 = vector.broadcast %ge3A_937 : i32 to vector<16xi32>
    %ge3A_939 = arith.cmpi sge, %get3A_909, %ge3A_938 : vector<16xi32>
    %ge3A_940 = arith.constant 0 : i32
    %ge3A_941 = vector.broadcast %ge3A_940 : i32 to vector<16xi32>
    %ge3A_942 = arith.cmpi sge, %get3A_913, %ge3A_941 : vector<16xi32>
    %ge3A_943 = arith.constant 0 : i32
    %ge3A_944 = vector.broadcast %ge3A_943 : i32 to vector<16xi32>
    %ge3A_945 = arith.cmpi sge, %get3A_917, %ge3A_944 : vector<16xi32>
    %ge3A_946 = arith.constant 0 : i32
    %ge3A_947 = vector.broadcast %ge3A_946 : i32 to vector<16xi32>
    %ge3A_948 = arith.cmpi sge, %get3A_921, %ge3A_947 : vector<16xi32>
    %ge3A_949 = arith.constant 0 : i32
    %ge3A_950 = vector.broadcast %ge3A_949 : i32 to vector<16xi32>
    %ge3A_951 = arith.cmpi sge, %get3A_925, %ge3A_950 : vector<16xi32>
    %ge3A_952 = arith.constant 0 : i32
    %ge3A_953 = vector.broadcast %ge3A_952 : i32 to vector<16xi32>
    %ge3A_954 = arith.cmpi sge, %get3A_929, %ge3A_953 : vector<16xi32>
    %ge3A_955 = arith.constant 0 : i32
    %ge3A_956 = vector.broadcast %ge3A_955 : i32 to vector<16xi32>
    %ge3A_957 = arith.cmpi sge, %get3A_933, %ge3A_956 : vector<16xi32>
    %jit3A_958 = arith.constant 1 : i32
    %jit3A_959 = arith.constant 0 : i32
    %broadcast_in_dim3A_960 = vector.broadcast %jit3A_958 : i32 to vector<16xi32>
    %broadcast_in_dim3A_961 = vector.broadcast %jit3A_959 : i32 to vector<16xi32>
    %select_n3A_962 = arith.select %ge3A_936, %broadcast_in_dim3A_960, %broadcast_in_dim3A_961 : vector<16xi1>, vector<16xi32>
    %jit3A_963 = arith.constant 1 : i32
    %jit3A_964 = arith.constant 0 : i32
    %broadcast_in_dim3A_965 = vector.broadcast %jit3A_963 : i32 to vector<16xi32>
    %broadcast_in_dim3A_966 = vector.broadcast %jit3A_964 : i32 to vector<16xi32>
    %select_n3A_967 = arith.select %ge3A_939, %broadcast_in_dim3A_965, %broadcast_in_dim3A_966 : vector<16xi1>, vector<16xi32>
    %jit3A_968 = arith.constant 1 : i32
    %jit3A_969 = arith.constant 0 : i32
    %broadcast_in_dim3A_970 = vector.broadcast %jit3A_968 : i32 to vector<16xi32>
    %broadcast_in_dim3A_971 = vector.broadcast %jit3A_969 : i32 to vector<16xi32>
    %select_n3A_972 = arith.select %ge3A_942, %broadcast_in_dim3A_970, %broadcast_in_dim3A_971 : vector<16xi1>, vector<16xi32>
    %jit3A_973 = arith.constant 1 : i32
    %jit3A_974 = arith.constant 0 : i32
    %broadcast_in_dim3A_975 = vector.broadcast %jit3A_973 : i32 to vector<16xi32>
    %broadcast_in_dim3A_976 = vector.broadcast %jit3A_974 : i32 to vector<16xi32>
    %select_n3A_977 = arith.select %ge3A_945, %broadcast_in_dim3A_975, %broadcast_in_dim3A_976 : vector<16xi1>, vector<16xi32>
    %jit3A_978 = arith.constant 1 : i32
    %jit3A_979 = arith.constant 0 : i32
    %broadcast_in_dim3A_980 = vector.broadcast %jit3A_978 : i32 to vector<16xi32>
    %broadcast_in_dim3A_981 = vector.broadcast %jit3A_979 : i32 to vector<16xi32>
    %select_n3A_982 = arith.select %ge3A_948, %broadcast_in_dim3A_980, %broadcast_in_dim3A_981 : vector<16xi1>, vector<16xi32>
    %jit3A_983 = arith.constant 1 : i32
    %jit3A_984 = arith.constant 0 : i32
    %broadcast_in_dim3A_985 = vector.broadcast %jit3A_983 : i32 to vector<16xi32>
    %broadcast_in_dim3A_986 = vector.broadcast %jit3A_984 : i32 to vector<16xi32>
    %select_n3A_987 = arith.select %ge3A_951, %broadcast_in_dim3A_985, %broadcast_in_dim3A_986 : vector<16xi1>, vector<16xi32>
    %jit3A_988 = arith.constant 1 : i32
    %jit3A_989 = arith.constant 0 : i32
    %broadcast_in_dim3A_990 = vector.broadcast %jit3A_988 : i32 to vector<16xi32>
    %broadcast_in_dim3A_991 = vector.broadcast %jit3A_989 : i32 to vector<16xi32>
    %select_n3A_992 = arith.select %ge3A_954, %broadcast_in_dim3A_990, %broadcast_in_dim3A_991 : vector<16xi1>, vector<16xi32>
    %jit3A_993 = arith.constant 1 : i32
    %jit3A_994 = arith.constant 0 : i32
    %broadcast_in_dim3A_995 = vector.broadcast %jit3A_993 : i32 to vector<16xi32>
    %broadcast_in_dim3A_996 = vector.broadcast %jit3A_994 : i32 to vector<16xi32>
    %select_n3A_997 = arith.select %ge3A_957, %broadcast_in_dim3A_995, %broadcast_in_dim3A_996 : vector<16xi1>, vector<16xi32>
    %broadcast_in_dim3A_998 = arith.constant true
    %broadcast_in_dim3A_999 = vector.broadcast %broadcast_in_dim3A_998 : i1 to vector<16xi1>
    %masked_cumsum3A_1000 = tpu.scan <sum>, %select_n3A_962 masked %broadcast_in_dim3A_999 : vector<16xi32>, vector<16xi1> -> vector<16xi32>
    %broadcast_in_dim3A_1001 = arith.constant true
    %broadcast_in_dim3A_1002 = vector.broadcast %broadcast_in_dim3A_1001 : i1 to vector<16xi1>
    %masked_cumsum3A_1003 = tpu.scan <sum>, %select_n3A_967 masked %broadcast_in_dim3A_1002 : vector<16xi32>, vector<16xi1> -> vector<16xi32>
    %broadcast_in_dim3A_1004 = arith.constant true
    %broadcast_in_dim3A_1005 = vector.broadcast %broadcast_in_dim3A_1004 : i1 to vector<16xi1>
    %masked_cumsum3A_1006 = tpu.scan <sum>, %select_n3A_972 masked %broadcast_in_dim3A_1005 : vector<16xi32>, vector<16xi1> -> vector<16xi32>
    %broadcast_in_dim3A_1007 = arith.constant true
    %broadcast_in_dim3A_1008 = vector.broadcast %broadcast_in_dim3A_1007 : i1 to vector<16xi1>
    %masked_cumsum3A_1009 = tpu.scan <sum>, %select_n3A_977 masked %broadcast_in_dim3A_1008 : vector<16xi32>, vector<16xi1> -> vector<16xi32>
    %broadcast_in_dim3A_1010 = arith.constant true
    %broadcast_in_dim3A_1011 = vector.broadcast %broadcast_in_dim3A_1010 : i1 to vector<16xi1>
    %masked_cumsum3A_1012 = tpu.scan <sum>, %select_n3A_982 masked %broadcast_in_dim3A_1011 : vector<16xi32>, vector<16xi1> -> vector<16xi32>
    %broadcast_in_dim3A_1013 = arith.constant true
    %broadcast_in_dim3A_1014 = vector.broadcast %broadcast_in_dim3A_1013 : i1 to vector<16xi1>
    %masked_cumsum3A_1015 = tpu.scan <sum>, %select_n3A_987 masked %broadcast_in_dim3A_1014 : vector<16xi32>, vector<16xi1> -> vector<16xi32>
    %broadcast_in_dim3A_1016 = arith.constant true
    %broadcast_in_dim3A_1017 = vector.broadcast %broadcast_in_dim3A_1016 : i1 to vector<16xi1>
    %masked_cumsum3A_1018 = tpu.scan <sum>, %select_n3A_992 masked %broadcast_in_dim3A_1017 : vector<16xi32>, vector<16xi1> -> vector<16xi32>
    %broadcast_in_dim3A_1019 = arith.constant true
    %broadcast_in_dim3A_1020 = vector.broadcast %broadcast_in_dim3A_1019 : i1 to vector<16xi1>
    %masked_cumsum3A_1021 = tpu.scan <sum>, %select_n3A_997 masked %broadcast_in_dim3A_1020 : vector<16xi32>, vector<16xi1> -> vector<16xi32>
    %reduce_sum3A_1022 = arith.constant true
    %reduce_sum3A_1023 = vector.broadcast %reduce_sum3A_1022 : i1 to vector<16xi1>
    %reduce_sum3A_1024 = tpu.scan <sum>, %select_n3A_962 masked %reduce_sum3A_1023 : vector<16xi32>, vector<16xi1> -> vector<16xi32>
    %reduce_sum3A_1025 = vector.extract %reduce_sum3A_1024[15] : i32 from vector<16xi32>
    %reduce_sum3A_1026 = arith.constant true
    %reduce_sum3A_1027 = vector.broadcast %reduce_sum3A_1026 : i1 to vector<16xi1>
    %reduce_sum3A_1028 = tpu.scan <sum>, %select_n3A_967 masked %reduce_sum3A_1027 : vector<16xi32>, vector<16xi1> -> vector<16xi32>
    %reduce_sum3A_1029 = vector.extract %reduce_sum3A_1028[15] : i32 from vector<16xi32>
    %reduce_sum3A_1030 = arith.constant true
    %reduce_sum3A_1031 = vector.broadcast %reduce_sum3A_1030 : i1 to vector<16xi1>
    %reduce_sum3A_1032 = tpu.scan <sum>, %select_n3A_972 masked %reduce_sum3A_1031 : vector<16xi32>, vector<16xi1> -> vector<16xi32>
    %reduce_sum3A_1033 = vector.extract %reduce_sum3A_1032[15] : i32 from vector<16xi32>
    %reduce_sum3A_1034 = arith.constant true
    %reduce_sum3A_1035 = vector.broadcast %reduce_sum3A_1034 : i1 to vector<16xi1>
    %reduce_sum3A_1036 = tpu.scan <sum>, %select_n3A_977 masked %reduce_sum3A_1035 : vector<16xi32>, vector<16xi1> -> vector<16xi32>
    %reduce_sum3A_1037 = vector.extract %reduce_sum3A_1036[15] : i32 from vector<16xi32>
    %reduce_sum3A_1038 = arith.constant true
    %reduce_sum3A_1039 = vector.broadcast %reduce_sum3A_1038 : i1 to vector<16xi1>
    %reduce_sum3A_1040 = tpu.scan <sum>, %select_n3A_982 masked %reduce_sum3A_1039 : vector<16xi32>, vector<16xi1> -> vector<16xi32>
    %reduce_sum3A_1041 = vector.extract %reduce_sum3A_1040[15] : i32 from vector<16xi32>
    %reduce_sum3A_1042 = arith.constant true
    %reduce_sum3A_1043 = vector.broadcast %reduce_sum3A_1042 : i1 to vector<16xi1>
    %reduce_sum3A_1044 = tpu.scan <sum>, %select_n3A_987 masked %reduce_sum3A_1043 : vector<16xi32>, vector<16xi1> -> vector<16xi32>
    %reduce_sum3A_1045 = vector.extract %reduce_sum3A_1044[15] : i32 from vector<16xi32>
    %reduce_sum3A_1046 = arith.constant true
    %reduce_sum3A_1047 = vector.broadcast %reduce_sum3A_1046 : i1 to vector<16xi1>
    %reduce_sum3A_1048 = tpu.scan <sum>, %select_n3A_992 masked %reduce_sum3A_1047 : vector<16xi32>, vector<16xi1> -> vector<16xi32>
    %reduce_sum3A_1049 = vector.extract %reduce_sum3A_1048[15] : i32 from vector<16xi32>
    %reduce_sum3A_1050 = arith.constant true
    %reduce_sum3A_1051 = vector.broadcast %reduce_sum3A_1050 : i1 to vector<16xi1>
    %reduce_sum3A_1052 = tpu.scan <sum>, %select_n3A_997 masked %reduce_sum3A_1051 : vector<16xi32>, vector<16xi1> -> vector<16xi32>
    %reduce_sum3A_1053 = vector.extract %reduce_sum3A_1052[15] : i32 from vector<16xi32>
    %add3A_1054 = arith.constant 384 : i32
    %add3A_1055 = arith.addi %mul3A_2, %add3A_1054 : i32
    %broadcast_in_dim3A_1056 = vector.broadcast %add3A_1055 : i32 to vector<16xi32>
    %add3A_1057 = arith.addi %broadcast_in_dim3A_1056, %iota3A : vector<16xi32>
    %sub3A_1058 = arith.constant 1 : i32
    %sub3A_1059 = vector.broadcast %sub3A_1058 : i32 to vector<16xi32>
    %sub3A_1060 = arith.subi %masked_cumsum3A_1000, %sub3A_1059 : vector<16xi32>
    %add3A_1061 = vector.broadcast %add3A_888 : i32 to vector<16xi32>
    %add3A_1062 = arith.addi %sub3A_1060, %add3A_1061 : vector<16xi32>
    tpu.vector_store_idx %arg12[%add3A_1062], %get3A_905 masked %ge3A_936 : memref<512xi32, #tpu.memory_space<vmem>>[vector<16xi32>], vector<16xi32>, vector<16xi1>
    tpu.vector_store_idx %arg13[%add3A_1062], %add3A_1057 masked %ge3A_936 : memref<512xi32, #tpu.memory_space<vmem>>[vector<16xi32>], vector<16xi32>, vector<16xi1>
    %add3A_1063 = arith.addi %add3A_888, %reduce_sum3A_1025 : i32
    %add3A_1064 = arith.constant 400 : i32
    %add3A_1065 = arith.addi %mul3A_2, %add3A_1064 : i32
    %broadcast_in_dim3A_1066 = vector.broadcast %add3A_1065 : i32 to vector<16xi32>
    %add3A_1067 = arith.addi %broadcast_in_dim3A_1066, %iota3A : vector<16xi32>
    %sub3A_1068 = arith.constant 1 : i32
    %sub3A_1069 = vector.broadcast %sub3A_1068 : i32 to vector<16xi32>
    %sub3A_1070 = arith.subi %masked_cumsum3A_1003, %sub3A_1069 : vector<16xi32>
    %add3A_1071 = vector.broadcast %add3A_1063 : i32 to vector<16xi32>
    %add3A_1072 = arith.addi %sub3A_1070, %add3A_1071 : vector<16xi32>
    tpu.vector_store_idx %arg12[%add3A_1072], %get3A_909 masked %ge3A_939 : memref<512xi32, #tpu.memory_space<vmem>>[vector<16xi32>], vector<16xi32>, vector<16xi1>
    tpu.vector_store_idx %arg13[%add3A_1072], %add3A_1067 masked %ge3A_939 : memref<512xi32, #tpu.memory_space<vmem>>[vector<16xi32>], vector<16xi32>, vector<16xi1>
    %add3A_1073 = arith.addi %add3A_1063, %reduce_sum3A_1029 : i32
    %add3A_1074 = arith.constant 416 : i32
    %add3A_1075 = arith.addi %mul3A_2, %add3A_1074 : i32
    %broadcast_in_dim3A_1076 = vector.broadcast %add3A_1075 : i32 to vector<16xi32>
    %add3A_1077 = arith.addi %broadcast_in_dim3A_1076, %iota3A : vector<16xi32>
    %sub3A_1078 = arith.constant 1 : i32
    %sub3A_1079 = vector.broadcast %sub3A_1078 : i32 to vector<16xi32>
    %sub3A_1080 = arith.subi %masked_cumsum3A_1006, %sub3A_1079 : vector<16xi32>
    %add3A_1081 = vector.broadcast %add3A_1073 : i32 to vector<16xi32>
    %add3A_1082 = arith.addi %sub3A_1080, %add3A_1081 : vector<16xi32>
    tpu.vector_store_idx %arg12[%add3A_1082], %get3A_913 masked %ge3A_942 : memref<512xi32, #tpu.memory_space<vmem>>[vector<16xi32>], vector<16xi32>, vector<16xi1>
    tpu.vector_store_idx %arg13[%add3A_1082], %add3A_1077 masked %ge3A_942 : memref<512xi32, #tpu.memory_space<vmem>>[vector<16xi32>], vector<16xi32>, vector<16xi1>
    %add3A_1083 = arith.addi %add3A_1073, %reduce_sum3A_1033 : i32
    %add3A_1084 = arith.constant 432 : i32
    %add3A_1085 = arith.addi %mul3A_2, %add3A_1084 : i32
    %broadcast_in_dim3A_1086 = vector.broadcast %add3A_1085 : i32 to vector<16xi32>
    %add3A_1087 = arith.addi %broadcast_in_dim3A_1086, %iota3A : vector<16xi32>
    %sub3A_1088 = arith.constant 1 : i32
    %sub3A_1089 = vector.broadcast %sub3A_1088 : i32 to vector<16xi32>
    %sub3A_1090 = arith.subi %masked_cumsum3A_1009, %sub3A_1089 : vector<16xi32>
    %add3A_1091 = vector.broadcast %add3A_1083 : i32 to vector<16xi32>
    %add3A_1092 = arith.addi %sub3A_1090, %add3A_1091 : vector<16xi32>
    tpu.vector_store_idx %arg12[%add3A_1092], %get3A_917 masked %ge3A_945 : memref<512xi32, #tpu.memory_space<vmem>>[vector<16xi32>], vector<16xi32>, vector<16xi1>
    tpu.vector_store_idx %arg13[%add3A_1092], %add3A_1087 masked %ge3A_945 : memref<512xi32, #tpu.memory_space<vmem>>[vector<16xi32>], vector<16xi32>, vector<16xi1>
    %add3A_1093 = arith.addi %add3A_1083, %reduce_sum3A_1037 : i32
    %add3A_1094 = arith.constant 448 : i32
    %add3A_1095 = arith.addi %mul3A_2, %add3A_1094 : i32
    %broadcast_in_dim3A_1096 = vector.broadcast %add3A_1095 : i32 to vector<16xi32>
    %add3A_1097 = arith.addi %broadcast_in_dim3A_1096, %iota3A : vector<16xi32>
    %sub3A_1098 = arith.constant 1 : i32
    %sub3A_1099 = vector.broadcast %sub3A_1098 : i32 to vector<16xi32>
    %sub3A_1100 = arith.subi %masked_cumsum3A_1012, %sub3A_1099 : vector<16xi32>
    %add3A_1101 = vector.broadcast %add3A_1093 : i32 to vector<16xi32>
    %add3A_1102 = arith.addi %sub3A_1100, %add3A_1101 : vector<16xi32>
    tpu.vector_store_idx %arg12[%add3A_1102], %get3A_921 masked %ge3A_948 : memref<512xi32, #tpu.memory_space<vmem>>[vector<16xi32>], vector<16xi32>, vector<16xi1>
    tpu.vector_store_idx %arg13[%add3A_1102], %add3A_1097 masked %ge3A_948 : memref<512xi32, #tpu.memory_space<vmem>>[vector<16xi32>], vector<16xi32>, vector<16xi1>
    %add3A_1103 = arith.addi %add3A_1093, %reduce_sum3A_1041 : i32
    %add3A_1104 = arith.constant 464 : i32
    %add3A_1105 = arith.addi %mul3A_2, %add3A_1104 : i32
    %broadcast_in_dim3A_1106 = vector.broadcast %add3A_1105 : i32 to vector<16xi32>
    %add3A_1107 = arith.addi %broadcast_in_dim3A_1106, %iota3A : vector<16xi32>
    %sub3A_1108 = arith.constant 1 : i32
    %sub3A_1109 = vector.broadcast %sub3A_1108 : i32 to vector<16xi32>
    %sub3A_1110 = arith.subi %masked_cumsum3A_1015, %sub3A_1109 : vector<16xi32>
    %add3A_1111 = vector.broadcast %add3A_1103 : i32 to vector<16xi32>
    %add3A_1112 = arith.addi %sub3A_1110, %add3A_1111 : vector<16xi32>
    tpu.vector_store_idx %arg12[%add3A_1112], %get3A_925 masked %ge3A_951 : memref<512xi32, #tpu.memory_space<vmem>>[vector<16xi32>], vector<16xi32>, vector<16xi1>
    tpu.vector_store_idx %arg13[%add3A_1112], %add3A_1107 masked %ge3A_951 : memref<512xi32, #tpu.memory_space<vmem>>[vector<16xi32>], vector<16xi32>, vector<16xi1>
    %add3A_1113 = arith.addi %add3A_1103, %reduce_sum3A_1045 : i32
    %add3A_1114 = arith.constant 480 : i32
    %add3A_1115 = arith.addi %mul3A_2, %add3A_1114 : i32
    %broadcast_in_dim3A_1116 = vector.broadcast %add3A_1115 : i32 to vector<16xi32>
    %add3A_1117 = arith.addi %broadcast_in_dim3A_1116, %iota3A : vector<16xi32>
    %sub3A_1118 = arith.constant 1 : i32
    %sub3A_1119 = vector.broadcast %sub3A_1118 : i32 to vector<16xi32>
    %sub3A_1120 = arith.subi %masked_cumsum3A_1018, %sub3A_1119 : vector<16xi32>
    %add3A_1121 = vector.broadcast %add3A_1113 : i32 to vector<16xi32>
    %add3A_1122 = arith.addi %sub3A_1120, %add3A_1121 : vector<16xi32>
    tpu.vector_store_idx %arg12[%add3A_1122], %get3A_929 masked %ge3A_954 : memref<512xi32, #tpu.memory_space<vmem>>[vector<16xi32>], vector<16xi32>, vector<16xi1>
    tpu.vector_store_idx %arg13[%add3A_1122], %add3A_1117 masked %ge3A_954 : memref<512xi32, #tpu.memory_space<vmem>>[vector<16xi32>], vector<16xi32>, vector<16xi1>
    %add3A_1123 = arith.addi %add3A_1113, %reduce_sum3A_1049 : i32
    %add3A_1124 = arith.constant 496 : i32
    %add3A_1125 = arith.addi %mul3A_2, %add3A_1124 : i32
    %broadcast_in_dim3A_1126 = vector.broadcast %add3A_1125 : i32 to vector<16xi32>
    %add3A_1127 = arith.addi %broadcast_in_dim3A_1126, %iota3A : vector<16xi32>
    %sub3A_1128 = arith.constant 1 : i32
    %sub3A_1129 = vector.broadcast %sub3A_1128 : i32 to vector<16xi32>
    %sub3A_1130 = arith.subi %masked_cumsum3A_1021, %sub3A_1129 : vector<16xi32>
    %add3A_1131 = vector.broadcast %add3A_1123 : i32 to vector<16xi32>
    %add3A_1132 = arith.addi %sub3A_1130, %add3A_1131 : vector<16xi32>
    tpu.vector_store_idx %arg12[%add3A_1132], %get3A_933 masked %ge3A_957 : memref<512xi32, #tpu.memory_space<vmem>>[vector<16xi32>], vector<16xi32>, vector<16xi1>
    tpu.vector_store_idx %arg13[%add3A_1132], %add3A_1127 masked %ge3A_957 : memref<512xi32, #tpu.memory_space<vmem>>[vector<16xi32>], vector<16xi32>, vector<16xi1>
    %add3A_1133 = arith.addi %add3A_1123, %reduce_sum3A_1053 : i32
    %broadcast_in_dim3A_1134 = arith.constant 0 : i32
    %broadcast_in_dim3A_1135 = vector.broadcast %broadcast_in_dim3A_1134 : i32 to vector<16xi32>
    %get3A_1136 = arith.constant 0 : index
    %get3A_1137 = tpu.vector_load %arg12[%get3A_1136] {strides = array<i32>} : memref<512xi32, #tpu.memory_space<vmem>>, vector<16xi32>,
    %get3A_1138 = arith.constant 0 : index
    %get3A_1139 = tpu.vector_load %arg13[%get3A_1138] {strides = array<i32>} : memref<512xi32, #tpu.memory_space<vmem>>, vector<16xi32>,
    %lt3A = arith.constant 0 : i32
    %lt3A_1140 = vector.broadcast %lt3A : i32 to vector<16xi32>
    %lt3A_1141 = arith.cmpi slt, %broadcast_in_dim3A_1135, %lt3A_1140 : vector<16xi32>
    %add3A_1142 = arith.constant 16 : i32
    %add3A_1143 = vector.broadcast %add3A_1142 : i32 to vector<16xi32>
    %add3A_1144 = arith.addi %broadcast_in_dim3A_1135, %add3A_1143 : vector<16xi32>
    %select_n3A_1145 = arith.select %lt3A_1141, %add3A_1144, %broadcast_in_dim3A_1135 : vector<16xi1>, vector<16xi32>
    %broadcast_in_dim3A_1146 = vector.shape_cast %select_n3A_1145 : vector<16xi32> to vector<16x1xi32>
    %gather3A = vector.shape_cast %broadcast_in_dim3A_1146 : vector<16x1xi32> to vector<16xi32>
    %gather3A_1147 = tpu.dynamic_gather %get3A_1137[%gather3A] in [0] : vector<16xi32>, vector<16xi32> -> vector<16xi32>
    %lt3A_1148 = arith.constant 0 : i32
    %lt3A_1149 = vector.broadcast %lt3A_1148 : i32 to vector<16xi32>
    %lt3A_1150 = arith.cmpi slt, %broadcast_in_dim3A_1135, %lt3A_1149 : vector<16xi32>
    %add3A_1151 = arith.constant 16 : i32
    %add3A_1152 = vector.broadcast %add3A_1151 : i32 to vector<16xi32>
    %add3A_1153 = arith.addi %broadcast_in_dim3A_1135, %add3A_1152 : vector<16xi32>
    %select_n3A_1154 = arith.select %lt3A_1150, %add3A_1153, %broadcast_in_dim3A_1135 : vector<16xi1>, vector<16xi32>
    %broadcast_in_dim3A_1155 = vector.shape_cast %select_n3A_1154 : vector<16xi32> to vector<16x1xi32>
    %gather3A_1156 = vector.shape_cast %broadcast_in_dim3A_1155 : vector<16x1xi32> to vector<16xi32>
    %gather3A_1157 = tpu.dynamic_gather %get3A_1139[%gather3A_1156] in [0] : vector<16xi32>, vector<16xi32> -> vector<16xi32>
    %broadcast_in_dim3A_1158 = arith.constant 0 : i32
    %broadcast_in_dim3A_1159 = vector.broadcast %broadcast_in_dim3A_1158 : i32 to vector<16xi32>
    %add3A_1160 = vector.broadcast %add3A_1133 : i32 to vector<16xi32>
    %add3A_1161 = arith.addi %broadcast_in_dim3A_1159, %add3A_1160 : vector<16xi32>
    %broadcast_in_dim3A_1162 = arith.constant 0 : i32
    %broadcast_in_dim3A_1163 = vector.broadcast %broadcast_in_dim3A_1162 : i32 to vector<16xi32>
    %add3A_1164 = arith.addi %broadcast_in_dim3A_1163, %iota3A : vector<16xi32>
    %lt3A_1165 = arith.cmpi slt, %add3A_1164, %add3A_1161 : vector<16xi32>
    %get3A_1166 = arith.constant 0 : index
    %get3A_1167 = tpu.vector_load %arg12[%get3A_1166] {strides = array<i32>} : memref<512xi32, #tpu.memory_space<vmem>>, vector<16xi32>,
    %select_n3A_1168 = arith.select %lt3A_1165, %get3A_1167, %gather3A_1147 : vector<16xi1>, vector<16xi32>
    %swap3A = arith.constant 0 : i32
    %swap3A_1169 = arith.index_cast %swap3A : i32 to index
    %swap3A_1170 = arith.constant 0 : index
    %swap3A_1171 = tpu.vector_load %arg14[%swap3A_1169, %swap3A_1170] {strides = array<i32>} : memref<4x128xi32, #tpu.memory_space<vmem>>, vector<16xi32>,
    tpu.vector_store %arg14[%swap3A_1169, %swap3A_1170], %select_n3A_1168 {strides = array<i32>} : memref<4x128xi32, #tpu.memory_space<vmem>>, vector<16xi32>,
    %get3A_1172 = arith.constant 0 : index
    %get3A_1173 = tpu.vector_load %arg13[%get3A_1172] {strides = array<i32>} : memref<512xi32, #tpu.memory_space<vmem>>, vector<16xi32>,
    %select_n3A_1174 = arith.select %lt3A_1165, %get3A_1173, %gather3A_1157 : vector<16xi1>, vector<16xi32>
    %swap3A_1175 = arith.constant 0 : i32
    %swap3A_1176 = arith.index_cast %swap3A_1175 : i32 to index
    %swap3A_1177 = arith.constant 0 : index
    %swap3A_1178 = tpu.vector_load %arg15[%swap3A_1176, %swap3A_1177] {strides = array<i32>} : memref<4x128xi32, #tpu.memory_space<vmem>>, vector<16xi32>,
    tpu.vector_store %arg15[%swap3A_1176, %swap3A_1177], %select_n3A_1174 {strides = array<i32>} : memref<4x128xi32, #tpu.memory_space<vmem>>, vector<16xi32>,
    %broadcast_in_dim3A_1179 = arith.constant 16 : i32
    %broadcast_in_dim3A_1180 = vector.broadcast %broadcast_in_dim3A_1179 : i32 to vector<16xi32>
    %add3A_1181 = arith.addi %broadcast_in_dim3A_1180, %iota3A : vector<16xi32>
    %lt3A_1182 = arith.cmpi slt, %add3A_1181, %add3A_1161 : vector<16xi32>
    %get3A_1183 = arith.constant 16 : index
    %get3A_1184 = tpu.vector_load %arg12[%get3A_1183] {strides = array<i32>} : memref<512xi32, #tpu.memory_space<vmem>>, vector<16xi32>,
    %select_n3A_1185 = arith.select %lt3A_1182, %get3A_1184, %gather3A_1147 : vector<16xi1>, vector<16xi32>
    %swap3A_1186 = arith.constant 0 : i32
    %swap3A_1187 = arith.index_cast %swap3A_1186 : i32 to index
    %swap3A_1188 = arith.constant 16 : index
    %swap3A_1189 = tpu.vector_load %arg14[%swap3A_1187, %swap3A_1188] {strides = array<i32>} : memref<4x128xi32, #tpu.memory_space<vmem>>, vector<16xi32>,
    tpu.vector_store %arg14[%swap3A_1187, %swap3A_1188], %select_n3A_1185 {strides = array<i32>} : memref<4x128xi32, #tpu.memory_space<vmem>>, vector<16xi32>,
    %get3A_1190 = arith.constant 16 : index
    %get3A_1191 = tpu.vector_load %arg13[%get3A_1190] {strides = array<i32>} : memref<512xi32, #tpu.memory_space<vmem>>, vector<16xi32>,
    %select_n3A_1192 = arith.select %lt3A_1182, %get3A_1191, %gather3A_1157 : vector<16xi1>, vector<16xi32>
    %swap3A_1193 = arith.constant 0 : i32
    %swap3A_1194 = arith.index_cast %swap3A_1193 : i32 to index
    %swap3A_1195 = arith.constant 16 : index
    %swap3A_1196 = tpu.vector_load %arg15[%swap3A_1194, %swap3A_1195] {strides = array<i32>} : memref<4x128xi32, #tpu.memory_space<vmem>>, vector<16xi32>,
    tpu.vector_store %arg15[%swap3A_1194, %swap3A_1195], %select_n3A_1192 {strides = array<i32>} : memref<4x128xi32, #tpu.memory_space<vmem>>, vector<16xi32>,
    %broadcast_in_dim3A_1197 = arith.constant 32 : i32
    %broadcast_in_dim3A_1198 = vector.broadcast %broadcast_in_dim3A_1197 : i32 to vector<16xi32>
    %add3A_1199 = arith.addi %broadcast_in_dim3A_1198, %iota3A : vector<16xi32>
    %lt3A_1200 = arith.cmpi slt, %add3A_1199, %add3A_1161 : vector<16xi32>
    %get3A_1201 = arith.constant 32 : index
    %get3A_1202 = tpu.vector_load %arg12[%get3A_1201] {strides = array<i32>} : memref<512xi32, #tpu.memory_space<vmem>>, vector<16xi32>,
    %select_n3A_1203 = arith.select %lt3A_1200, %get3A_1202, %gather3A_1147 : vector<16xi1>, vector<16xi32>
    %swap3A_1204 = arith.constant 0 : i32
    %swap3A_1205 = arith.index_cast %swap3A_1204 : i32 to index
    %swap3A_1206 = arith.constant 32 : index
    %swap3A_1207 = tpu.vector_load %arg14[%swap3A_1205, %swap3A_1206] {strides = array<i32>} : memref<4x128xi32, #tpu.memory_space<vmem>>, vector<16xi32>,
    tpu.vector_store %arg14[%swap3A_1205, %swap3A_1206], %select_n3A_1203 {strides = array<i32>} : memref<4x128xi32, #tpu.memory_space<vmem>>, vector<16xi32>,
    %get3A_1208 = arith.constant 32 : index
    %get3A_1209 = tpu.vector_load %arg13[%get3A_1208] {strides = array<i32>} : memref<512xi32, #tpu.memory_space<vmem>>, vector<16xi32>,
    %select_n3A_1210 = arith.select %lt3A_1200, %get3A_1209, %gather3A_1157 : vector<16xi1>, vector<16xi32>
    %swap3A_1211 = arith.constant 0 : i32
    %swap3A_1212 = arith.index_cast %swap3A_1211 : i32 to index
    %swap3A_1213 = arith.constant 32 : index
    %swap3A_1214 = tpu.vector_load %arg15[%swap3A_1212, %swap3A_1213] {strides = array<i32>} : memref<4x128xi32, #tpu.memory_space<vmem>>, vector<16xi32>,
    tpu.vector_store %arg15[%swap3A_1212, %swap3A_1213], %select_n3A_1210 {strides = array<i32>} : memref<4x128xi32, #tpu.memory_space<vmem>>, vector<16xi32>,
    %broadcast_in_dim3A_1215 = arith.constant 48 : i32
    %broadcast_in_dim3A_1216 = vector.broadcast %broadcast_in_dim3A_1215 : i32 to vector<16xi32>
    %add3A_1217 = arith.addi %broadcast_in_dim3A_1216, %iota3A : vector<16xi32>
    %lt3A_1218 = arith.cmpi slt, %add3A_1217, %add3A_1161 : vector<16xi32>
    %get3A_1219 = arith.constant 48 : index
    %get3A_1220 = tpu.vector_load %arg12[%get3A_1219] {strides = array<i32>} : memref<512xi32, #tpu.memory_space<vmem>>, vector<16xi32>,
    %select_n3A_1221 = arith.select %lt3A_1218, %get3A_1220, %gather3A_1147 : vector<16xi1>, vector<16xi32>
    %swap3A_1222 = arith.constant 0 : i32
    %swap3A_1223 = arith.index_cast %swap3A_1222 : i32 to index
    %swap3A_1224 = arith.constant 48 : index
    %swap3A_1225 = tpu.vector_load %arg14[%swap3A_1223, %swap3A_1224] {strides = array<i32>} : memref<4x128xi32, #tpu.memory_space<vmem>>, vector<16xi32>,
    tpu.vector_store %arg14[%swap3A_1223, %swap3A_1224], %select_n3A_1221 {strides = array<i32>} : memref<4x128xi32, #tpu.memory_space<vmem>>, vector<16xi32>,
    %get3A_1226 = arith.constant 48 : index
    %get3A_1227 = tpu.vector_load %arg13[%get3A_1226] {strides = array<i32>} : memref<512xi32, #tpu.memory_space<vmem>>, vector<16xi32>,
    %select_n3A_1228 = arith.select %lt3A_1218, %get3A_1227, %gather3A_1157 : vector<16xi1>, vector<16xi32>
    %swap3A_1229 = arith.constant 0 : i32
    %swap3A_1230 = arith.index_cast %swap3A_1229 : i32 to index
    %swap3A_1231 = arith.constant 48 : index
    %swap3A_1232 = tpu.vector_load %arg15[%swap3A_1230, %swap3A_1231] {strides = array<i32>} : memref<4x128xi32, #tpu.memory_space<vmem>>, vector<16xi32>,
    tpu.vector_store %arg15[%swap3A_1230, %swap3A_1231], %select_n3A_1228 {strides = array<i32>} : memref<4x128xi32, #tpu.memory_space<vmem>>, vector<16xi32>,
    %broadcast_in_dim3A_1233 = arith.constant 64 : i32
    %broadcast_in_dim3A_1234 = vector.broadcast %broadcast_in_dim3A_1233 : i32 to vector<16xi32>
    %add3A_1235 = arith.addi %broadcast_in_dim3A_1234, %iota3A : vector<16xi32>
    %lt3A_1236 = arith.cmpi slt, %add3A_1235, %add3A_1161 : vector<16xi32>
    %get3A_1237 = arith.constant 64 : index
    %get3A_1238 = tpu.vector_load %arg12[%get3A_1237] {strides = array<i32>} : memref<512xi32, #tpu.memory_space<vmem>>, vector<16xi32>,
    %select_n3A_1239 = arith.select %lt3A_1236, %get3A_1238, %gather3A_1147 : vector<16xi1>, vector<16xi32>
    %swap3A_1240 = arith.constant 0 : i32
    %swap3A_1241 = arith.index_cast %swap3A_1240 : i32 to index
    %swap3A_1242 = arith.constant 64 : index
    %swap3A_1243 = tpu.vector_load %arg14[%swap3A_1241, %swap3A_1242] {strides = array<i32>} : memref<4x128xi32, #tpu.memory_space<vmem>>, vector<16xi32>,
    tpu.vector_store %arg14[%swap3A_1241, %swap3A_1242], %select_n3A_1239 {strides = array<i32>} : memref<4x128xi32, #tpu.memory_space<vmem>>, vector<16xi32>,
    %get3A_1244 = arith.constant 64 : index
    %get3A_1245 = tpu.vector_load %arg13[%get3A_1244] {strides = array<i32>} : memref<512xi32, #tpu.memory_space<vmem>>, vector<16xi32>,
    %select_n3A_1246 = arith.select %lt3A_1236, %get3A_1245, %gather3A_1157 : vector<16xi1>, vector<16xi32>
    %swap3A_1247 = arith.constant 0 : i32
    %swap3A_1248 = arith.index_cast %swap3A_1247 : i32 to index
    %swap3A_1249 = arith.constant 64 : index
    %swap3A_1250 = tpu.vector_load %arg15[%swap3A_1248, %swap3A_1249] {strides = array<i32>} : memref<4x128xi32, #tpu.memory_space<vmem>>, vector<16xi32>,
    tpu.vector_store %arg15[%swap3A_1248, %swap3A_1249], %select_n3A_1246 {strides = array<i32>} : memref<4x128xi32, #tpu.memory_space<vmem>>, vector<16xi32>,
    %broadcast_in_dim3A_1251 = arith.constant 80 : i32
    %broadcast_in_dim3A_1252 = vector.broadcast %broadcast_in_dim3A_1251 : i32 to vector<16xi32>
    %add3A_1253 = arith.addi %broadcast_in_dim3A_1252, %iota3A : vector<16xi32>
    %lt3A_1254 = arith.cmpi slt, %add3A_1253, %add3A_1161 : vector<16xi32>
    %get3A_1255 = arith.constant 80 : index
    %get3A_1256 = tpu.vector_load %arg12[%get3A_1255] {strides = array<i32>} : memref<512xi32, #tpu.memory_space<vmem>>, vector<16xi32>,
    %select_n3A_1257 = arith.select %lt3A_1254, %get3A_1256, %gather3A_1147 : vector<16xi1>, vector<16xi32>
    %swap3A_1258 = arith.constant 0 : i32
    %swap3A_1259 = arith.index_cast %swap3A_1258 : i32 to index
    %swap3A_1260 = arith.constant 80 : index
    %swap3A_1261 = tpu.vector_load %arg14[%swap3A_1259, %swap3A_1260] {strides = array<i32>} : memref<4x128xi32, #tpu.memory_space<vmem>>, vector<16xi32>,
    tpu.vector_store %arg14[%swap3A_1259, %swap3A_1260], %select_n3A_1257 {strides = array<i32>} : memref<4x128xi32, #tpu.memory_space<vmem>>, vector<16xi32>,
    %get3A_1262 = arith.constant 80 : index
    %get3A_1263 = tpu.vector_load %arg13[%get3A_1262] {strides = array<i32>} : memref<512xi32, #tpu.memory_space<vmem>>, vector<16xi32>,
    %select_n3A_1264 = arith.select %lt3A_1254, %get3A_1263, %gather3A_1157 : vector<16xi1>, vector<16xi32>
    %swap3A_1265 = arith.constant 0 : i32
    %swap3A_1266 = arith.index_cast %swap3A_1265 : i32 to index
    %swap3A_1267 = arith.constant 80 : index
    %swap3A_1268 = tpu.vector_load %arg15[%swap3A_1266, %swap3A_1267] {strides = array<i32>} : memref<4x128xi32, #tpu.memory_space<vmem>>, vector<16xi32>,
    tpu.vector_store %arg15[%swap3A_1266, %swap3A_1267], %select_n3A_1264 {strides = array<i32>} : memref<4x128xi32, #tpu.memory_space<vmem>>, vector<16xi32>,
    %broadcast_in_dim3A_1269 = arith.constant 96 : i32
    %broadcast_in_dim3A_1270 = vector.broadcast %broadcast_in_dim3A_1269 : i32 to vector<16xi32>
    %add3A_1271 = arith.addi %broadcast_in_dim3A_1270, %iota3A : vector<16xi32>
    %lt3A_1272 = arith.cmpi slt, %add3A_1271, %add3A_1161 : vector<16xi32>
    %get3A_1273 = arith.constant 96 : index
    %get3A_1274 = tpu.vector_load %arg12[%get3A_1273] {strides = array<i32>} : memref<512xi32, #tpu.memory_space<vmem>>, vector<16xi32>,
    %select_n3A_1275 = arith.select %lt3A_1272, %get3A_1274, %gather3A_1147 : vector<16xi1>, vector<16xi32>
    %swap3A_1276 = arith.constant 0 : i32
    %swap3A_1277 = arith.index_cast %swap3A_1276 : i32 to index
    %swap3A_1278 = arith.constant 96 : index
    %swap3A_1279 = tpu.vector_load %arg14[%swap3A_1277, %swap3A_1278] {strides = array<i32>} : memref<4x128xi32, #tpu.memory_space<vmem>>, vector<16xi32>,
    tpu.vector_store %arg14[%swap3A_1277, %swap3A_1278], %select_n3A_1275 {strides = array<i32>} : memref<4x128xi32, #tpu.memory_space<vmem>>, vector<16xi32>,
    %get3A_1280 = arith.constant 96 : index
    %get3A_1281 = tpu.vector_load %arg13[%get3A_1280] {strides = array<i32>} : memref<512xi32, #tpu.memory_space<vmem>>, vector<16xi32>,
    %select_n3A_1282 = arith.select %lt3A_1272, %get3A_1281, %gather3A_1157 : vector<16xi1>, vector<16xi32>
    %swap3A_1283 = arith.constant 0 : i32
    %swap3A_1284 = arith.index_cast %swap3A_1283 : i32 to index
    %swap3A_1285 = arith.constant 96 : index
    %swap3A_1286 = tpu.vector_load %arg15[%swap3A_1284, %swap3A_1285] {strides = array<i32>} : memref<4x128xi32, #tpu.memory_space<vmem>>, vector<16xi32>,
    tpu.vector_store %arg15[%swap3A_1284, %swap3A_1285], %select_n3A_1282 {strides = array<i32>} : memref<4x128xi32, #tpu.memory_space<vmem>>, vector<16xi32>,
    %broadcast_in_dim3A_1287 = arith.constant 112 : i32
    %broadcast_in_dim3A_1288 = vector.broadcast %broadcast_in_dim3A_1287 : i32 to vector<16xi32>
    %add3A_1289 = arith.addi %broadcast_in_dim3A_1288, %iota3A : vector<16xi32>
    %lt3A_1290 = arith.cmpi slt, %add3A_1289, %add3A_1161 : vector<16xi32>
    %get3A_1291 = arith.constant 112 : index
    %get3A_1292 = tpu.vector_load %arg12[%get3A_1291] {strides = array<i32>} : memref<512xi32, #tpu.memory_space<vmem>>, vector<16xi32>,
    %select_n3A_1293 = arith.select %lt3A_1290, %get3A_1292, %gather3A_1147 : vector<16xi1>, vector<16xi32>
    %swap3A_1294 = arith.constant 0 : i32
    %swap3A_1295 = arith.index_cast %swap3A_1294 : i32 to index
    %swap3A_1296 = arith.constant 112 : index
    %swap3A_1297 = tpu.vector_load %arg14[%swap3A_1295, %swap3A_1296] {strides = array<i32>} : memref<4x128xi32, #tpu.memory_space<vmem>>, vector<16xi32>,
    tpu.vector_store %arg14[%swap3A_1295, %swap3A_1296], %select_n3A_1293 {strides = array<i32>} : memref<4x128xi32, #tpu.memory_space<vmem>>, vector<16xi32>,
    %get3A_1298 = arith.constant 112 : index
    %get3A_1299 = tpu.vector_load %arg13[%get3A_1298] {strides = array<i32>} : memref<512xi32, #tpu.memory_space<vmem>>, vector<16xi32>,
    %select_n3A_1300 = arith.select %lt3A_1290, %get3A_1299, %gather3A_1157 : vector<16xi1>, vector<16xi32>
    %swap3A_1301 = arith.constant 0 : i32
    %swap3A_1302 = arith.index_cast %swap3A_1301 : i32 to index
    %swap3A_1303 = arith.constant 112 : index
    %swap3A_1304 = tpu.vector_load %arg15[%swap3A_1302, %swap3A_1303] {strides = array<i32>} : memref<4x128xi32, #tpu.memory_space<vmem>>, vector<16xi32>,
    tpu.vector_store %arg15[%swap3A_1302, %swap3A_1303], %select_n3A_1300 {strides = array<i32>} : memref<4x128xi32, #tpu.memory_space<vmem>>, vector<16xi32>,
    %broadcast_in_dim3A_1305 = arith.constant 128 : i32
    %broadcast_in_dim3A_1306 = vector.broadcast %broadcast_in_dim3A_1305 : i32 to vector<16xi32>
    %add3A_1307 = arith.addi %broadcast_in_dim3A_1306, %iota3A : vector<16xi32>
    %lt3A_1308 = arith.cmpi slt, %add3A_1307, %add3A_1161 : vector<16xi32>
    %get3A_1309 = arith.constant 128 : index
    %get3A_1310 = tpu.vector_load %arg12[%get3A_1309] {strides = array<i32>} : memref<512xi32, #tpu.memory_space<vmem>>, vector<16xi32>,
    %select_n3A_1311 = arith.select %lt3A_1308, %get3A_1310, %gather3A_1147 : vector<16xi1>, vector<16xi32>
    %swap3A_1312 = arith.constant 1 : i32
    %swap3A_1313 = arith.index_cast %swap3A_1312 : i32 to index
    %swap3A_1314 = arith.constant 0 : index
    %swap3A_1315 = tpu.vector_load %arg14[%swap3A_1313, %swap3A_1314] {strides = array<i32>} : memref<4x128xi32, #tpu.memory_space<vmem>>, vector<16xi32>,
    tpu.vector_store %arg14[%swap3A_1313, %swap3A_1314], %select_n3A_1311 {strides = array<i32>} : memref<4x128xi32, #tpu.memory_space<vmem>>, vector<16xi32>,
    %get3A_1316 = arith.constant 128 : index
    %get3A_1317 = tpu.vector_load %arg13[%get3A_1316] {strides = array<i32>} : memref<512xi32, #tpu.memory_space<vmem>>, vector<16xi32>,
    %select_n3A_1318 = arith.select %lt3A_1308, %get3A_1317, %gather3A_1157 : vector<16xi1>, vector<16xi32>
    %swap3A_1319 = arith.constant 1 : i32
    %swap3A_1320 = arith.index_cast %swap3A_1319 : i32 to index
    %swap3A_1321 = arith.constant 0 : index
    %swap3A_1322 = tpu.vector_load %arg15[%swap3A_1320, %swap3A_1321] {strides = array<i32>} : memref<4x128xi32, #tpu.memory_space<vmem>>, vector<16xi32>,
    tpu.vector_store %arg15[%swap3A_1320, %swap3A_1321], %select_n3A_1318 {strides = array<i32>} : memref<4x128xi32, #tpu.memory_space<vmem>>, vector<16xi32>,
    %broadcast_in_dim3A_1323 = arith.constant 144 : i32
    %broadcast_in_dim3A_1324 = vector.broadcast %broadcast_in_dim3A_1323 : i32 to vector<16xi32>
    %add3A_1325 = arith.addi %broadcast_in_dim3A_1324, %iota3A : vector<16xi32>
    %lt3A_1326 = arith.cmpi slt, %add3A_1325, %add3A_1161 : vector<16xi32>
    %get3A_1327 = arith.constant 144 : index
    %get3A_1328 = tpu.vector_load %arg12[%get3A_1327] {strides = array<i32>} : memref<512xi32, #tpu.memory_space<vmem>>, vector<16xi32>,
    %select_n3A_1329 = arith.select %lt3A_1326, %get3A_1328, %gather3A_1147 : vector<16xi1>, vector<16xi32>
    %swap3A_1330 = arith.constant 1 : i32
    %swap3A_1331 = arith.index_cast %swap3A_1330 : i32 to index
    %swap3A_1332 = arith.constant 16 : index
    %swap3A_1333 = tpu.vector_load %arg14[%swap3A_1331, %swap3A_1332] {strides = array<i32>} : memref<4x128xi32, #tpu.memory_space<vmem>>, vector<16xi32>,
    tpu.vector_store %arg14[%swap3A_1331, %swap3A_1332], %select_n3A_1329 {strides = array<i32>} : memref<4x128xi32, #tpu.memory_space<vmem>>, vector<16xi32>,
    %get3A_1334 = arith.constant 144 : index
    %get3A_1335 = tpu.vector_load %arg13[%get3A_1334] {strides = array<i32>} : memref<512xi32, #tpu.memory_space<vmem>>, vector<16xi32>,
    %select_n3A_1336 = arith.select %lt3A_1326, %get3A_1335, %gather3A_1157 : vector<16xi1>, vector<16xi32>
    %swap3A_1337 = arith.constant 1 : i32
    %swap3A_1338 = arith.index_cast %swap3A_1337 : i32 to index
    %swap3A_1339 = arith.constant 16 : index
    %swap3A_1340 = tpu.vector_load %arg15[%swap3A_1338, %swap3A_1339] {strides = array<i32>} : memref<4x128xi32, #tpu.memory_space<vmem>>, vector<16xi32>,
    tpu.vector_store %arg15[%swap3A_1338, %swap3A_1339], %select_n3A_1336 {strides = array<i32>} : memref<4x128xi32, #tpu.memory_space<vmem>>, vector<16xi32>,
    %broadcast_in_dim3A_1341 = arith.constant 160 : i32
    %broadcast_in_dim3A_1342 = vector.broadcast %broadcast_in_dim3A_1341 : i32 to vector<16xi32>
    %add3A_1343 = arith.addi %broadcast_in_dim3A_1342, %iota3A : vector<16xi32>
    %lt3A_1344 = arith.cmpi slt, %add3A_1343, %add3A_1161 : vector<16xi32>
    %get3A_1345 = arith.constant 160 : index
    %get3A_1346 = tpu.vector_load %arg12[%get3A_1345] {strides = array<i32>} : memref<512xi32, #tpu.memory_space<vmem>>, vector<16xi32>,
    %select_n3A_1347 = arith.select %lt3A_1344, %get3A_1346, %gather3A_1147 : vector<16xi1>, vector<16xi32>
    %swap3A_1348 = arith.constant 1 : i32
    %swap3A_1349 = arith.index_cast %swap3A_1348 : i32 to index
    %swap3A_1350 = arith.constant 32 : index
    %swap3A_1351 = tpu.vector_load %arg14[%swap3A_1349, %swap3A_1350] {strides = array<i32>} : memref<4x128xi32, #tpu.memory_space<vmem>>, vector<16xi32>,
    tpu.vector_store %arg14[%swap3A_1349, %swap3A_1350], %select_n3A_1347 {strides = array<i32>} : memref<4x128xi32, #tpu.memory_space<vmem>>, vector<16xi32>,
    %get3A_1352 = arith.constant 160 : index
    %get3A_1353 = tpu.vector_load %arg13[%get3A_1352] {strides = array<i32>} : memref<512xi32, #tpu.memory_space<vmem>>, vector<16xi32>,
    %select_n3A_1354 = arith.select %lt3A_1344, %get3A_1353, %gather3A_1157 : vector<16xi1>, vector<16xi32>
    %swap3A_1355 = arith.constant 1 : i32
    %swap3A_1356 = arith.index_cast %swap3A_1355 : i32 to index
    %swap3A_1357 = arith.constant 32 : index
    %swap3A_1358 = tpu.vector_load %arg15[%swap3A_1356, %swap3A_1357] {strides = array<i32>} : memref<4x128xi32, #tpu.memory_space<vmem>>, vector<16xi32>,
    tpu.vector_store %arg15[%swap3A_1356, %swap3A_1357], %select_n3A_1354 {strides = array<i32>} : memref<4x128xi32, #tpu.memory_space<vmem>>, vector<16xi32>,
    %broadcast_in_dim3A_1359 = arith.constant 176 : i32
    %broadcast_in_dim3A_1360 = vector.broadcast %broadcast_in_dim3A_1359 : i32 to vector<16xi32>
    %add3A_1361 = arith.addi %broadcast_in_dim3A_1360, %iota3A : vector<16xi32>
    %lt3A_1362 = arith.cmpi slt, %add3A_1361, %add3A_1161 : vector<16xi32>
    %get3A_1363 = arith.constant 176 : index
    %get3A_1364 = tpu.vector_load %arg12[%get3A_1363] {strides = array<i32>} : memref<512xi32, #tpu.memory_space<vmem>>, vector<16xi32>,
    %select_n3A_1365 = arith.select %lt3A_1362, %get3A_1364, %gather3A_1147 : vector<16xi1>, vector<16xi32>
    %swap3A_1366 = arith.constant 1 : i32
    %swap3A_1367 = arith.index_cast %swap3A_1366 : i32 to index
    %swap3A_1368 = arith.constant 48 : index
    %swap3A_1369 = tpu.vector_load %arg14[%swap3A_1367, %swap3A_1368] {strides = array<i32>} : memref<4x128xi32, #tpu.memory_space<vmem>>, vector<16xi32>,
    tpu.vector_store %arg14[%swap3A_1367, %swap3A_1368], %select_n3A_1365 {strides = array<i32>} : memref<4x128xi32, #tpu.memory_space<vmem>>, vector<16xi32>,
    %get3A_1370 = arith.constant 176 : index
    %get3A_1371 = tpu.vector_load %arg13[%get3A_1370] {strides = array<i32>} : memref<512xi32, #tpu.memory_space<vmem>>, vector<16xi32>,
    %select_n3A_1372 = arith.select %lt3A_1362, %get3A_1371, %gather3A_1157 : vector<16xi1>, vector<16xi32>
    %swap3A_1373 = arith.constant 1 : i32
    %swap3A_1374 = arith.index_cast %swap3A_1373 : i32 to index
    %swap3A_1375 = arith.constant 48 : index
    %swap3A_1376 = tpu.vector_load %arg15[%swap3A_1374, %swap3A_1375] {strides = array<i32>} : memref<4x128xi32, #tpu.memory_space<vmem>>, vector<16xi32>,
    tpu.vector_store %arg15[%swap3A_1374, %swap3A_1375], %select_n3A_1372 {strides = array<i32>} : memref<4x128xi32, #tpu.memory_space<vmem>>, vector<16xi32>,
    %broadcast_in_dim3A_1377 = arith.constant 192 : i32
    %broadcast_in_dim3A_1378 = vector.broadcast %broadcast_in_dim3A_1377 : i32 to vector<16xi32>
    %add3A_1379 = arith.addi %broadcast_in_dim3A_1378, %iota3A : vector<16xi32>
    %lt3A_1380 = arith.cmpi slt, %add3A_1379, %add3A_1161 : vector<16xi32>
    %get3A_1381 = arith.constant 192 : index
    %get3A_1382 = tpu.vector_load %arg12[%get3A_1381] {strides = array<i32>} : memref<512xi32, #tpu.memory_space<vmem>>, vector<16xi32>,
    %select_n3A_1383 = arith.select %lt3A_1380, %get3A_1382, %gather3A_1147 : vector<16xi1>, vector<16xi32>
    %swap3A_1384 = arith.constant 1 : i32
    %swap3A_1385 = arith.index_cast %swap3A_1384 : i32 to index
    %swap3A_1386 = arith.constant 64 : index
    %swap3A_1387 = tpu.vector_load %arg14[%swap3A_1385, %swap3A_1386] {strides = array<i32>} : memref<4x128xi32, #tpu.memory_space<vmem>>, vector<16xi32>,
    tpu.vector_store %arg14[%swap3A_1385, %swap3A_1386], %select_n3A_1383 {strides = array<i32>} : memref<4x128xi32, #tpu.memory_space<vmem>>, vector<16xi32>,
    %get3A_1388 = arith.constant 192 : index
    %get3A_1389 = tpu.vector_load %arg13[%get3A_1388] {strides = array<i32>} : memref<512xi32, #tpu.memory_space<vmem>>, vector<16xi32>,
    %select_n3A_1390 = arith.select %lt3A_1380, %get3A_1389, %gather3A_1157 : vector<16xi1>, vector<16xi32>
    %swap3A_1391 = arith.constant 1 : i32
    %swap3A_1392 = arith.index_cast %swap3A_1391 : i32 to index
    %swap3A_1393 = arith.constant 64 : index
    %swap3A_1394 = tpu.vector_load %arg15[%swap3A_1392, %swap3A_1393] {strides = array<i32>} : memref<4x128xi32, #tpu.memory_space<vmem>>, vector<16xi32>,
    tpu.vector_store %arg15[%swap3A_1392, %swap3A_1393], %select_n3A_1390 {strides = array<i32>} : memref<4x128xi32, #tpu.memory_space<vmem>>, vector<16xi32>,
    %broadcast_in_dim3A_1395 = arith.constant 208 : i32
    %broadcast_in_dim3A_1396 = vector.broadcast %broadcast_in_dim3A_1395 : i32 to vector<16xi32>
    %add3A_1397 = arith.addi %broadcast_in_dim3A_1396, %iota3A : vector<16xi32>
    %lt3A_1398 = arith.cmpi slt, %add3A_1397, %add3A_1161 : vector<16xi32>
    %get3A_1399 = arith.constant 208 : index
    %get3A_1400 = tpu.vector_load %arg12[%get3A_1399] {strides = array<i32>} : memref<512xi32, #tpu.memory_space<vmem>>, vector<16xi32>,
    %select_n3A_1401 = arith.select %lt3A_1398, %get3A_1400, %gather3A_1147 : vector<16xi1>, vector<16xi32>
    %swap3A_1402 = arith.constant 1 : i32
    %swap3A_1403 = arith.index_cast %swap3A_1402 : i32 to index
    %swap3A_1404 = arith.constant 80 : index
    %swap3A_1405 = tpu.vector_load %arg14[%swap3A_1403, %swap3A_1404] {strides = array<i32>} : memref<4x128xi32, #tpu.memory_space<vmem>>, vector<16xi32>,
    tpu.vector_store %arg14[%swap3A_1403, %swap3A_1404], %select_n3A_1401 {strides = array<i32>} : memref<4x128xi32, #tpu.memory_space<vmem>>, vector<16xi32>,
    %get3A_1406 = arith.constant 208 : index
    %get3A_1407 = tpu.vector_load %arg13[%get3A_1406] {strides = array<i32>} : memref<512xi32, #tpu.memory_space<vmem>>, vector<16xi32>,
    %select_n3A_1408 = arith.select %lt3A_1398, %get3A_1407, %gather3A_1157 : vector<16xi1>, vector<16xi32>
    %swap3A_1409 = arith.constant 1 : i32
    %swap3A_1410 = arith.index_cast %swap3A_1409 : i32 to index
    %swap3A_1411 = arith.constant 80 : index
    %swap3A_1412 = tpu.vector_load %arg15[%swap3A_1410, %swap3A_1411] {strides = array<i32>} : memref<4x128xi32, #tpu.memory_space<vmem>>, vector<16xi32>,
    tpu.vector_store %arg15[%swap3A_1410, %swap3A_1411], %select_n3A_1408 {strides = array<i32>} : memref<4x128xi32, #tpu.memory_space<vmem>>, vector<16xi32>,
    %broadcast_in_dim3A_1413 = arith.constant 224 : i32
    %broadcast_in_dim3A_1414 = vector.broadcast %broadcast_in_dim3A_1413 : i32 to vector<16xi32>
    %add3A_1415 = arith.addi %broadcast_in_dim3A_1414, %iota3A : vector<16xi32>
    %lt3A_1416 = arith.cmpi slt, %add3A_1415, %add3A_1161 : vector<16xi32>
    %get3A_1417 = arith.constant 224 : index
    %get3A_1418 = tpu.vector_load %arg12[%get3A_1417] {strides = array<i32>} : memref<512xi32, #tpu.memory_space<vmem>>, vector<16xi32>,
    %select_n3A_1419 = arith.select %lt3A_1416, %get3A_1418, %gather3A_1147 : vector<16xi1>, vector<16xi32>
    %swap3A_1420 = arith.constant 1 : i32
    %swap3A_1421 = arith.index_cast %swap3A_1420 : i32 to index
    %swap3A_1422 = arith.constant 96 : index
    %swap3A_1423 = tpu.vector_load %arg14[%swap3A_1421, %swap3A_1422] {strides = array<i32>} : memref<4x128xi32, #tpu.memory_space<vmem>>, vector<16xi32>,
    tpu.vector_store %arg14[%swap3A_1421, %swap3A_1422], %select_n3A_1419 {strides = array<i32>} : memref<4x128xi32, #tpu.memory_space<vmem>>, vector<16xi32>,
    %get3A_1424 = arith.constant 224 : index
    %get3A_1425 = tpu.vector_load %arg13[%get3A_1424] {strides = array<i32>} : memref<512xi32, #tpu.memory_space<vmem>>, vector<16xi32>,
    %select_n3A_1426 = arith.select %lt3A_1416, %get3A_1425, %gather3A_1157 : vector<16xi1>, vector<16xi32>
    %swap3A_1427 = arith.constant 1 : i32
    %swap3A_1428 = arith.index_cast %swap3A_1427 : i32 to index
    %swap3A_1429 = arith.constant 96 : index
    %swap3A_1430 = tpu.vector_load %arg15[%swap3A_1428, %swap3A_1429] {strides = array<i32>} : memref<4x128xi32, #tpu.memory_space<vmem>>, vector<16xi32>,
    tpu.vector_store %arg15[%swap3A_1428, %swap3A_1429], %select_n3A_1426 {strides = array<i32>} : memref<4x128xi32, #tpu.memory_space<vmem>>, vector<16xi32>,
    %broadcast_in_dim3A_1431 = arith.constant 240 : i32
    %broadcast_in_dim3A_1432 = vector.broadcast %broadcast_in_dim3A_1431 : i32 to vector<16xi32>
    %add3A_1433 = arith.addi %broadcast_in_dim3A_1432, %iota3A : vector<16xi32>
    %lt3A_1434 = arith.cmpi slt, %add3A_1433, %add3A_1161 : vector<16xi32>
    %get3A_1435 = arith.constant 240 : index
    %get3A_1436 = tpu.vector_load %arg12[%get3A_1435] {strides = array<i32>} : memref<512xi32, #tpu.memory_space<vmem>>, vector<16xi32>,
    %select_n3A_1437 = arith.select %lt3A_1434, %get3A_1436, %gather3A_1147 : vector<16xi1>, vector<16xi32>
    %swap3A_1438 = arith.constant 1 : i32
    %swap3A_1439 = arith.index_cast %swap3A_1438 : i32 to index
    %swap3A_1440 = arith.constant 112 : index
    %swap3A_1441 = tpu.vector_load %arg14[%swap3A_1439, %swap3A_1440] {strides = array<i32>} : memref<4x128xi32, #tpu.memory_space<vmem>>, vector<16xi32>,
    tpu.vector_store %arg14[%swap3A_1439, %swap3A_1440], %select_n3A_1437 {strides = array<i32>} : memref<4x128xi32, #tpu.memory_space<vmem>>, vector<16xi32>,
    %get3A_1442 = arith.constant 240 : index
    %get3A_1443 = tpu.vector_load %arg13[%get3A_1442] {strides = array<i32>} : memref<512xi32, #tpu.memory_space<vmem>>, vector<16xi32>,
    %select_n3A_1444 = arith.select %lt3A_1434, %get3A_1443, %gather3A_1157 : vector<16xi1>, vector<16xi32>
    %swap3A_1445 = arith.constant 1 : i32
    %swap3A_1446 = arith.index_cast %swap3A_1445 : i32 to index
    %swap3A_1447 = arith.constant 112 : index
    %swap3A_1448 = tpu.vector_load %arg15[%swap3A_1446, %swap3A_1447] {strides = array<i32>} : memref<4x128xi32, #tpu.memory_space<vmem>>, vector<16xi32>,
    tpu.vector_store %arg15[%swap3A_1446, %swap3A_1447], %select_n3A_1444 {strides = array<i32>} : memref<4x128xi32, #tpu.memory_space<vmem>>, vector<16xi32>,
    %broadcast_in_dim3A_1449 = arith.constant 256 : i32
    %broadcast_in_dim3A_1450 = vector.broadcast %broadcast_in_dim3A_1449 : i32 to vector<16xi32>
    %add3A_1451 = arith.addi %broadcast_in_dim3A_1450, %iota3A : vector<16xi32>
    %lt3A_1452 = arith.cmpi slt, %add3A_1451, %add3A_1161 : vector<16xi32>
    %get3A_1453 = arith.constant 256 : index
    %get3A_1454 = tpu.vector_load %arg12[%get3A_1453] {strides = array<i32>} : memref<512xi32, #tpu.memory_space<vmem>>, vector<16xi32>,
    %select_n3A_1455 = arith.select %lt3A_1452, %get3A_1454, %gather3A_1147 : vector<16xi1>, vector<16xi32>
    %swap3A_1456 = arith.constant 2 : i32
    %swap3A_1457 = arith.index_cast %swap3A_1456 : i32 to index
    %swap3A_1458 = arith.constant 0 : index
    %swap3A_1459 = tpu.vector_load %arg14[%swap3A_1457, %swap3A_1458] {strides = array<i32>} : memref<4x128xi32, #tpu.memory_space<vmem>>, vector<16xi32>,
    tpu.vector_store %arg14[%swap3A_1457, %swap3A_1458], %select_n3A_1455 {strides = array<i32>} : memref<4x128xi32, #tpu.memory_space<vmem>>, vector<16xi32>,
    %get3A_1460 = arith.constant 256 : index
    %get3A_1461 = tpu.vector_load %arg13[%get3A_1460] {strides = array<i32>} : memref<512xi32, #tpu.memory_space<vmem>>, vector<16xi32>,
    %select_n3A_1462 = arith.select %lt3A_1452, %get3A_1461, %gather3A_1157 : vector<16xi1>, vector<16xi32>
    %swap3A_1463 = arith.constant 2 : i32
    %swap3A_1464 = arith.index_cast %swap3A_1463 : i32 to index
    %swap3A_1465 = arith.constant 0 : index
    %swap3A_1466 = tpu.vector_load %arg15[%swap3A_1464, %swap3A_1465] {strides = array<i32>} : memref<4x128xi32, #tpu.memory_space<vmem>>, vector<16xi32>,
    tpu.vector_store %arg15[%swap3A_1464, %swap3A_1465], %select_n3A_1462 {strides = array<i32>} : memref<4x128xi32, #tpu.memory_space<vmem>>, vector<16xi32>,
    %broadcast_in_dim3A_1467 = arith.constant 272 : i32
    %broadcast_in_dim3A_1468 = vector.broadcast %broadcast_in_dim3A_1467 : i32 to vector<16xi32>
    %add3A_1469 = arith.addi %broadcast_in_dim3A_1468, %iota3A : vector<16xi32>
    %lt3A_1470 = arith.cmpi slt, %add3A_1469, %add3A_1161 : vector<16xi32>
    %get3A_1471 = arith.constant 272 : index
    %get3A_1472 = tpu.vector_load %arg12[%get3A_1471] {strides = array<i32>} : memref<512xi32, #tpu.memory_space<vmem>>, vector<16xi32>,
    %select_n3A_1473 = arith.select %lt3A_1470, %get3A_1472, %gather3A_1147 : vector<16xi1>, vector<16xi32>
    %swap3A_1474 = arith.constant 2 : i32
    %swap3A_1475 = arith.index_cast %swap3A_1474 : i32 to index
    %swap3A_1476 = arith.constant 16 : index
    %swap3A_1477 = tpu.vector_load %arg14[%swap3A_1475, %swap3A_1476] {strides = array<i32>} : memref<4x128xi32, #tpu.memory_space<vmem>>, vector<16xi32>,
    tpu.vector_store %arg14[%swap3A_1475, %swap3A_1476], %select_n3A_1473 {strides = array<i32>} : memref<4x128xi32, #tpu.memory_space<vmem>>, vector<16xi32>,
    %get3A_1478 = arith.constant 272 : index
    %get3A_1479 = tpu.vector_load %arg13[%get3A_1478] {strides = array<i32>} : memref<512xi32, #tpu.memory_space<vmem>>, vector<16xi32>,
    %select_n3A_1480 = arith.select %lt3A_1470, %get3A_1479, %gather3A_1157 : vector<16xi1>, vector<16xi32>
    %swap3A_1481 = arith.constant 2 : i32
    %swap3A_1482 = arith.index_cast %swap3A_1481 : i32 to index
    %swap3A_1483 = arith.constant 16 : index
    %swap3A_1484 = tpu.vector_load %arg15[%swap3A_1482, %swap3A_1483] {strides = array<i32>} : memref<4x128xi32, #tpu.memory_space<vmem>>, vector<16xi32>,
    tpu.vector_store %arg15[%swap3A_1482, %swap3A_1483], %select_n3A_1480 {strides = array<i32>} : memref<4x128xi32, #tpu.memory_space<vmem>>, vector<16xi32>,
    %broadcast_in_dim3A_1485 = arith.constant 288 : i32
    %broadcast_in_dim3A_1486 = vector.broadcast %broadcast_in_dim3A_1485 : i32 to vector<16xi32>
    %add3A_1487 = arith.addi %broadcast_in_dim3A_1486, %iota3A : vector<16xi32>
    %lt3A_1488 = arith.cmpi slt, %add3A_1487, %add3A_1161 : vector<16xi32>
    %get3A_1489 = arith.constant 288 : index
    %get3A_1490 = tpu.vector_load %arg12[%get3A_1489] {strides = array<i32>} : memref<512xi32, #tpu.memory_space<vmem>>, vector<16xi32>,
    %select_n3A_1491 = arith.select %lt3A_1488, %get3A_1490, %gather3A_1147 : vector<16xi1>, vector<16xi32>
    %swap3A_1492 = arith.constant 2 : i32
    %swap3A_1493 = arith.index_cast %swap3A_1492 : i32 to index
    %swap3A_1494 = arith.constant 32 : index
    %swap3A_1495 = tpu.vector_load %arg14[%swap3A_1493, %swap3A_1494] {strides = array<i32>} : memref<4x128xi32, #tpu.memory_space<vmem>>, vector<16xi32>,
    tpu.vector_store %arg14[%swap3A_1493, %swap3A_1494], %select_n3A_1491 {strides = array<i32>} : memref<4x128xi32, #tpu.memory_space<vmem>>, vector<16xi32>,
    %get3A_1496 = arith.constant 288 : index
    %get3A_1497 = tpu.vector_load %arg13[%get3A_1496] {strides = array<i32>} : memref<512xi32, #tpu.memory_space<vmem>>, vector<16xi32>,
    %select_n3A_1498 = arith.select %lt3A_1488, %get3A_1497, %gather3A_1157 : vector<16xi1>, vector<16xi32>
    %swap3A_1499 = arith.constant 2 : i32
    %swap3A_1500 = arith.index_cast %swap3A_1499 : i32 to index
    %swap3A_1501 = arith.constant 32 : index
    %swap3A_1502 = tpu.vector_load %arg15[%swap3A_1500, %swap3A_1501] {strides = array<i32>} : memref<4x128xi32, #tpu.memory_space<vmem>>, vector<16xi32>,
    tpu.vector_store %arg15[%swap3A_1500, %swap3A_1501], %select_n3A_1498 {strides = array<i32>} : memref<4x128xi32, #tpu.memory_space<vmem>>, vector<16xi32>,
    %broadcast_in_dim3A_1503 = arith.constant 304 : i32
    %broadcast_in_dim3A_1504 = vector.broadcast %broadcast_in_dim3A_1503 : i32 to vector<16xi32>
    %add3A_1505 = arith.addi %broadcast_in_dim3A_1504, %iota3A : vector<16xi32>
    %lt3A_1506 = arith.cmpi slt, %add3A_1505, %add3A_1161 : vector<16xi32>
    %get3A_1507 = arith.constant 304 : index
    %get3A_1508 = tpu.vector_load %arg12[%get3A_1507] {strides = array<i32>} : memref<512xi32, #tpu.memory_space<vmem>>, vector<16xi32>,
    %select_n3A_1509 = arith.select %lt3A_1506, %get3A_1508, %gather3A_1147 : vector<16xi1>, vector<16xi32>
    %swap3A_1510 = arith.constant 2 : i32
    %swap3A_1511 = arith.index_cast %swap3A_1510 : i32 to index
    %swap3A_1512 = arith.constant 48 : index
    %swap3A_1513 = tpu.vector_load %arg14[%swap3A_1511, %swap3A_1512] {strides = array<i32>} : memref<4x128xi32, #tpu.memory_space<vmem>>, vector<16xi32>,
    tpu.vector_store %arg14[%swap3A_1511, %swap3A_1512], %select_n3A_1509 {strides = array<i32>} : memref<4x128xi32, #tpu.memory_space<vmem>>, vector<16xi32>,
    %get3A_1514 = arith.constant 304 : index
    %get3A_1515 = tpu.vector_load %arg13[%get3A_1514] {strides = array<i32>} : memref<512xi32, #tpu.memory_space<vmem>>, vector<16xi32>,
    %select_n3A_1516 = arith.select %lt3A_1506, %get3A_1515, %gather3A_1157 : vector<16xi1>, vector<16xi32>
    %swap3A_1517 = arith.constant 2 : i32
    %swap3A_1518 = arith.index_cast %swap3A_1517 : i32 to index
    %swap3A_1519 = arith.constant 48 : index
    %swap3A_1520 = tpu.vector_load %arg15[%swap3A_1518, %swap3A_1519] {strides = array<i32>} : memref<4x128xi32, #tpu.memory_space<vmem>>, vector<16xi32>,
    tpu.vector_store %arg15[%swap3A_1518, %swap3A_1519], %select_n3A_1516 {strides = array<i32>} : memref<4x128xi32, #tpu.memory_space<vmem>>, vector<16xi32>,
    %broadcast_in_dim3A_1521 = arith.constant 320 : i32
    %broadcast_in_dim3A_1522 = vector.broadcast %broadcast_in_dim3A_1521 : i32 to vector<16xi32>
    %add3A_1523 = arith.addi %broadcast_in_dim3A_1522, %iota3A : vector<16xi32>
    %lt3A_1524 = arith.cmpi slt, %add3A_1523, %add3A_1161 : vector<16xi32>
    %get3A_1525 = arith.constant 320 : index
    %get3A_1526 = tpu.vector_load %arg12[%get3A_1525] {strides = array<i32>} : memref<512xi32, #tpu.memory_space<vmem>>, vector<16xi32>,
    %select_n3A_1527 = arith.select %lt3A_1524, %get3A_1526, %gather3A_1147 : vector<16xi1>, vector<16xi32>
    %swap3A_1528 = arith.constant 2 : i32
    %swap3A_1529 = arith.index_cast %swap3A_1528 : i32 to index
    %swap3A_1530 = arith.constant 64 : index
    %swap3A_1531 = tpu.vector_load %arg14[%swap3A_1529, %swap3A_1530] {strides = array<i32>} : memref<4x128xi32, #tpu.memory_space<vmem>>, vector<16xi32>,
    tpu.vector_store %arg14[%swap3A_1529, %swap3A_1530], %select_n3A_1527 {strides = array<i32>} : memref<4x128xi32, #tpu.memory_space<vmem>>, vector<16xi32>,
    %get3A_1532 = arith.constant 320 : index
    %get3A_1533 = tpu.vector_load %arg13[%get3A_1532] {strides = array<i32>} : memref<512xi32, #tpu.memory_space<vmem>>, vector<16xi32>,
    %select_n3A_1534 = arith.select %lt3A_1524, %get3A_1533, %gather3A_1157 : vector<16xi1>, vector<16xi32>
    %swap3A_1535 = arith.constant 2 : i32
    %swap3A_1536 = arith.index_cast %swap3A_1535 : i32 to index
    %swap3A_1537 = arith.constant 64 : index
    %swap3A_1538 = tpu.vector_load %arg15[%swap3A_1536, %swap3A_1537] {strides = array<i32>} : memref<4x128xi32, #tpu.memory_space<vmem>>, vector<16xi32>,
    tpu.vector_store %arg15[%swap3A_1536, %swap3A_1537], %select_n3A_1534 {strides = array<i32>} : memref<4x128xi32, #tpu.memory_space<vmem>>, vector<16xi32>,
    %broadcast_in_dim3A_1539 = arith.constant 336 : i32
    %broadcast_in_dim3A_1540 = vector.broadcast %broadcast_in_dim3A_1539 : i32 to vector<16xi32>
    %add3A_1541 = arith.addi %broadcast_in_dim3A_1540, %iota3A : vector<16xi32>
    %lt3A_1542 = arith.cmpi slt, %add3A_1541, %add3A_1161 : vector<16xi32>
    %get3A_1543 = arith.constant 336 : index
    %get3A_1544 = tpu.vector_load %arg12[%get3A_1543] {strides = array<i32>} : memref<512xi32, #tpu.memory_space<vmem>>, vector<16xi32>,
    %select_n3A_1545 = arith.select %lt3A_1542, %get3A_1544, %gather3A_1147 : vector<16xi1>, vector<16xi32>
    %swap3A_1546 = arith.constant 2 : i32
    %swap3A_1547 = arith.index_cast %swap3A_1546 : i32 to index
    %swap3A_1548 = arith.constant 80 : index
    %swap3A_1549 = tpu.vector_load %arg14[%swap3A_1547, %swap3A_1548] {strides = array<i32>} : memref<4x128xi32, #tpu.memory_space<vmem>>, vector<16xi32>,
    tpu.vector_store %arg14[%swap3A_1547, %swap3A_1548], %select_n3A_1545 {strides = array<i32>} : memref<4x128xi32, #tpu.memory_space<vmem>>, vector<16xi32>,
    %get3A_1550 = arith.constant 336 : index
    %get3A_1551 = tpu.vector_load %arg13[%get3A_1550] {strides = array<i32>} : memref<512xi32, #tpu.memory_space<vmem>>, vector<16xi32>,
    %select_n3A_1552 = arith.select %lt3A_1542, %get3A_1551, %gather3A_1157 : vector<16xi1>, vector<16xi32>
    %swap3A_1553 = arith.constant 2 : i32
    %swap3A_1554 = arith.index_cast %swap3A_1553 : i32 to index
    %swap3A_1555 = arith.constant 80 : index
    %swap3A_1556 = tpu.vector_load %arg15[%swap3A_1554, %swap3A_1555] {strides = array<i32>} : memref<4x128xi32, #tpu.memory_space<vmem>>, vector<16xi32>,
    tpu.vector_store %arg15[%swap3A_1554, %swap3A_1555], %select_n3A_1552 {strides = array<i32>} : memref<4x128xi32, #tpu.memory_space<vmem>>, vector<16xi32>,
    %broadcast_in_dim3A_1557 = arith.constant 352 : i32
    %broadcast_in_dim3A_1558 = vector.broadcast %broadcast_in_dim3A_1557 : i32 to vector<16xi32>
    %add3A_1559 = arith.addi %broadcast_in_dim3A_1558, %iota3A : vector<16xi32>
    %lt3A_1560 = arith.cmpi slt, %add3A_1559, %add3A_1161 : vector<16xi32>
    %get3A_1561 = arith.constant 352 : index
    %get3A_1562 = tpu.vector_load %arg12[%get3A_1561] {strides = array<i32>} : memref<512xi32, #tpu.memory_space<vmem>>, vector<16xi32>,
    %select_n3A_1563 = arith.select %lt3A_1560, %get3A_1562, %gather3A_1147 : vector<16xi1>, vector<16xi32>
    %swap3A_1564 = arith.constant 2 : i32
    %swap3A_1565 = arith.index_cast %swap3A_1564 : i32 to index
    %swap3A_1566 = arith.constant 96 : index
    %swap3A_1567 = tpu.vector_load %arg14[%swap3A_1565, %swap3A_1566] {strides = array<i32>} : memref<4x128xi32, #tpu.memory_space<vmem>>, vector<16xi32>,
    tpu.vector_store %arg14[%swap3A_1565, %swap3A_1566], %select_n3A_1563 {strides = array<i32>} : memref<4x128xi32, #tpu.memory_space<vmem>>, vector<16xi32>,
    %get3A_1568 = arith.constant 352 : index
    %get3A_1569 = tpu.vector_load %arg13[%get3A_1568] {strides = array<i32>} : memref<512xi32, #tpu.memory_space<vmem>>, vector<16xi32>,
    %select_n3A_1570 = arith.select %lt3A_1560, %get3A_1569, %gather3A_1157 : vector<16xi1>, vector<16xi32>
    %swap3A_1571 = arith.constant 2 : i32
    %swap3A_1572 = arith.index_cast %swap3A_1571 : i32 to index
    %swap3A_1573 = arith.constant 96 : index
    %swap3A_1574 = tpu.vector_load %arg15[%swap3A_1572, %swap3A_1573] {strides = array<i32>} : memref<4x128xi32, #tpu.memory_space<vmem>>, vector<16xi32>,
    tpu.vector_store %arg15[%swap3A_1572, %swap3A_1573], %select_n3A_1570 {strides = array<i32>} : memref<4x128xi32, #tpu.memory_space<vmem>>, vector<16xi32>,
    %broadcast_in_dim3A_1575 = arith.constant 368 : i32
    %broadcast_in_dim3A_1576 = vector.broadcast %broadcast_in_dim3A_1575 : i32 to vector<16xi32>
    %add3A_1577 = arith.addi %broadcast_in_dim3A_1576, %iota3A : vector<16xi32>
    %lt3A_1578 = arith.cmpi slt, %add3A_1577, %add3A_1161 : vector<16xi32>
    %get3A_1579 = arith.constant 368 : index
    %get3A_1580 = tpu.vector_load %arg12[%get3A_1579] {strides = array<i32>} : memref<512xi32, #tpu.memory_space<vmem>>, vector<16xi32>,
    %select_n3A_1581 = arith.select %lt3A_1578, %get3A_1580, %gather3A_1147 : vector<16xi1>, vector<16xi32>
    %swap3A_1582 = arith.constant 2 : i32
    %swap3A_1583 = arith.index_cast %swap3A_1582 : i32 to index
    %swap3A_1584 = arith.constant 112 : index
    %swap3A_1585 = tpu.vector_load %arg14[%swap3A_1583, %swap3A_1584] {strides = array<i32>} : memref<4x128xi32, #tpu.memory_space<vmem>>, vector<16xi32>,
    tpu.vector_store %arg14[%swap3A_1583, %swap3A_1584], %select_n3A_1581 {strides = array<i32>} : memref<4x128xi32, #tpu.memory_space<vmem>>, vector<16xi32>,
    %get3A_1586 = arith.constant 368 : index
    %get3A_1587 = tpu.vector_load %arg13[%get3A_1586] {strides = array<i32>} : memref<512xi32, #tpu.memory_space<vmem>>, vector<16xi32>,
    %select_n3A_1588 = arith.select %lt3A_1578, %get3A_1587, %gather3A_1157 : vector<16xi1>, vector<16xi32>
    %swap3A_1589 = arith.constant 2 : i32
    %swap3A_1590 = arith.index_cast %swap3A_1589 : i32 to index
    %swap3A_1591 = arith.constant 112 : index
    %swap3A_1592 = tpu.vector_load %arg15[%swap3A_1590, %swap3A_1591] {strides = array<i32>} : memref<4x128xi32, #tpu.memory_space<vmem>>, vector<16xi32>,
    tpu.vector_store %arg15[%swap3A_1590, %swap3A_1591], %select_n3A_1588 {strides = array<i32>} : memref<4x128xi32, #tpu.memory_space<vmem>>, vector<16xi32>,
    %broadcast_in_dim3A_1593 = arith.constant 384 : i32
    %broadcast_in_dim3A_1594 = vector.broadcast %broadcast_in_dim3A_1593 : i32 to vector<16xi32>
    %add3A_1595 = arith.addi %broadcast_in_dim3A_1594, %iota3A : vector<16xi32>
    %lt3A_1596 = arith.cmpi slt, %add3A_1595, %add3A_1161 : vector<16xi32>
    %get3A_1597 = arith.constant 384 : index
    %get3A_1598 = tpu.vector_load %arg12[%get3A_1597] {strides = array<i32>} : memref<512xi32, #tpu.memory_space<vmem>>, vector<16xi32>,
    %select_n3A_1599 = arith.select %lt3A_1596, %get3A_1598, %gather3A_1147 : vector<16xi1>, vector<16xi32>
    %swap3A_1600 = arith.constant 3 : i32
    %swap3A_1601 = arith.index_cast %swap3A_1600 : i32 to index
    %swap3A_1602 = arith.constant 0 : index
    %swap3A_1603 = tpu.vector_load %arg14[%swap3A_1601, %swap3A_1602] {strides = array<i32>} : memref<4x128xi32, #tpu.memory_space<vmem>>, vector<16xi32>,
    tpu.vector_store %arg14[%swap3A_1601, %swap3A_1602], %select_n3A_1599 {strides = array<i32>} : memref<4x128xi32, #tpu.memory_space<vmem>>, vector<16xi32>,
    %get3A_1604 = arith.constant 384 : index
    %get3A_1605 = tpu.vector_load %arg13[%get3A_1604] {strides = array<i32>} : memref<512xi32, #tpu.memory_space<vmem>>, vector<16xi32>,
    %select_n3A_1606 = arith.select %lt3A_1596, %get3A_1605, %gather3A_1157 : vector<16xi1>, vector<16xi32>
    %swap3A_1607 = arith.constant 3 : i32
    %swap3A_1608 = arith.index_cast %swap3A_1607 : i32 to index
    %swap3A_1609 = arith.constant 0 : index
    %swap3A_1610 = tpu.vector_load %arg15[%swap3A_1608, %swap3A_1609] {strides = array<i32>} : memref<4x128xi32, #tpu.memory_space<vmem>>, vector<16xi32>,
    tpu.vector_store %arg15[%swap3A_1608, %swap3A_1609], %select_n3A_1606 {strides = array<i32>} : memref<4x128xi32, #tpu.memory_space<vmem>>, vector<16xi32>,
    %broadcast_in_dim3A_1611 = arith.constant 400 : i32
    %broadcast_in_dim3A_1612 = vector.broadcast %broadcast_in_dim3A_1611 : i32 to vector<16xi32>
    %add3A_1613 = arith.addi %broadcast_in_dim3A_1612, %iota3A : vector<16xi32>
    %lt3A_1614 = arith.cmpi slt, %add3A_1613, %add3A_1161 : vector<16xi32>
    %get3A_1615 = arith.constant 400 : index
    %get3A_1616 = tpu.vector_load %arg12[%get3A_1615] {strides = array<i32>} : memref<512xi32, #tpu.memory_space<vmem>>, vector<16xi32>,
    %select_n3A_1617 = arith.select %lt3A_1614, %get3A_1616, %gather3A_1147 : vector<16xi1>, vector<16xi32>
    %swap3A_1618 = arith.constant 3 : i32
    %swap3A_1619 = arith.index_cast %swap3A_1618 : i32 to index
    %swap3A_1620 = arith.constant 16 : index
    %swap3A_1621 = tpu.vector_load %arg14[%swap3A_1619, %swap3A_1620] {strides = array<i32>} : memref<4x128xi32, #tpu.memory_space<vmem>>, vector<16xi32>,
    tpu.vector_store %arg14[%swap3A_1619, %swap3A_1620], %select_n3A_1617 {strides = array<i32>} : memref<4x128xi32, #tpu.memory_space<vmem>>, vector<16xi32>,
    %get3A_1622 = arith.constant 400 : index
    %get3A_1623 = tpu.vector_load %arg13[%get3A_1622] {strides = array<i32>} : memref<512xi32, #tpu.memory_space<vmem>>, vector<16xi32>,
    %select_n3A_1624 = arith.select %lt3A_1614, %get3A_1623, %gather3A_1157 : vector<16xi1>, vector<16xi32>
    %swap3A_1625 = arith.constant 3 : i32
    %swap3A_1626 = arith.index_cast %swap3A_1625 : i32 to index
    %swap3A_1627 = arith.constant 16 : index
    %swap3A_1628 = tpu.vector_load %arg15[%swap3A_1626, %swap3A_1627] {strides = array<i32>} : memref<4x128xi32, #tpu.memory_space<vmem>>, vector<16xi32>,
    tpu.vector_store %arg15[%swap3A_1626, %swap3A_1627], %select_n3A_1624 {strides = array<i32>} : memref<4x128xi32, #tpu.memory_space<vmem>>, vector<16xi32>,
    %broadcast_in_dim3A_1629 = arith.constant 416 : i32
    %broadcast_in_dim3A_1630 = vector.broadcast %broadcast_in_dim3A_1629 : i32 to vector<16xi32>
    %add3A_1631 = arith.addi %broadcast_in_dim3A_1630, %iota3A : vector<16xi32>
    %lt3A_1632 = arith.cmpi slt, %add3A_1631, %add3A_1161 : vector<16xi32>
    %get3A_1633 = arith.constant 416 : index
    %get3A_1634 = tpu.vector_load %arg12[%get3A_1633] {strides = array<i32>} : memref<512xi32, #tpu.memory_space<vmem>>, vector<16xi32>,
    %select_n3A_1635 = arith.select %lt3A_1632, %get3A_1634, %gather3A_1147 : vector<16xi1>, vector<16xi32>
    %swap3A_1636 = arith.constant 3 : i32
    %swap3A_1637 = arith.index_cast %swap3A_1636 : i32 to index
    %swap3A_1638 = arith.constant 32 : index
    %swap3A_1639 = tpu.vector_load %arg14[%swap3A_1637, %swap3A_1638] {strides = array<i32>} : memref<4x128xi32, #tpu.memory_space<vmem>>, vector<16xi32>,
    tpu.vector_store %arg14[%swap3A_1637, %swap3A_1638], %select_n3A_1635 {strides = array<i32>} : memref<4x128xi32, #tpu.memory_space<vmem>>, vector<16xi32>,
    %get3A_1640 = arith.constant 416 : index
    %get3A_1641 = tpu.vector_load %arg13[%get3A_1640] {strides = array<i32>} : memref<512xi32, #tpu.memory_space<vmem>>, vector<16xi32>,
    %select_n3A_1642 = arith.select %lt3A_1632, %get3A_1641, %gather3A_1157 : vector<16xi1>, vector<16xi32>
    %swap3A_1643 = arith.constant 3 : i32
    %swap3A_1644 = arith.index_cast %swap3A_1643 : i32 to index
    %swap3A_1645 = arith.constant 32 : index
    %swap3A_1646 = tpu.vector_load %arg15[%swap3A_1644, %swap3A_1645] {strides = array<i32>} : memref<4x128xi32, #tpu.memory_space<vmem>>, vector<16xi32>,
    tpu.vector_store %arg15[%swap3A_1644, %swap3A_1645], %select_n3A_1642 {strides = array<i32>} : memref<4x128xi32, #tpu.memory_space<vmem>>, vector<16xi32>,
    %broadcast_in_dim3A_1647 = arith.constant 432 : i32
    %broadcast_in_dim3A_1648 = vector.broadcast %broadcast_in_dim3A_1647 : i32 to vector<16xi32>
    %add3A_1649 = arith.addi %broadcast_in_dim3A_1648, %iota3A : vector<16xi32>
    %lt3A_1650 = arith.cmpi slt, %add3A_1649, %add3A_1161 : vector<16xi32>
    %get3A_1651 = arith.constant 432 : index
    %get3A_1652 = tpu.vector_load %arg12[%get3A_1651] {strides = array<i32>} : memref<512xi32, #tpu.memory_space<vmem>>, vector<16xi32>,
    %select_n3A_1653 = arith.select %lt3A_1650, %get3A_1652, %gather3A_1147 : vector<16xi1>, vector<16xi32>
    %swap3A_1654 = arith.constant 3 : i32
    %swap3A_1655 = arith.index_cast %swap3A_1654 : i32 to index
    %swap3A_1656 = arith.constant 48 : index
    %swap3A_1657 = tpu.vector_load %arg14[%swap3A_1655, %swap3A_1656] {strides = array<i32>} : memref<4x128xi32, #tpu.memory_space<vmem>>, vector<16xi32>,
    tpu.vector_store %arg14[%swap3A_1655, %swap3A_1656], %select_n3A_1653 {strides = array<i32>} : memref<4x128xi32, #tpu.memory_space<vmem>>, vector<16xi32>,
    %get3A_1658 = arith.constant 432 : index
    %get3A_1659 = tpu.vector_load %arg13[%get3A_1658] {strides = array<i32>} : memref<512xi32, #tpu.memory_space<vmem>>, vector<16xi32>,
    %select_n3A_1660 = arith.select %lt3A_1650, %get3A_1659, %gather3A_1157 : vector<16xi1>, vector<16xi32>
    %swap3A_1661 = arith.constant 3 : i32
    %swap3A_1662 = arith.index_cast %swap3A_1661 : i32 to index
    %swap3A_1663 = arith.constant 48 : index
    %swap3A_1664 = tpu.vector_load %arg15[%swap3A_1662, %swap3A_1663] {strides = array<i32>} : memref<4x128xi32, #tpu.memory_space<vmem>>, vector<16xi32>,
    tpu.vector_store %arg15[%swap3A_1662, %swap3A_1663], %select_n3A_1660 {strides = array<i32>} : memref<4x128xi32, #tpu.memory_space<vmem>>, vector<16xi32>,
    %broadcast_in_dim3A_1665 = arith.constant 448 : i32
    %broadcast_in_dim3A_1666 = vector.broadcast %broadcast_in_dim3A_1665 : i32 to vector<16xi32>
    %add3A_1667 = arith.addi %broadcast_in_dim3A_1666, %iota3A : vector<16xi32>
    %lt3A_1668 = arith.cmpi slt, %add3A_1667, %add3A_1161 : vector<16xi32>
    %get3A_1669 = arith.constant 448 : index
    %get3A_1670 = tpu.vector_load %arg12[%get3A_1669] {strides = array<i32>} : memref<512xi32, #tpu.memory_space<vmem>>, vector<16xi32>,
    %select_n3A_1671 = arith.select %lt3A_1668, %get3A_1670, %gather3A_1147 : vector<16xi1>, vector<16xi32>
    %swap3A_1672 = arith.constant 3 : i32
    %swap3A_1673 = arith.index_cast %swap3A_1672 : i32 to index
    %swap3A_1674 = arith.constant 64 : index
    %swap3A_1675 = tpu.vector_load %arg14[%swap3A_1673, %swap3A_1674] {strides = array<i32>} : memref<4x128xi32, #tpu.memory_space<vmem>>, vector<16xi32>,
    tpu.vector_store %arg14[%swap3A_1673, %swap3A_1674], %select_n3A_1671 {strides = array<i32>} : memref<4x128xi32, #tpu.memory_space<vmem>>, vector<16xi32>,
    %get3A_1676 = arith.constant 448 : index
    %get3A_1677 = tpu.vector_load %arg13[%get3A_1676] {strides = array<i32>} : memref<512xi32, #tpu.memory_space<vmem>>, vector<16xi32>,
    %select_n3A_1678 = arith.select %lt3A_1668, %get3A_1677, %gather3A_1157 : vector<16xi1>, vector<16xi32>
    %swap3A_1679 = arith.constant 3 : i32
    %swap3A_1680 = arith.index_cast %swap3A_1679 : i32 to index
    %swap3A_1681 = arith.constant 64 : index
    %swap3A_1682 = tpu.vector_load %arg15[%swap3A_1680, %swap3A_1681] {strides = array<i32>} : memref<4x128xi32, #tpu.memory_space<vmem>>, vector<16xi32>,
    tpu.vector_store %arg15[%swap3A_1680, %swap3A_1681], %select_n3A_1678 {strides = array<i32>} : memref<4x128xi32, #tpu.memory_space<vmem>>, vector<16xi32>,
    %broadcast_in_dim3A_1683 = arith.constant 464 : i32
    %broadcast_in_dim3A_1684 = vector.broadcast %broadcast_in_dim3A_1683 : i32 to vector<16xi32>
    %add3A_1685 = arith.addi %broadcast_in_dim3A_1684, %iota3A : vector<16xi32>
    %lt3A_1686 = arith.cmpi slt, %add3A_1685, %add3A_1161 : vector<16xi32>
    %get3A_1687 = arith.constant 464 : index
    %get3A_1688 = tpu.vector_load %arg12[%get3A_1687] {strides = array<i32>} : memref<512xi32, #tpu.memory_space<vmem>>, vector<16xi32>,
    %select_n3A_1689 = arith.select %lt3A_1686, %get3A_1688, %gather3A_1147 : vector<16xi1>, vector<16xi32>
    %swap3A_1690 = arith.constant 3 : i32
    %swap3A_1691 = arith.index_cast %swap3A_1690 : i32 to index
    %swap3A_1692 = arith.constant 80 : index
    %swap3A_1693 = tpu.vector_load %arg14[%swap3A_1691, %swap3A_1692] {strides = array<i32>} : memref<4x128xi32, #tpu.memory_space<vmem>>, vector<16xi32>,
    tpu.vector_store %arg14[%swap3A_1691, %swap3A_1692], %select_n3A_1689 {strides = array<i32>} : memref<4x128xi32, #tpu.memory_space<vmem>>, vector<16xi32>,
    %get3A_1694 = arith.constant 464 : index
    %get3A_1695 = tpu.vector_load %arg13[%get3A_1694] {strides = array<i32>} : memref<512xi32, #tpu.memory_space<vmem>>, vector<16xi32>,
    %select_n3A_1696 = arith.select %lt3A_1686, %get3A_1695, %gather3A_1157 : vector<16xi1>, vector<16xi32>
    %swap3A_1697 = arith.constant 3 : i32
    %swap3A_1698 = arith.index_cast %swap3A_1697 : i32 to index
    %swap3A_1699 = arith.constant 80 : index
    %swap3A_1700 = tpu.vector_load %arg15[%swap3A_1698, %swap3A_1699] {strides = array<i32>} : memref<4x128xi32, #tpu.memory_space<vmem>>, vector<16xi32>,
    tpu.vector_store %arg15[%swap3A_1698, %swap3A_1699], %select_n3A_1696 {strides = array<i32>} : memref<4x128xi32, #tpu.memory_space<vmem>>, vector<16xi32>,
    %broadcast_in_dim3A_1701 = arith.constant 480 : i32
    %broadcast_in_dim3A_1702 = vector.broadcast %broadcast_in_dim3A_1701 : i32 to vector<16xi32>
    %add3A_1703 = arith.addi %broadcast_in_dim3A_1702, %iota3A : vector<16xi32>
    %lt3A_1704 = arith.cmpi slt, %add3A_1703, %add3A_1161 : vector<16xi32>
    %get3A_1705 = arith.constant 480 : index
    %get3A_1706 = tpu.vector_load %arg12[%get3A_1705] {strides = array<i32>} : memref<512xi32, #tpu.memory_space<vmem>>, vector<16xi32>,
    %select_n3A_1707 = arith.select %lt3A_1704, %get3A_1706, %gather3A_1147 : vector<16xi1>, vector<16xi32>
    %swap3A_1708 = arith.constant 3 : i32
    %swap3A_1709 = arith.index_cast %swap3A_1708 : i32 to index
    %swap3A_1710 = arith.constant 96 : index
    %swap3A_1711 = tpu.vector_load %arg14[%swap3A_1709, %swap3A_1710] {strides = array<i32>} : memref<4x128xi32, #tpu.memory_space<vmem>>, vector<16xi32>,
    tpu.vector_store %arg14[%swap3A_1709, %swap3A_1710], %select_n3A_1707 {strides = array<i32>} : memref<4x128xi32, #tpu.memory_space<vmem>>, vector<16xi32>,
    %get3A_1712 = arith.constant 480 : index
    %get3A_1713 = tpu.vector_load %arg13[%get3A_1712] {strides = array<i32>} : memref<512xi32, #tpu.memory_space<vmem>>, vector<16xi32>,
    %select_n3A_1714 = arith.select %lt3A_1704, %get3A_1713, %gather3A_1157 : vector<16xi1>, vector<16xi32>
    %swap3A_1715 = arith.constant 3 : i32
    %swap3A_1716 = arith.index_cast %swap3A_1715 : i32 to index
    %swap3A_1717 = arith.constant 96 : index
    %swap3A_1718 = tpu.vector_load %arg15[%swap3A_1716, %swap3A_1717] {strides = array<i32>} : memref<4x128xi32, #tpu.memory_space<vmem>>, vector<16xi32>,
    tpu.vector_store %arg15[%swap3A_1716, %swap3A_1717], %select_n3A_1714 {strides = array<i32>} : memref<4x128xi32, #tpu.memory_space<vmem>>, vector<16xi32>,
    %broadcast_in_dim3A_1719 = arith.constant 496 : i32
    %broadcast_in_dim3A_1720 = vector.broadcast %broadcast_in_dim3A_1719 : i32 to vector<16xi32>
    %add3A_1721 = arith.addi %broadcast_in_dim3A_1720, %iota3A : vector<16xi32>
    %lt3A_1722 = arith.cmpi slt, %add3A_1721, %add3A_1161 : vector<16xi32>
    %get3A_1723 = arith.constant 496 : index
    %get3A_1724 = tpu.vector_load %arg12[%get3A_1723] {strides = array<i32>} : memref<512xi32, #tpu.memory_space<vmem>>, vector<16xi32>,
    %select_n3A_1725 = arith.select %lt3A_1722, %get3A_1724, %gather3A_1147 : vector<16xi1>, vector<16xi32>
    %swap3A_1726 = arith.constant 3 : i32
    %swap3A_1727 = arith.index_cast %swap3A_1726 : i32 to index
    %swap3A_1728 = arith.constant 112 : index
    %swap3A_1729 = tpu.vector_load %arg14[%swap3A_1727, %swap3A_1728] {strides = array<i32>} : memref<4x128xi32, #tpu.memory_space<vmem>>, vector<16xi32>,
    tpu.vector_store %arg14[%swap3A_1727, %swap3A_1728], %select_n3A_1725 {strides = array<i32>} : memref<4x128xi32, #tpu.memory_space<vmem>>, vector<16xi32>,
    %get3A_1730 = arith.constant 496 : index
    %get3A_1731 = tpu.vector_load %arg13[%get3A_1730] {strides = array<i32>} : memref<512xi32, #tpu.memory_space<vmem>>, vector<16xi32>,
    %select_n3A_1732 = arith.select %lt3A_1722, %get3A_1731, %gather3A_1157 : vector<16xi1>, vector<16xi32>
    %swap3A_1733 = arith.constant 3 : i32
    %swap3A_1734 = arith.index_cast %swap3A_1733 : i32 to index
    %swap3A_1735 = arith.constant 112 : index
    %swap3A_1736 = tpu.vector_load %arg15[%swap3A_1734, %swap3A_1735] {strides = array<i32>} : memref<4x128xi32, #tpu.memory_space<vmem>>, vector<16xi32>,
    tpu.vector_store %arg15[%swap3A_1734, %swap3A_1735], %select_n3A_1732 {strides = array<i32>} : memref<4x128xi32, #tpu.memory_space<vmem>>, vector<16xi32>,
    %add3A_1737 = arith.constant 127 : i32
    %add3A_1738 = arith.addi %add3A_1133, %add3A_1737 : i32
    %shift_right_arithmetic3A = arith.constant 7 : i32
    %shift_right_arithmetic3A_1739 = arith.shrsi %add3A_1738, %shift_right_arithmetic3A : i32
    %dma_wait3A_1740 = arith.constant 0 : i32
    %dma_wait3A_1741 = tpu.memref_slice %arg6[%mul3A_2, %dma_wait3A_1740] : memref<16384x128xf32, #tpu.memory_space<hbm>> -> memref<512x128xf32, #tpu.memory_space<hbm>>
    %dma_wait3A_1742 = arith.constant 0 : i32
    %dma_wait3A_1743 = tpu.memref_slice %arg6[%mul3A_2, %dma_wait3A_1742] : memref<16384x128xf32, #tpu.memory_space<hbm>> -> memref<512x128xf32, #tpu.memory_space<hbm>>
    tpu.wait_dma2 semaphore(%arg20 : memref<!tpu.dma_semaphore, #tpu.memory_space<semaphore_mem>>) src(%arg16 : memref<512x128xf32, #tpu.memory_space<vmem>>) dst(%dma_wait3A_1743 : memref<512x128xf32, #tpu.memory_space<hbm>>)
    %gt3A = arith.constant 0 : i32
    %gt3A_1744 = arith.cmpi sgt, %shift_right_arithmetic3A_1739, %gt3A : i32
    %convert_element_type3A = arith.extui %gt3A_1744 : i1 to i32
    %cond3A = arith.constant 0 : i32
    %cond3A_1745 = arith.cmpi ne, %convert_element_type3A, %cond3A : i32
    scf.if %cond3A_1745 {
      %dma_start3A_1761 = arith.constant 0 : i32
      %dma_start3A_1762 = arith.constant 0 : i32
      %dma_start3A_1763 = tpu.memref_slice %arg14[%dma_start3A_1761, %dma_start3A_1762] : memref<4x128xi32, #tpu.memory_space<vmem>> -> memref<1x128xi32, #tpu.memory_space<vmem>>
      %dma_start3A_1764 = tpu.memref_squeeze %dma_start3A_1763 : memref<1x128xi32, #tpu.memory_space<vmem>> -> memref<128xi32, #tpu.memory_space<vmem>>
      %dma_start3A_1765 = arith.constant 0 : i32
      %dma_start3A_1766 = arith.constant 0 : i32
      %dma_start3A_1767 = tpu.memref_slice %arg3[%dma_start3A_1765, %dma_start3A_1766] : memref<16384x128xf32, #tpu.memory_space<hbm>> -> memref<16384x128xf32, #tpu.memory_space<hbm>>
      tpu.enqueue_indirect_dma source(%dma_start3A_1767 : memref<16384x128xf32, #tpu.memory_space<hbm>>) target(%arg17 : memref<128x128xf32, #tpu.memory_space<vmem>>) offsets(%dma_start3A_1764 : memref<128xi32, #tpu.memory_space<vmem>>) semaphore(%arg19 : memref<!tpu.dma_semaphore, #tpu.memory_space<semaphore_mem>>)
      %dma_wait3A_1768 = arith.constant 0 : i32
      %dma_wait3A_1769 = arith.constant 0 : i32
      %dma_wait3A_1770 = tpu.memref_slice %arg14[%dma_wait3A_1768, %dma_wait3A_1769] : memref<4x128xi32, #tpu.memory_space<vmem>> -> memref<1x128xi32, #tpu.memory_space<vmem>>
      %dma_wait3A_1771 = tpu.memref_squeeze %dma_wait3A_1770 : memref<1x128xi32, #tpu.memory_space<vmem>> -> memref<128xi32, #tpu.memory_space<vmem>>
      %dma_wait3A_1772 = arith.constant 0 : i32
      %dma_wait3A_1773 = arith.constant 0 : i32
      %dma_wait3A_1774 = tpu.memref_slice %arg3[%dma_wait3A_1772, %dma_wait3A_1773] : memref<16384x128xf32, #tpu.memory_space<hbm>> -> memref<16384x128xf32, #tpu.memory_space<hbm>>
      tpu.wait_indirect_dma semaphore(%arg19 : memref<!tpu.dma_semaphore, #tpu.memory_space<semaphore_mem>>) src(%dma_wait3A_1774 : memref<16384x128xf32, #tpu.memory_space<hbm>>) dst(%arg17 : memref<128x128xf32, #tpu.memory_space<vmem>>)
      %dma_start3A_1775 = arith.constant 0 : i32
      %dma_start3A_1776 = arith.constant 0 : i32
      %dma_start3A_1777 = tpu.memref_slice %arg15[%dma_start3A_1775, %dma_start3A_1776] : memref<4x128xi32, #tpu.memory_space<vmem>> -> memref<1x128xi32, #tpu.memory_space<vmem>>
      %dma_start3A_1778 = tpu.memref_squeeze %dma_start3A_1777 : memref<1x128xi32, #tpu.memory_space<vmem>> -> memref<128xi32, #tpu.memory_space<vmem>>
      %dma_start3A_1779 = arith.constant 0 : i32
      %dma_start3A_1780 = arith.constant 0 : i32
      %dma_start3A_1781 = tpu.memref_slice %arg6[%dma_start3A_1779, %dma_start3A_1780] : memref<16384x128xf32, #tpu.memory_space<hbm>> -> memref<16384x128xf32, #tpu.memory_space<hbm>>
      tpu.enqueue_indirect_dma source(%arg17 : memref<128x128xf32, #tpu.memory_space<vmem>>) target(%dma_start3A_1781 : memref<16384x128xf32, #tpu.memory_space<hbm>>) offsets(%dma_start3A_1778 : memref<128xi32, #tpu.memory_space<vmem>>) semaphore(%arg19 : memref<!tpu.dma_semaphore, #tpu.memory_space<semaphore_mem>>)
      %dma_wait3A_1782 = arith.constant 0 : i32
      %dma_wait3A_1783 = arith.constant 0 : i32
      %dma_wait3A_1784 = tpu.memref_slice %arg15[%dma_wait3A_1782, %dma_wait3A_1783] : memref<4x128xi32, #tpu.memory_space<vmem>> -> memref<1x128xi32, #tpu.memory_space<vmem>>
      %dma_wait3A_1785 = tpu.memref_squeeze %dma_wait3A_1784 : memref<1x128xi32, #tpu.memory_space<vmem>> -> memref<128xi32, #tpu.memory_space<vmem>>
      %dma_wait3A_1786 = arith.constant 0 : i32
      %dma_wait3A_1787 = arith.constant 0 : i32
      %dma_wait3A_1788 = tpu.memref_slice %arg6[%dma_wait3A_1786, %dma_wait3A_1787] : memref<16384x128xf32, #tpu.memory_space<hbm>> -> memref<16384x128xf32, #tpu.memory_space<hbm>>
      tpu.wait_indirect_dma semaphore(%arg19 : memref<!tpu.dma_semaphore, #tpu.memory_space<semaphore_mem>>) src(%arg17 : memref<128x128xf32, #tpu.memory_space<vmem>>) dst(%dma_wait3A_1788 : memref<16384x128xf32, #tpu.memory_space<hbm>>)
    } else {
    }
    %gt3A_1746 = arith.constant 1 : i32
    %gt3A_1747 = arith.cmpi sgt, %shift_right_arithmetic3A_1739, %gt3A_1746 : i32
    %convert_element_type3A_1748 = arith.extui %gt3A_1747 : i1 to i32
    %cond3A_1749 = arith.constant 0 : i32
    %cond3A_1750 = arith.cmpi ne, %convert_element_type3A_1748, %cond3A_1749 : i32
    scf.if %cond3A_1750 {
      %dma_start3A_1761 = arith.constant 1 : i32
      %dma_start3A_1762 = arith.constant 0 : i32
      %dma_start3A_1763 = tpu.memref_slice %arg14[%dma_start3A_1761, %dma_start3A_1762] : memref<4x128xi32, #tpu.memory_space<vmem>> -> memref<1x128xi32, #tpu.memory_space<vmem>>
      %dma_start3A_1764 = tpu.memref_squeeze %dma_start3A_1763 : memref<1x128xi32, #tpu.memory_space<vmem>> -> memref<128xi32, #tpu.memory_space<vmem>>
      %dma_start3A_1765 = arith.constant 0 : i32
      %dma_start3A_1766 = arith.constant 0 : i32
      %dma_start3A_1767 = tpu.memref_slice %arg3[%dma_start3A_1765, %dma_start3A_1766] : memref<16384x128xf32, #tpu.memory_space<hbm>> -> memref<16384x128xf32, #tpu.memory_space<hbm>>
      tpu.enqueue_indirect_dma source(%dma_start3A_1767 : memref<16384x128xf32, #tpu.memory_space<hbm>>) target(%arg17 : memref<128x128xf32, #tpu.memory_space<vmem>>) offsets(%dma_start3A_1764 : memref<128xi32, #tpu.memory_space<vmem>>) semaphore(%arg19 : memref<!tpu.dma_semaphore, #tpu.memory_space<semaphore_mem>>)
      %dma_wait3A_1768 = arith.constant 1 : i32
      %dma_wait3A_1769 = arith.constant 0 : i32
      %dma_wait3A_1770 = tpu.memref_slice %arg14[%dma_wait3A_1768, %dma_wait3A_1769] : memref<4x128xi32, #tpu.memory_space<vmem>> -> memref<1x128xi32, #tpu.memory_space<vmem>>
      %dma_wait3A_1771 = tpu.memref_squeeze %dma_wait3A_1770 : memref<1x128xi32, #tpu.memory_space<vmem>> -> memref<128xi32, #tpu.memory_space<vmem>>
      %dma_wait3A_1772 = arith.constant 0 : i32
      %dma_wait3A_1773 = arith.constant 0 : i32
      %dma_wait3A_1774 = tpu.memref_slice %arg3[%dma_wait3A_1772, %dma_wait3A_1773] : memref<16384x128xf32, #tpu.memory_space<hbm>> -> memref<16384x128xf32, #tpu.memory_space<hbm>>
      tpu.wait_indirect_dma semaphore(%arg19 : memref<!tpu.dma_semaphore, #tpu.memory_space<semaphore_mem>>) src(%dma_wait3A_1774 : memref<16384x128xf32, #tpu.memory_space<hbm>>) dst(%arg17 : memref<128x128xf32, #tpu.memory_space<vmem>>)
      %dma_start3A_1775 = arith.constant 1 : i32
      %dma_start3A_1776 = arith.constant 0 : i32
      %dma_start3A_1777 = tpu.memref_slice %arg15[%dma_start3A_1775, %dma_start3A_1776] : memref<4x128xi32, #tpu.memory_space<vmem>> -> memref<1x128xi32, #tpu.memory_space<vmem>>
      %dma_start3A_1778 = tpu.memref_squeeze %dma_start3A_1777 : memref<1x128xi32, #tpu.memory_space<vmem>> -> memref<128xi32, #tpu.memory_space<vmem>>
      %dma_start3A_1779 = arith.constant 0 : i32
      %dma_start3A_1780 = arith.constant 0 : i32
      %dma_start3A_1781 = tpu.memref_slice %arg6[%dma_start3A_1779, %dma_start3A_1780] : memref<16384x128xf32, #tpu.memory_space<hbm>> -> memref<16384x128xf32, #tpu.memory_space<hbm>>
      tpu.enqueue_indirect_dma source(%arg17 : memref<128x128xf32, #tpu.memory_space<vmem>>) target(%dma_start3A_1781 : memref<16384x128xf32, #tpu.memory_space<hbm>>) offsets(%dma_start3A_1778 : memref<128xi32, #tpu.memory_space<vmem>>) semaphore(%arg19 : memref<!tpu.dma_semaphore, #tpu.memory_space<semaphore_mem>>)
      %dma_wait3A_1782 = arith.constant 1 : i32
      %dma_wait3A_1783 = arith.constant 0 : i32
      %dma_wait3A_1784 = tpu.memref_slice %arg15[%dma_wait3A_1782, %dma_wait3A_1783] : memref<4x128xi32, #tpu.memory_space<vmem>> -> memref<1x128xi32, #tpu.memory_space<vmem>>
      %dma_wait3A_1785 = tpu.memref_squeeze %dma_wait3A_1784 : memref<1x128xi32, #tpu.memory_space<vmem>> -> memref<128xi32, #tpu.memory_space<vmem>>
      %dma_wait3A_1786 = arith.constant 0 : i32
      %dma_wait3A_1787 = arith.constant 0 : i32
      %dma_wait3A_1788 = tpu.memref_slice %arg6[%dma_wait3A_1786, %dma_wait3A_1787] : memref<16384x128xf32, #tpu.memory_space<hbm>> -> memref<16384x128xf32, #tpu.memory_space<hbm>>
      tpu.wait_indirect_dma semaphore(%arg19 : memref<!tpu.dma_semaphore, #tpu.memory_space<semaphore_mem>>) src(%arg17 : memref<128x128xf32, #tpu.memory_space<vmem>>) dst(%dma_wait3A_1788 : memref<16384x128xf32, #tpu.memory_space<hbm>>)
    } else {
    }
    %gt3A_1751 = arith.constant 2 : i32
    %gt3A_1752 = arith.cmpi sgt, %shift_right_arithmetic3A_1739, %gt3A_1751 : i32
    %convert_element_type3A_1753 = arith.extui %gt3A_1752 : i1 to i32
    %cond3A_1754 = arith.constant 0 : i32
    %cond3A_1755 = arith.cmpi ne, %convert_element_type3A_1753, %cond3A_1754 : i32
    scf.if %cond3A_1755 {
      %dma_start3A_1761 = arith.constant 2 : i32
      %dma_start3A_1762 = arith.constant 0 : i32
      %dma_start3A_1763 = tpu.memref_slice %arg14[%dma_start3A_1761, %dma_start3A_1762] : memref<4x128xi32, #tpu.memory_space<vmem>> -> memref<1x128xi32, #tpu.memory_space<vmem>>
      %dma_start3A_1764 = tpu.memref_squeeze %dma_start3A_1763 : memref<1x128xi32, #tpu.memory_space<vmem>> -> memref<128xi32, #tpu.memory_space<vmem>>
      %dma_start3A_1765 = arith.constant 0 : i32
      %dma_start3A_1766 = arith.constant 0 : i32
      %dma_start3A_1767 = tpu.memref_slice %arg3[%dma_start3A_1765, %dma_start3A_1766] : memref<16384x128xf32, #tpu.memory_space<hbm>> -> memref<16384x128xf32, #tpu.memory_space<hbm>>
      tpu.enqueue_indirect_dma source(%dma_start3A_1767 : memref<16384x128xf32, #tpu.memory_space<hbm>>) target(%arg17 : memref<128x128xf32, #tpu.memory_space<vmem>>) offsets(%dma_start3A_1764 : memref<128xi32, #tpu.memory_space<vmem>>) semaphore(%arg19 : memref<!tpu.dma_semaphore, #tpu.memory_space<semaphore_mem>>)
      %dma_wait3A_1768 = arith.constant 2 : i32
      %dma_wait3A_1769 = arith.constant 0 : i32
      %dma_wait3A_1770 = tpu.memref_slice %arg14[%dma_wait3A_1768, %dma_wait3A_1769] : memref<4x128xi32, #tpu.memory_space<vmem>> -> memref<1x128xi32, #tpu.memory_space<vmem>>
      %dma_wait3A_1771 = tpu.memref_squeeze %dma_wait3A_1770 : memref<1x128xi32, #tpu.memory_space<vmem>> -> memref<128xi32, #tpu.memory_space<vmem>>
      %dma_wait3A_1772 = arith.constant 0 : i32
      %dma_wait3A_1773 = arith.constant 0 : i32
      %dma_wait3A_1774 = tpu.memref_slice %arg3[%dma_wait3A_1772, %dma_wait3A_1773] : memref<16384x128xf32, #tpu.memory_space<hbm>> -> memref<16384x128xf32, #tpu.memory_space<hbm>>
      tpu.wait_indirect_dma semaphore(%arg19 : memref<!tpu.dma_semaphore, #tpu.memory_space<semaphore_mem>>) src(%dma_wait3A_1774 : memref<16384x128xf32, #tpu.memory_space<hbm>>) dst(%arg17 : memref<128x128xf32, #tpu.memory_space<vmem>>)
      %dma_start3A_1775 = arith.constant 2 : i32
      %dma_start3A_1776 = arith.constant 0 : i32
      %dma_start3A_1777 = tpu.memref_slice %arg15[%dma_start3A_1775, %dma_start3A_1776] : memref<4x128xi32, #tpu.memory_space<vmem>> -> memref<1x128xi32, #tpu.memory_space<vmem>>
      %dma_start3A_1778 = tpu.memref_squeeze %dma_start3A_1777 : memref<1x128xi32, #tpu.memory_space<vmem>> -> memref<128xi32, #tpu.memory_space<vmem>>
      %dma_start3A_1779 = arith.constant 0 : i32
      %dma_start3A_1780 = arith.constant 0 : i32
      %dma_start3A_1781 = tpu.memref_slice %arg6[%dma_start3A_1779, %dma_start3A_1780] : memref<16384x128xf32, #tpu.memory_space<hbm>> -> memref<16384x128xf32, #tpu.memory_space<hbm>>
      tpu.enqueue_indirect_dma source(%arg17 : memref<128x128xf32, #tpu.memory_space<vmem>>) target(%dma_start3A_1781 : memref<16384x128xf32, #tpu.memory_space<hbm>>) offsets(%dma_start3A_1778 : memref<128xi32, #tpu.memory_space<vmem>>) semaphore(%arg19 : memref<!tpu.dma_semaphore, #tpu.memory_space<semaphore_mem>>)
      %dma_wait3A_1782 = arith.constant 2 : i32
      %dma_wait3A_1783 = arith.constant 0 : i32
      %dma_wait3A_1784 = tpu.memref_slice %arg15[%dma_wait3A_1782, %dma_wait3A_1783] : memref<4x128xi32, #tpu.memory_space<vmem>> -> memref<1x128xi32, #tpu.memory_space<vmem>>
      %dma_wait3A_1785 = tpu.memref_squeeze %dma_wait3A_1784 : memref<1x128xi32, #tpu.memory_space<vmem>> -> memref<128xi32, #tpu.memory_space<vmem>>
      %dma_wait3A_1786 = arith.constant 0 : i32
      %dma_wait3A_1787 = arith.constant 0 : i32
      %dma_wait3A_1788 = tpu.memref_slice %arg6[%dma_wait3A_1786, %dma_wait3A_1787] : memref<16384x128xf32, #tpu.memory_space<hbm>> -> memref<16384x128xf32, #tpu.memory_space<hbm>>
      tpu.wait_indirect_dma semaphore(%arg19 : memref<!tpu.dma_semaphore, #tpu.memory_space<semaphore_mem>>) src(%arg17 : memref<128x128xf32, #tpu.memory_space<vmem>>) dst(%dma_wait3A_1788 : memref<16384x128xf32, #tpu.memory_space<hbm>>)
    } else {
    }
    %gt3A_1756 = arith.constant 3 : i32
    %gt3A_1757 = arith.cmpi sgt, %shift_right_arithmetic3A_1739, %gt3A_1756 : i32
    %convert_element_type3A_1758 = arith.extui %gt3A_1757 : i1 to i32
    %cond3A_1759 = arith.constant 0 : i32
    %cond3A_1760 = arith.cmpi ne, %convert_element_type3A_1758, %cond3A_1759 : i32
    scf.if %cond3A_1760 {
      %dma_start3A_1761 = arith.constant 3 : i32
      %dma_start3A_1762 = arith.constant 0 : i32
      %dma_start3A_1763 = tpu.memref_slice %arg14[%dma_start3A_1761, %dma_start3A_1762] : memref<4x128xi32, #tpu.memory_space<vmem>> -> memref<1x128xi32, #tpu.memory_space<vmem>>
      %dma_start3A_1764 = tpu.memref_squeeze %dma_start3A_1763 : memref<1x128xi32, #tpu.memory_space<vmem>> -> memref<128xi32, #tpu.memory_space<vmem>>
      %dma_start3A_1765 = arith.constant 0 : i32
      %dma_start3A_1766 = arith.constant 0 : i32
      %dma_start3A_1767 = tpu.memref_slice %arg3[%dma_start3A_1765, %dma_start3A_1766] : memref<16384x128xf32, #tpu.memory_space<hbm>> -> memref<16384x128xf32, #tpu.memory_space<hbm>>
      tpu.enqueue_indirect_dma source(%dma_start3A_1767 : memref<16384x128xf32, #tpu.memory_space<hbm>>) target(%arg17 : memref<128x128xf32, #tpu.memory_space<vmem>>) offsets(%dma_start3A_1764 : memref<128xi32, #tpu.memory_space<vmem>>) semaphore(%arg19 : memref<!tpu.dma_semaphore, #tpu.memory_space<semaphore_mem>>)
      %dma_wait3A_1768 = arith.constant 3 : i32
      %dma_wait3A_1769 = arith.constant 0 : i32
      %dma_wait3A_1770 = tpu.memref_slice %arg14[%dma_wait3A_1768, %dma_wait3A_1769] : memref<4x128xi32, #tpu.memory_space<vmem>> -> memref<1x128xi32, #tpu.memory_space<vmem>>
      %dma_wait3A_1771 = tpu.memref_squeeze %dma_wait3A_1770 : memref<1x128xi32, #tpu.memory_space<vmem>> -> memref<128xi32, #tpu.memory_space<vmem>>
      %dma_wait3A_1772 = arith.constant 0 : i32
      %dma_wait3A_1773 = arith.constant 0 : i32
      %dma_wait3A_1774 = tpu.memref_slice %arg3[%dma_wait3A_1772, %dma_wait3A_1773] : memref<16384x128xf32, #tpu.memory_space<hbm>> -> memref<16384x128xf32, #tpu.memory_space<hbm>>
      tpu.wait_indirect_dma semaphore(%arg19 : memref<!tpu.dma_semaphore, #tpu.memory_space<semaphore_mem>>) src(%dma_wait3A_1774 : memref<16384x128xf32, #tpu.memory_space<hbm>>) dst(%arg17 : memref<128x128xf32, #tpu.memory_space<vmem>>)
      %dma_start3A_1775 = arith.constant 3 : i32
      %dma_start3A_1776 = arith.constant 0 : i32
      %dma_start3A_1777 = tpu.memref_slice %arg15[%dma_start3A_1775, %dma_start3A_1776] : memref<4x128xi32, #tpu.memory_space<vmem>> -> memref<1x128xi32, #tpu.memory_space<vmem>>
      %dma_start3A_1778 = tpu.memref_squeeze %dma_start3A_1777 : memref<1x128xi32, #tpu.memory_space<vmem>> -> memref<128xi32, #tpu.memory_space<vmem>>
      %dma_start3A_1779 = arith.constant 0 : i32
      %dma_start3A_1780 = arith.constant 0 : i32
      %dma_start3A_1781 = tpu.memref_slice %arg6[%dma_start3A_1779, %dma_start3A_1780] : memref<16384x128xf32, #tpu.memory_space<hbm>> -> memref<16384x128xf32, #tpu.memory_space<hbm>>
      tpu.enqueue_indirect_dma source(%arg17 : memref<128x128xf32, #tpu.memory_space<vmem>>) target(%dma_start3A_1781 : memref<16384x128xf32, #tpu.memory_space<hbm>>) offsets(%dma_start3A_1778 : memref<128xi32, #tpu.memory_space<vmem>>) semaphore(%arg19 : memref<!tpu.dma_semaphore, #tpu.memory_space<semaphore_mem>>)
      %dma_wait3A_1782 = arith.constant 3 : i32
      %dma_wait3A_1783 = arith.constant 0 : i32
      %dma_wait3A_1784 = tpu.memref_slice %arg15[%dma_wait3A_1782, %dma_wait3A_1783] : memref<4x128xi32, #tpu.memory_space<vmem>> -> memref<1x128xi32, #tpu.memory_space<vmem>>
      %dma_wait3A_1785 = tpu.memref_squeeze %dma_wait3A_1784 : memref<1x128xi32, #tpu.memory_space<vmem>> -> memref<128xi32, #tpu.memory_space<vmem>>
      %dma_wait3A_1786 = arith.constant 0 : i32
      %dma_wait3A_1787 = arith.constant 0 : i32
      %dma_wait3A_1788 = tpu.memref_slice %arg6[%dma_wait3A_1786, %dma_wait3A_1787] : memref<16384x128xf32, #tpu.memory_space<hbm>> -> memref<16384x128xf32, #tpu.memory_space<hbm>>
      tpu.wait_indirect_dma semaphore(%arg19 : memref<!tpu.dma_semaphore, #tpu.memory_space<semaphore_mem>>) src(%arg17 : memref<128x128xf32, #tpu.memory_space<vmem>>) dst(%dma_wait3A_1788 : memref<16384x128xf32, #tpu.memory_space<hbm>>)
    } else {
    }
    return
  }
}

</mosaic_0001>

<sc_bundles>
// kernel: kernel.3.cloned.1.call-start
scs
__scs_entry_jumppad:
0x0: {  	(pc) =	sbr.rel $0x88, $3  }
0x1: {  	(tag) =	ssettag $0x0;
	lr =	simm.s32 $0x1  }
0x2: {  	[smem:$0x3F9D] =	sst lr;
	_ =	strace $0xD0000000  }
0x3: {  	_ = 	snop  }
0x4: {  	_ = 	snop  }
0x5: {  	_ = 	snop  }
0x6: {  	_ = 	snop  }
0x7: {  	_ = 	snop  }
__scs_overlays_trampoline_lowered:
0x8: {  	[smem:$0x3FAC] =	sst s0  }
0x9: {  	[smem:$0x3FAD] =	sst s1  }
0xa: {  	[smem:$0x3FAE] =	sst s2  }
0xb: {  	[smem:$0x3FAF] =	sst s3  }
0xc: {  	[smem:$0x3FB0] =	sst s4  }
0xd: {  	[smem:$0x3FB1] =	sst s5  }
0xe: {  	[smem:$0x3FB2] =	sst s6  }
0xf: {  	[smem:$0x3FB3] =	sst s7  }
0x10: {  	[smem:$0x3FB4] =	sst s8  }
0x11: {  	[smem:$0x3FB5] =	sst s9;
	s0 =	simm.s32 @!p0 $0x0  }
0x12: {  	s1 =	sld [smem:$0x3F9B];
	s0 =	simm.s32 @p0 $0x1  }
0x13: {  	[smem:$0x3FB6] =	sst s0;
	s0 =	simm.s32 @!p1 $0x0  }
0x14: {  	s2 =	sld [smem:$0x3F9A];
	s0 =	simm.s32 @p1 $0x1  }
0x15: {  	[smem:$0x3FB7] =	sst s0;
	s0 =	simm.s32 @!p2 $0x0  }
0x16: {  	s3 =	sld [smem:$0x3FDB];
	s0 =	simm.s32 @p2 $0x1  }
0x17: {  	s4 =	simm.s32 $0x1BF5;
	[smem:$0x3FB9] =	sst s0  }
0x18: {  	s0 =	sld [smem:$0x3F9C];
	_ =	swait.ge [sflag:s4], $0x0  }
0x19: {  	s7 =	sld [smem:$0x3F9D]  }
0x1a: {  	s8 =	sadd.s32 $0xFFFFE003, lr  }
0x1b: {  	s9 =	sadd.s32 $0xFFFFFEF7, lr;
	s5 =	simm.s32 $0xFFFFFFFF;
	p2 =	slt.u32 s8, $0xFFFFF086  }
0x1c: {  	p1 =	slt.u32 s9, $0xF7A;
	s5 =	simm.s32 @!p2 $0x0  }
0x1d: {  	s5 =	simm.s32 @p1 $0x1;
	p0 =	seq.s32 s7, s2  }
0x1e: {  	s7 =	smul.u32 @!p0 $0xF7A, s2;
	p2 =	seq.s32 @!p0 s5, $0x0  }
0x1f: {  	s9 =	smul.u32 $0xF7A, s1;
	s8 =	simm.s32 @!p0 $0x1BF5;
	p2 =	por !p2, p0  }
0x20: {  	[sflag:s8] =	ssyncset.s32 @!p0 $0xFFFFF086;
	s6 =	sadd.s32 @!p0 s3, s7;
	s7 =	simm.s32 @!p0 $0x108  }
0x21: {  	s3 =	sadd.s32 s3, s9;
	s6 =	sadd.s32 @!p0 $0x88, s6;
	s7 =	simm.s32 @p2 $0x1082  }
0x22: {  	[simem:s7], [sflag:s8] =	dma.local @!p0 [hbm:s6], $0xF7A  }
0x23: {  	s9 =	sor.u32 $0xD0000000, s2;
	s6 =	simm.s32 $0x108;
	_ =	swait.ge @!p0 [sflag:s8], $0x0  }
0x24: {  	s3 =	sadd.s32 $0x88, s3;
	s6 =	simm.s32 @!p1 $0x1082;
	[sflag:s4] =	ssyncset.s32 $0xFFFFF086  }
0x25: {  	[simem:s6], [sflag:s4] =	dma.local [hbm:s3], $0xF7A  }
0x26: {  	[smem:$0x3F9D] =	sst s1;
	(tag) =	ssettag s2;
	_ =	strace s9  }
0x27: {  	s1 =	sld [smem:$0x3FAD]  }
0x28: {  	s2 =	sld [smem:$0x3FAE]  }
0x29: {  	s4 =	sld [smem:$0x3FB0]  }
0x2a: {  	p0 =	seq.s32 s5, $0x0;
	s5 =	sld [smem:$0x3FB1]  }
0x2b: {  	s6 =	sld [smem:$0x3FB2]  }
0x2c: {  	s7 =	sld [smem:$0x3FB3]  }
0x2d: {  	s3 =	simm.s32 $0x108;
	s8 =	sld [smem:$0x3FB4]  }
0x2e: {  	s3 =	simm.s32 @!p0 $0x1082;
	s9 =	sld [smem:$0x3FB5]  }
0x2f: {  	lr =	sadd.s32 s0, s3;
	s0 =	sld [smem:$0x3FAC]  }
0x30: {  	s3 =	sld [smem:$0x3FAF]  }
0x31: {  	[smem:$0x3FB8] =	sst s10  }
0x32: {  	s10 =	sld [smem:$0x3FB6];
	_ =	sdelay $0x3  }
0x33: {  	p0 =	seq.s32 s10, $0x1;
	s10 =	sld [smem:$0x3FB8];
	_ =	sdelay $0x3  }
0x34: {  	[smem:$0x3FB8] =	sst s10  }
0x35: {  	s10 =	sld [smem:$0x3FB7];
	_ =	sdelay $0x3  }
0x36: {  	p1 =	seq.s32 s10, $0x1;
	s10 =	sld [smem:$0x3FB8];
	_ =	sdelay $0x3  }
0x37: {  	[smem:$0x3FB8] =	sst s10  }
0x38: {  	s10 =	sld [smem:$0x3FB9]  }
0x39: {  	_ = 	snop;
	(pc) =	sbr.ind lr, $3  }
0x3a: {  	_ = 	snop  }
0x3b: {  	_ = 	snop  }
0x3c: {  	p2 =	seq.s32 s10, $0x1;
	s10 =	sld [smem:$0x3FB8]  }
0x3d: {  	_ =	shalt  }
0x3e: {  	_ =	shalt  }
0x3f: {  	_ =	shalt  }
0x40: {  	_ =	shalt  }
0x41: {  	_ =	shalt  }
0x42: {  	_ =	shalt  }
0x43: {  	_ =	shalt  }
0x44: {  	_ =	shalt  }
0x45: {  	_ =	shalt  }
0x46: {  	_ =	shalt  }
0x47: {  	_ =	shalt  }
0x48: {  	_ =	shalt  }
0x49: {  	_ =	shalt  }
0x4a: {  	_ =	shalt  }
0x4b: {  	_ =	shalt  }
0x4c: {  	_ =	shalt  }
0x4d: {  	_ =	shalt  }
0x4e: {  	_ =	shalt  }
0x4f: {  	_ =	shalt  }
0x50: {  	_ =	shalt  }
0x51: {  	_ =	shalt  }
0x52: {  	_ =	shalt  }
0x53: {  	_ =	shalt  }
0x54: {  	_ =	shalt  }
0x55: {  	_ =	shalt  }
0x56: {  	_ =	shalt  }
0x57: {  	_ =	shalt  }
0x58: {  	_ =	shalt  }
0x59: {  	_ =	shalt  }
0x5a: {  	_ =	shalt  }
0x5b: {  	_ =	shalt  }
0x5c: {  	_ =	shalt  }
0x5d: {  	_ =	shalt  }
0x5e: {  	_ =	shalt  }
0x5f: {  	_ =	shalt  }
0x60: {  	_ =	shalt  }
0x61: {  	_ =	shalt  }
0x62: {  	_ =	shalt  }
0x63: {  	_ =	shalt  }
0x64: {  	_ =	shalt  }
0x65: {  	_ =	shalt  }
0x66: {  	_ =	shalt  }
0x67: {  	_ =	shalt  }
0x68: {  	_ =	shalt  }
0x69: {  	_ =	shalt  }
0x6a: {  	_ =	shalt  }
0x6b: {  	_ =	shalt  }
0x6c: {  	_ =	shalt  }
0x6d: {  	_ =	shalt  }
0x6e: {  	_ =	shalt  }
0x6f: {  	_ =	shalt  }
0x70: {  	_ =	shalt  }
0x71: {  	_ =	shalt  }
0x72: {  	_ =	shalt  }
0x73: {  	_ =	shalt  }
0x74: {  	_ =	shalt  }
0x75: {  	_ =	shalt  }
0x76: {  	_ =	shalt  }
0x77: {  	_ =	shalt  }
0x78: {  	_ =	shalt  }
0x79: {  	_ =	shalt  }
0x7a: {  	_ =	shalt  }
0x7b: {  	_ =	shalt  }
0x7c: {  	_ =	shalt  }
0x7d: {  	_ =	shalt  }
0x7e: {  	_ =	shalt  }
0x7f: {  	_ =	shalt  }
0x80: {  	_ =	shalt  }
0x81: {  	_ =	shalt  }
0x82: {  	_ =	shalt  }
0x83: {  	_ =	shalt  }
0x84: {  	_ =	shalt  }
0x85: {  	_ =	shalt  }
0x86: {  	_ =	shalt  }
0x87: {  	_ =	shalt  }
.Lfunc_end0:
.L_simem_size_0:
called_computation_lowered:
.L_overlay_start_0:
0x88: {  	s2 =	sld [smem:$0x3FD9]  }
0x89: {  	s3 =	sld [smem:$0x3FFE];
	_ =	sdelay $0x1  }
0x8a: {  	s1 =	srdreg.scid  }
0x8b: {  	s0 =	sand.u32 $0x1, s1  }
0x8c: {  	s18 =	sshll.u32 s0, $0xA;
	s2 =	sadd.s32 s3, s2  }
0x8d: {  	s2 =	sadd.s32 s2, s18  }
0x8e: {  	[smem:$0x3FC4] =	sst s2  }
0x8f: {  	_ = 	snop  }
0x90: {  	s2 =	sld [smem:$0x3FC9]  }
0x91: {  	s19 =	sld [smem:$0x3FC8]  }
0x92: {  	s4 =	sld [smem:$0x3FC7]  }
0x93: {  	s5 =	sld [smem:$0x3FC6]  }
0x94: {  	s6 =	sld [smem:$0x3FD0];
	(tm) =	ssettm $0x1  }
0x95: {  	s7 =	sld [smem:$0x3FFB];
	_ =	sdelay $0x3  }
0x96: {  	_ =	strace s7  }
0x97: {  	s7 =	sld [smem:$0x3FFC];
	_ =	sdelay $0x3  }
0x98: {  	_ =	strace s7  }
0x99: {  	s7 =	sld [smem:$0x3FFD];
	_ =	sdelay $0x3  }
0x9a: {  	_ =	strace s7  }
0x9b: {  	_ =	strace $0x8FFFFFFF  }
0x9c: {  	s20 =	sld [smem:$0x3FDB];
	_ =	sdelay $0x1  }
0x9d: {  	s8 =	simm.s32 $_scs_section_size  }
0x9e: {  	s9 =	simm.s32 $_size__tile_overlayer_lowered;
	s10 =	simm.s32 $_tile_overlayer_lowered  }
0x9f: {  	s23 =	simm.s32 $0x1BFF;
	s22 =	sshll.u32 s10, $0x1;
	s7 =	sadd.s32 s8, s20  }
0xa0: {  	s11 =	simm.s32 $0x0;
	s21 =	sshll.u32 s9, $0x1;
	s9 =	sadd.s32 s22, s7  }
0xa1: {  	[timem:s11], [sflag:s23] =	dma.local [hbm:s9], s21  }
0xa2: {  	_ =	swait.ge [sflag:s23], s21  }
0xa3: {  	s8 =	ssub.s32 $0x0, s21;
	[sflag:s23] =	ssyncset.done $0x0  }
0xa4: {  	[sflag:s23] =	ssyncadd.s32 s8;
	_ =	sdelay $0x1  }
0xa5: {  	s24 =	simm.s32 $0x1B8B  }
0xa6: {  	_ =	swait.ge [sflag:s24], $0x1  }
0xa7: {  	[sflag:s24] =	ssyncset.done $0x0  }
0xa8: {  	s25 =	simm.s32 $0x1B8E;
	[sflag:s24] =	ssyncadd.s32 $0xFFFFFFFF  }
0xa9: {  	s26 =	simm.s32 $execute0_lowered;
	[smem:$0x3FD2] =	sst s25  }
0xaa: {  	s8 =	sshll.u32 s26, $0x1;
	_ =	strace $0x80000046;
	[dreg:$0x1] =	wrdreg $0xFFFFFFFF  }
0xab: {  	s28 =	simm.s32 $_size_execute0_lowered;
	s7 =	sadd.s32 s7, s8;
	[dreg:$0x0] =	wrdreg $0x0  }
0xac: {  	s8 =	sshll.u32 s28, $0x1;
	[dreg:$0x2] =	wrdreg s7  }
0xad: {  	[dreg:$0x3] =	wrdreg s8  }
0xae: {  	[dreg:$0x4] =	wrdreg $0xC0  }
0xaf: {  	_ =	task [dreg:s11], $0x5FFFF  }
0xb0: {  	[dreg:$0x1] =	wrdreg $0xFFFFFFFF  }
0xb1: {  	[dreg:$0x0] =	wrdreg $0x60  }
0xb2: {  	[dreg:$0x2] =	wrdreg s2  }
0xb3: {  	[dreg:$0x3] =	wrdreg s19  }
0xb4: {  	[dreg:$0x4] =	wrdreg s4  }
0xb5: {  	[dreg:$0x5] =	wrdreg s5  }
0xb6: {  	[dreg:$0x6] =	wrdreg s6  }
0xb7: {  	[dreg:$0x7] =	wrdreg $0x59000  }
0xb8: {  	[dreg:$0x8] =	wrdreg $0x9  }
0xb9: {  	_ =	task.clear_ibuf [dreg:s11], $0x9FFFF;
	_ =	strace $0x90000046  }
0xba: {  	s29 =	simm.s32 $0x9;
	_ =	strace $0x80000048  }
0xbb: {  	_ =	swait.ge [sflag:s29], $0x1  }
0xbc: {  	[sflag:s29] =	ssyncadd.s32 $0xFFFFFFFF  }
0xbd: {  	_ =	strace $0x90000048  }
0xbe: {  	_ =	sfence  }
0xbf: {  	s30 =	sld [smem:$0x0];
	_ =	sdelay $0x2  }
0xc0: {  	s31 =	sshll.u32 s1, $0xD;
	s1 =	sshrl.u32 s1, $0x2  }
0xc1: {  	s3 =	sand.u32 $0x4000, s31;
	s1 =	sadd.s32 s1, s30  }
0xc2: {  	s0 =	sor.u32 s3, s0;
	s1 =	sshll.u32 s1, $0x11  }
0xc3: {  	s0 =	sor.u32 s1, s0  }
0xc4: {  	s0 =	sadd.s32 $0x8F2B, s0  }
0xc5: {  	[sflag:s0] =	ssyncadd.remote.s32 $0x1  }
0xc6: {  	_ =	sfence.sel $0xFFFF  }
0xc7: {  	[dreg:$0x0] =	wrdreg $0xFFFFFFFF;
	(pc) =	sbr.abs _section_cstart, $3  }
0xc8: {  	[dreg:$0x1] =	wrdreg $0xFFFFFFFF  }
0xc9: {  	_ =	task.clear_ibuf [dreg:s11], $0x2FFFF;
	_ =	strace $0x9FFFFFFF  }
0xca: {  	(tm) =	ssettm $0x7FFFFFFF  }
0xcb: {  	_ =	shalt  }
tec
execute0_lowered:
.L_overlay_start_1:
0x0: {  	(tag) =	ssettag $0x1  }
0x1: {  	s1 =	rddreg [dreg:$0x0]  }
0x2: {  	s2 =	rddreg [dreg:$0x1]  }
0x3: {  	s0 =	rddreg [dreg:$0x3]  }
0x4: {  	s5 =	rddreg [dreg:$0x4]  }
0x5: {  	s6 =	rddreg [dreg:$0x5]  }
0x6: {  	s3 =	srdreg.scid;
	s12 =	stileid.u32  }
0x7: {  	s7 =	simm.s32 $0x0;
	s3 =	sand.u32 $0x1, s3;
	s4 =	sshll.u32 s12, $0x1  }
0x8: {  	[smem:$0x7FF] =	sst s7;
	s12 =	smul.u32 $0x1900, s12;
	s4 =	sor.u32 s3, s4  }
0x9: {  	_ =	strace $0x80000047;
	s8 =	ssub.s32 $0x2, s3;
	s3 =	sshll.u32 s3, $0x9  }
0xa: {  	s11 =	sshll.u32 s4, $0x9;
	s10 =	sshrl.u32 s8, $0x1;
	s4 =	sshll.u32 s4, $0xD  }
0xb: {  	s9 =	sand.u32 $0x3C00, s11;
	s13 =	ssub.s32 s8, s10;
	s4 =	sadd.s32 s5, s4  }
0xc: {  	s8 =	sor.u32 $0x10, s11;
	s10 =	sor.u32 $0x30, s11;
	s14 =	sor.u32 $0x40, s11  }
0xd: {  	s15 =	sor.u32 $0x50, s11;
	s16 =	sor.u32 $0x60, s11;
	s17 =	sor.u32 $0x70, s11  }
0xe: {  	s18 =	sor.u32 $0x80, s11;
	s19 =	sor.u32 $0x90, s11;
	s20 =	sor.u32 $0xA0, s11  }
0xf: {  	s21 =	sor.u32 $0xB0, s11;
	s22 =	sor.u32 $0xC0, s11;
	s23 =	sor.u32 $0xD0, s11  }
0x10: {  	s24 =	sor.u32 $0xE0, s11;
	s25 =	sor.u32 $0xF0, s11;
	s26 =	sor.u32 $0x100, s11  }
0x11: {  	v0 =	vlaneseq.u32;
	s28 =	sor.u32 $0x110, s11;
	s29 =	sor.u32 $0x120, s11;
	s30 =	sor.u32 $0x150, s11  }
0x12: {  	v34 =	vimm.s32 $0xFFFFFFFF;
	v42 =	vimm.s32 $0x0;
	v35 =	vor.u32 $0x10, v0;
	s31 =	sor.u32 $0x170, s11;
	s3 =	sor.u32 s3, s9;
	[dreg:$0x9] =	wrdreg s4  }
0x13: {  	v36 =	vor.u32 $0x20, v0;
	v37 =	vor.u32 $0x30, v0;
	s9 =	sor.u32 $0x20, s11;
	v2 =	vor.u32 s8, v0;
	s4 =	sor.u32 $0x160, s11;
	s8 =	sor.u32 $0x180, s11  }
0x14: {  	v8 =	vor.u32 s17, v0;
	s17 =	sor.u32 $0x190, s11;
	v10 =	vor.u32 s19, v0;
	v12 =	vor.u32 s21, v0;
	s19 =	sor.u32 $0x1C0, s11;
	s21 =	sor.u32 $0x1D0, s11  }
0x15: {  	v9 =	vor.u32 s18, v0;
	v11 =	vor.u32 s20, v0;
	v13 =	vor.u32 s22, v0;
	s18 =	simm.s32 $0x7300;
	s20 =	simm.s32 $0x7380;
	s22 =	simm.s32 $0x1  }
0x16: {  	v14 =	vor.u32 s23, v0;
	v16 =	vor.u32 s24, v0;
	v23 =	vor.u32 s30, v0;
	s23 =	simm.s32 $0x4000;
	s24 =	simm.s32 $0x2;
	s30 =	simm.s32 $0x4  }
0x17: {  	v38 =	vor.u32 $0x40, v0;
	v17 =	vor.u32 s25, v0;
	v25 =	vor.u32 s31, v0;
	s31 =	simm.s32 $0x7600;
	s25 =	simm.s32 $0x0;
	s3 =	sshrl.u32 s3, $0x3  }
0x18: {  	[tilespmem:$0x1FFA0] =	vst v2;
	v2 =	vor.u32 s9, v0;
	s9 =	sor.u32 $0x1A0, s11;
	v24 =	vor.u32 s4, v0;
	v27 =	vor.u32 s17, v0;
	s4 =	simm.s32 $0x5;
	s17 =	simm.s32 $0x7  }
0x19: {  	v39 =	vor.u32 $0x50, v0;
	v30 =	vor.u32 s19, v0;
	v31 =	vor.u32 s21, v0;
	s19 =	simm.s32 $0x3;
	s21 =	simm.s32 $0x17E00;
	s0 =	sadd.s32 s0, s3  }
0x1a: {  	v40 =	vor.u32 $0x60, v0;
	v41 =	vor.u32 $0x70, v0;
	s3 =	sadd.s32 s12, s6;
	[tilespmem:$0x1FFB0] =	vst v2;
	v2 =	vor.u32 s10, v0;
	s10 =	sor.u32 $0x1B0, s11;
	[dreg:$0x7] =	wrdreg s0  }
.Ltmp0:
0x1b: {  	v1 =	vmov s12;
	v15 =	vor.u32 s11, v0;
	v18 =	vor.u32 s26, v0;
	s12 =	simm.s32 $0x7200;
	[dreg:$0x8] =	wrdreg s3;
	(pc) =	sbr.rel .LBB2_1-.Ltmp0, $4  }
0x1c: {  	v19 =	vor.u32 s28, v0;
	v20 =	vor.u32 s29, v0;
	s0 =	sor.u32 $0x130, s11;
	s3 =	sor.u32 $0x140, s11;
	[tilespmem:$0x1FFC0] =	vst v2;
	v2 =	vor.u32 s14, v0;
	s14 =	simm.s32 $0x80  }
0x1d: {  	v29 =	vor.u32 s10, v0;
	s10 =	simm.s32 $0x7E00;
	[tilespmem:$0x1FFD0] =	vst v2;
	v2 =	vor.u32 s15, v0;
	s15 =	sor.u32 $0x1E0, s11;
	v21 =	vor.u32 s0, v0;
	s0 =	simm.s32 $0x7800  }
0x1e: {  	v26 =	vor.u32 s8, v0;
	v22 =	vor.u32 s3, v0;
	s3 =	simm.s32 $0x6;
	[tilespmem:$0x1FFE0] =	vst v2;
	v2 =	vor.u32 s16, v0;
	s16 =	sor.u32 $0x1F0, s11;
	s11 =	smax.u32 s13, $0x1  }
0x1f: {  	v28 =	vor.u32 s9, v0;
	s13 =	simm.s32 $0x8;
	v32 =	vor.u32 s15, v0;
	s15 =	simm.s32 $0x7280;
	[tilespmem:$0x1FFF0] =	vst v2;
	v33 =	vor.u32 s16, v0;
	s16 =	rddreg [dreg:$0x2]  }
.LBB2_7:
0x20: {  	s25 =	sadd.s32 $0x1, s25  }
0x21: {  	p0 =	sne.s32 s25, s11  }
.Ltmp1:
0x22: {  	_ = 	snop;
	(pc) =	sbr.rel @!p0 .LBB2_8-.Ltmp1, $1  }
0x23: {  	_ =	sdelay $0x3  }
.LBB2_1:
0x24: {  	[tilespmem:s7], [sflag:$0x1] =	stream.linear.gather [hbm4b:s16+s7], $0x4000, $0x38;
	[tilespmem:$0x1BE00] =	vst v63  }
0x25: {  	s8 =	rddreg [dreg:$0x7]  }
0x26: {  	[tilespmem:s12], [sflag:$0x8] =	stream.linear.gather [hbm4b:s8+s7], $0x200, $0x38;
	[tilespmem:$0x1BE00] =	vst v63  }
0x27: {  	_ =	swait.ge [sflag:s13], $0x200  }
0x28: {  	[sflag:s13] =	ssyncset.done $0x0  }
0x29: {  	[sflag:s13] =	ssyncadd.s32 $0xFFFFFE00  }
0x2a: {  	[tilespmem:s10], [sflag:$0x2] =	stream.indirect.gather [hbm4b:s1+s14], $0x80, s12, s14, $0xb8;
	[tilespmem:$0x1BE00] =	vst v63  }
0x2b: {  	s9 =	simm.s32 $0xBE00  }
0x2c: {  	[tilespmem:s9], [sflag:$0x2] =	stream.indirect.gather [hbm4b:s1+s14], $0x80, s15, s14, $0xb8;
	[tilespmem:$0x1BE00] =	vst v63  }
0x2d: {  	s26 =	simm.s32 $0xFE00  }
0x2e: {  	[tilespmem:s26], [sflag:$0x2] =	stream.indirect.gather [hbm4b:s1+s14], $0x80, s18, s14, $0xb8;
	[tilespmem:$0x1BE00] =	vst v63  }
0x2f: {  	s29 =	simm.s32 $0x13E00;
	s28 =	simm.s32 $0x0;
	s26 =	simm.s32 $0x40  }
0x30: {  	[tilespmem:s29], [sflag:$0x2] =	stream.indirect.gather [hbm4b:s1+s14], $0x80, s20, s14, $0xb8;
	[tilespmem:$0x1BE00] =	vst v63  }
.LBB2_2:
0x31: {  	p0 =	sne.s32 s26, $0x63C0;
	[tilespmem:s28+$0x4000] =	vst v34;
	s8 =	smov.u32 s26;
	s26 =	sadd.s32 $0x40, s26  }
.Ltmp2:
0x32: {  	(pc) =	sbr.rel @p0 .LBB2_2-.Ltmp2, $2  }
0x33: {  	_ =	sdelay $0x2  }
0x34: {  	s28 =	sshra.s32 s8, $0x2  }
0x35: {  	[tilespmem:s28+$0x4000] =	vst v34  }
0x36: {  	_ =	swait.ge [sflag:s22], $0x4000  }
0x37: {  	[sflag:s22] =	ssyncset.done $0x0  }
0x38: {  	s26 =	simm.s32 $0x40;
	[sflag:s22] =	ssyncadd.s32 $0xFFFFC000  }
0x39: {  	v43 =	vld [tilespmem:s26+$0xFFFFFFC0]  }
0x3a: {  	v44 =	vld [tilespmem:s26+$0xFFFFFFD0]  }
0x3b: {  	v45 =	vld [tilespmem:s26+$0xFFFFFFE0]  }
0x3c: {  	v46 =	vld [tilespmem:s26+$0xFFFFFFF0]  }
0x3d: {  	v47 =	vld [tilespmem:s26+$0x0]  }
0x3e: {  	v48 =	vld [tilespmem:s26+$0x10];
	(xrf1) =	vunique.msk.u32 $0xffff, v43  }
0x3f: {  	v49 =	vld [tilespmem:s26+$0x20];
	(xrf1) =	vunique.msk.u32 $0xffff, v44  }
0x40: {  	(xrf1) =	vunique.msk.u32 $0xffff, v45  }
0x41: {  	v51 =	vld [tilespmem:s26+$0x30];
	(xrf1) =	vunique.msk.u32 $0xffff, v46  }
0x42: {  	(xrf1) =	vunique.msk.u32 $0xffff, v47  }
0x43: {  	(xrf1) =	vunique.msk.u32 $0xffff, v48  }
0x44: {  	s29 =	simm.s32 $0x0;
	(xrf1) =	vunique.msk.u32 $0xffff, v49  }
0x45: {  	v3 =	vor.u32 s29, v0;
	v4 =	vor.u32 s29, v35;
	v50 =	vsub.s32 v43, v1  }
0x46: {  	v53 =	vsub.s32 v44, v1;
	v54 =	vsub.s32 v45, v1;
	v57 =	vsub.s32 v46, v1;
	(xrf1) =	vunique.msk.u32 $0xffff, v51  }
0x47: {  	v59 =	vsub.s32 v47, v1;
	v60 =	vsub.s32 v48, v1;
	v63 =	vsub.s32 v49, v1  }
0x48: {  	v43 =	vand.u32 $0x7F, v43;
	v52 =	vand.u32 $0xFFFFFF80, v50;
	v55 =	vand.u32 $0xFFFFFF80, v53  }
0x49: {  	v56 =	vand.u32 $0xFFFFFF80, v54;
	v58 =	vand.u32 $0xFFFFFF80, v57;
	v61 =	vand.u32 $0xFFFFFF80, v59  }
0x4a: {  	v62 =	vand.u32 $0xFFFFFF80, v60;
	v2 =	vand.u32 $0xFFFFFF80, v63;
	vm0 =	vlt.u32 v50, $0x1900  }
0x4b: {  	v44 =	vand.u32 $0x7F, v44;
	vm13 =	vlt.u32 v59, $0x1900;
	vm14 =	vlt.u32 v60, $0x1900  }
0x4c: {  	vm15 =	vlt.u32 v63, $0x1900;
	v59 =	vsub.s32 v51, v1;
	v45 =	vand.u32 $0x7F, v45;
	_, v5, vm1 =	vpop (xrf1)  }
0x4d: {  	v43 =	vor.u32 v43, v52;
	vm0 =	vmand vm1, vm0;
	vm1 =	vlt.u32 v53, $0x1900;
	_, v5, vm2 =	vpop (xrf1)  }
0x4e: {  	v44 =	vor.u32 v44, v55;
	vm1 =	vmand vm2, vm1;
	vm2 =	vlt.u32 v54, $0x1900;
	_, v52, vm3 =	vpop (xrf1)  }
0x4f: {  	v46 =	vand.u32 $0x7F, v46;
	vm2 =	vmand vm3, vm2;
	vm3 =	vlt.u32 v57, $0x1900;
	_, v53, vm4 =	vpop (xrf1)  }
0x50: {  	v45 =	vor.u32 v45, v56;
	v47 =	vand.u32 $0x7F, v47;
	vm3 =	vmand vm4, vm3;
	_, v54, vm5 =	vpop (xrf1)  }
0x51: {  	v46 =	vor.u32 v46, v58;
	v58 =	vor.u32 s29, v37;
	vm4 =	vmand vm5, vm13;
	_, v55, vm6 =	vpop (xrf1)  }
0x52: {  	v48 =	vand.u32 $0x7F, v48;
	v47 =	vor.u32 v47, v61;
	vm5 =	vmand vm6, vm14;
	_, v56, vm7 =	vpop (xrf1)  }
0x53: {  	v49 =	vand.u32 $0x7F, v49;
	[tilespmem:v43+s23+$0x0] =	vst.idx.msk vm0, v3;
	v3 =	vor.u32 v48, v62;
	vm6 =	vmand vm7, vm15  }
0x54: {  	v2 =	vor.u32 v49, v2;
	v57 =	vor.u32 s29, v36;
	vm0 =	vlt.u32 v59, $0x1900;
	[tilespmem:v44+s23+$0x0] =	vst.idx.msk vm1, v4;
	_, v63, vm1 =	vpop (xrf1)  }
0x55: {  	v61 =	vand.u32 $0xFFFFFF80, v59;
	v43 =	vand.u32 $0x7F, v51;
	[tilespmem:v45+s23+$0x0] =	vst.idx.msk vm2, v57;
	vm0 =	vmand vm1, vm0  }
0x56: {  	v60 =	vor.u32 s29, v38;
	v43 =	vor.u32 v43, v61;
	[tilespmem:v46+s23+$0x0] =	vst.idx.msk vm3, v58  }
0x57: {  	v62 =	vor.u32 s29, v39;
	[tilespmem:v47+s23+$0x0] =	vst.idx.msk vm4, v60  }
0x58: {  	[tilespmem:v3+s23+$0x0] =	vst.idx.msk vm5, v62;
	v3 =	vor.u32 s29, v40  }
0x59: {  	s28 =	simm.s32 $0x80;
	v44 =	vor.u32 s29, v41;
	[tilespmem:v2+s23+$0x0] =	vst.idx.msk vm6, v3  }
.LBB2_4:
0x5a: {  	p0 =	sne.s32 s28, $0x3F80  }
0x5b: {  	[tilespmem:v43+s23+$0x0] =	vst.idx.msk vm0, v44;
	s26 =	sadd.s32 $0x80, s26;
	s29 =	smov.u32 s28;
	s28 =	sadd.s32 $0x80, s28  }
0x5c: {  	v2 =	vld [tilespmem:s26+$0xFFFFFFC0]  }
0x5d: {  	v3 =	vld [tilespmem:s26+$0xFFFFFFD0]  }
0x5e: {  	v4 =	vld [tilespmem:s26+$0xFFFFFFE0]  }
0x5f: {  	v43 =	vld [tilespmem:s26+$0xFFFFFFF0]  }
0x60: {  	v44 =	vld [tilespmem:s26+$0x0]  }
0x61: {  	v45 =	vld [tilespmem:s26+$0x10];
	v46 =	vsub.s32 v2, v1;
	(xrf1) =	vunique.msk.u32 $0xffff, v2  }
0x62: {  	v47 =	vld [tilespmem:s26+$0x20];
	v48 =	vand.u32 $0xFFFFFF80, v46;
	v49 =	vsub.s32 v3, v1;
	(xrf1) =	vunique.msk.u32 $0xffff, v3  }
0x63: {  	v50 =	vld [tilespmem:s26+$0x30];
	v51 =	vand.u32 $0xFFFFFF80, v49;
	v52 =	vsub.s32 v4, v1;
	(xrf1) =	vunique.msk.u32 $0xffff, v4  }
0x64: {  	v53 =	vand.u32 $0xFFFFFF80, v52;
	v54 =	vsub.s32 v43, v1;
	(xrf1) =	vunique.msk.u32 $0xffff, v43  }
0x65: {  	v55 =	vand.u32 $0xFFFFFF80, v54;
	v56 =	vsub.s32 v44, v1;
	(xrf1) =	vunique.msk.u32 $0xffff, v44  }
0x66: {  	v57 =	vand.u32 $0xFFFFFF80, v56;
	v58 =	vsub.s32 v45, v1;
	(xrf1) =	vunique.msk.u32 $0xffff, v45  }
0x67: {  	v59 =	vand.u32 $0xFFFFFF80, v58;
	v60 =	vsub.s32 v47, v1;
	(xrf1) =	vunique.msk.u32 $0xffff, v47  }
0x68: {  	v61 =	vand.u32 $0xFFFFFF80, v60;
	v62 =	vsub.s32 v50, v1;
	(xrf1) =	vunique.msk.u32 $0xffff, v50  }
0x69: {  	v63 =	vand.u32 $0xFFFFFF80, v62;
	_ =	sdelay $0x2  }
0x6a: {  	v5 =	vor.u32 s29, v36  }
0x6b: {  	v6 =	vor.u32 s29, v0;
	v7 =	vor.u32 s29, v35;
	v47 =	vand.u32 $0x7F, v47  }
0x6c: {  	v43 =	vand.u32 $0x7F, v43;
	v44 =	vand.u32 $0x7F, v44;
	v45 =	vand.u32 $0x7F, v45  }
0x6d: {  	vm0 =	vlt.u32 v46, $0x1900;
	v3 =	vand.u32 $0x7F, v3;
	v4 =	vand.u32 $0x7F, v4;
	_, v46, vm1 =	vpop (xrf1)  }
0x6e: {  	v2 =	vand.u32 $0x7F, v2;
	vm0 =	vmand vm1, vm0;
	vm1 =	vlt.u32 v49, $0x1900;
	_, v46, vm2 =	vpop (xrf1)  }
0x6f: {  	v2 =	vor.u32 v2, v48;
	vm1 =	vmand vm2, vm1;
	vm2 =	vlt.u32 v52, $0x1900;
	_, v46, vm3 =	vpop (xrf1)  }
0x70: {  	v3 =	vor.u32 v3, v51;
	vm2 =	vmand vm3, vm2;
	vm3 =	vlt.u32 v54, $0x1900;
	_, v46, vm4 =	vpop (xrf1)  }
0x71: {  	v4 =	vor.u32 v4, v53;
	vm3 =	vmand vm4, vm3;
	vm4 =	vlt.u32 v56, $0x1900;
	_, v46, vm5 =	vpop (xrf1)  }
0x72: {  	v46 =	vor.u32 v43, v55;
	vm4 =	vmand vm5, vm4;
	vm5 =	vlt.u32 v58, $0x1900;
	_, v43, vm6 =	vpop (xrf1)  }
0x73: {  	v44 =	vor.u32 v44, v57;
	vm5 =	vmand vm6, vm5;
	vm6 =	vlt.u32 v60, $0x1900;
	_, v43, vm7 =	vpop (xrf1)  }
0x74: {  	[tilespmem:v2+s23+$0x0] =	vst.idx.msk vm0, v6;
	v2 =	vor.u32 v45, v59;
	vm6 =	vmand vm7, vm6;
	vm0 =	vlt.u32 v62, $0x1900;
	_, v6, vm7 =	vpop (xrf1)  }
0x75: {  	[tilespmem:v3+s23+$0x0] =	vst.idx.msk vm1, v7;
	v3 =	vor.u32 v47, v61;
	vm0 =	vmand vm7, vm0;
	v6 =	vand.u32 $0x7F, v50  }
.Ltmp3:
0x76: {  	[tilespmem:v4+s23+$0x0] =	vst.idx.msk vm2, v5;
	v4 =	vor.u32 s29, v37;
	v43 =	vor.u32 v6, v63;
	(pc) =	sbr.rel @p0 .LBB2_4-.Ltmp3, $4  }
0x77: {  	[tilespmem:v46+s23+$0x0] =	vst.idx.msk vm3, v4;
	v4 =	vor.u32 s29, v38  }
0x78: {  	[tilespmem:v44+s23+$0x0] =	vst.idx.msk vm4, v4;
	v4 =	vor.u32 s29, v39  }
0x79: {  	[tilespmem:v2+s23+$0x0] =	vst.idx.msk vm5, v4;
	v2 =	vor.u32 s29, v40  }
0x7a: {  	v44 =	vor.u32 s29, v41;
	[tilespmem:v3+s23+$0x0] =	vst.idx.msk vm6, v2  }
0x7b: {  	_ =	sdelay $0x4  }
0x7c: {  	[tilespmem:v43+s23+$0x0] =	vst.idx.msk vm0, v44;
	s8 =	rddreg [dreg:$0x8]  }
0x7d: {  	[spmem:s8] =	stream.linear.scatter [tilespmem:s23], [sflag:$0x1], $0x1900, $0x38;
	[tilespmem:$0x1BE00] =	vst v63  }
0x7e: {  	_ =	swait.ge [sflag:s24], $0x4000  }
0x7f: {  	[sflag:s24] =	ssyncset.done $0x0  }
0x80: {  	[sflag:s24] =	ssyncadd.s32 $0xFFFFC000  }
0x81: {  	_ =	swait.ge [sflag:s24], $0x4000  }
0x82: {  	[sflag:s24] =	ssyncset.done $0x0  }
0x83: {  	[sflag:s24] =	ssyncadd.s32 $0xFFFFC000  }
0x84: {  	_ =	swait.ge [sflag:s24], $0x4000  }
0x85: {  	[sflag:s24] =	ssyncset.done $0x0  }
0x86: {  	[sflag:s24] =	ssyncadd.s32 $0xFFFFC000  }
0x87: {  	_ =	swait.ge [sflag:s24], $0x4000  }
0x88: {  	[sflag:s24] =	ssyncset.done $0x0  }
0x89: {  	s26 =	rddreg [dreg:$0x9];
	[sflag:s24] =	ssyncadd.s32 $0xFFFFC000  }
0x8a: {  	[hbm4b:s26+s7] =	stream.linear.scatter [tilespmem:s10], [sflag:$0x3], $0x10000, $0x38;
	[tilespmem:$0x1BE00] =	vst v63  }
0x8b: {  	_ =	swait.ge [sflag:s22], $0x1900  }
0x8c: {  	[sflag:s22] =	ssyncset.done $0x0  }
0x8d: {  	[sflag:s22] =	ssyncadd.s32 $0xFFFFE700  }
0x8e: {  	s28 =	simm.s32 $0x7400;
	[bflag:$0x0] =	sbarrier.arrive $0xFFFF  }
0x8f: {  	[tilespmem:s28], [sflag:$0x4] =	stream.indirect.gather [spmem:s6], $0x1, s12, s14, $0xb8;
	[tilespmem:$0x1BE00] =	vst v63  }
0x90: {  	s29 =	simm.s32 $0x7480  }
0x91: {  	[tilespmem:s29], [sflag:$0x5] =	stream.indirect.gather [spmem:s6], $0x1, s15, s14, $0xb8;
	[tilespmem:$0x1BE00] =	vst v63  }
0x92: {  	s9 =	simm.s32 $0x7500  }
0x93: {  	[tilespmem:s9], [sflag:$0x6] =	stream.indirect.gather [spmem:s6], $0x1, s18, s14, $0xb8;
	[tilespmem:$0x1BE00] =	vst v63  }
0x94: {  	s26 =	simm.s32 $0x7580  }
0x95: {  	[tilespmem:s26], [sflag:$0x7] =	stream.indirect.gather [spmem:s6], $0x1, s20, s14, $0xb8;
	[tilespmem:$0x1BE00] =	vst v63  }
0x96: {  	_ =	swait.ge [sflag:s30], $0x80  }
0x97: {  	[sflag:s30] =	ssyncset.done $0x0  }
0x98: {  	[sflag:s30] =	ssyncadd.s32 $0xFFFFFF80  }
0x99: {  	v2 =	vld [tilespmem:$0x7400]  }
0x9a: {  	v3 =	vld [tilespmem:$0x7410];
	_ =	sdelay $0x1  }
0x9b: {  	v4 =	vld [tilespmem:$0x7420];
	_ =	sdelay $0x1  }
0x9c: {  	v5 =	vld [tilespmem:$0x7430];
	vm6 =	vgt.s32 v2, $0xFFFFFFFF  }
0x9d: {  	vm4 =	vgt.s32 v3, $0xFFFFFFFF;
	v6 =	vsel vm6, $0x1, v42  }
0x9e: {  	v60 =	vsel vm4, $0x1, v42;
	(xrf0) =	vadd.scan.msk.s32 $0xffff, v6  }
0x9f: {  	vm3 =	vgt.s32 v4, $0xFFFFFFFF;
	(xrf0) =	vadd.scan.msk.s32 $0xffff, v60  }
0xa0: {  	v61 =	vsel vm3, $0x1, v42  }
0xa1: {  	vm15 =	vgt.s32 v5, $0xFFFFFFFF;
	(xrf0) =	vadd.scan.msk.s32 $0xffff, v61  }
0xa2: {  	v7 =	vld [tilespmem:$0x7440];
	v62 =	vsel vm15, $0x1, v42  }
0xa3: {  	(xrf0) =	vadd.scan.msk.s32 $0xffff, v62  }
0xa4: {  	v63, _, _ =	vpop (xrf0)  }
0xa5: {  	v46, _, _ =	vpop (xrf0);
	(v2sf) =	vpush v63, $0xF  }
0xa6: {  	(v2sf) =	vpush v46, $0xF  }
0xa7: {  	vm1 =	vgt.s32 v7, $0xFFFFFFFF;
	v6 =	vld [tilespmem:$0x7450];
	v47, _, _ =	vpop (xrf0)  }
0xa8: {  	v45 =	vsel vm1, $0x1, v42;
	(v2sf) =	vpush v47, $0xF  }
0xa9: {  	v43 =	vld [tilespmem:$0x7460];
	(xrf0) =	vadd.scan.msk.s32 $0xffff, v45;
	v48, _, _ =	vpop (xrf0)  }
0xaa: {  	(v2sf) =	vpush v48, $0xF;
	_ =	sdelay $0x1  }
0xab: {  	vm2 =	vgt.s32 v6, $0xFFFFFFFF  }
0xac: {  	v54 =	vsel vm2, $0x1, v42  }
0xad: {  	vm5 =	vgt.s32 v43, $0xFFFFFFFF;
	(xrf0) =	vadd.scan.msk.s32 $0xffff, v54  }
0xae: {  	v55 =	vsel vm5, $0x1, v42;
	v45, _, _ =	vpop (xrf0)  }
0xaf: {  	(xrf0) =	vadd.scan.msk.s32 $0xffff, v55;
	(v2sf) =	vpush v45, $0xF;
	_ =	sdelay $0x2  }
0xb0: {  	v50 =	vld [tilespmem:$0x7470]  }
0xb1: {  	v49, _, _ =	vpop (xrf0);
	s28 =	spop (v2sf)  }
0xb2: {  	(v2sf) =	vpush v49, $0xF;
	s9 =	spop (v2sf)  }
0xb3: {  	v44 =	vadd.s32 $0xFFFFFFFF, v63;
	v51, _, _ =	vpop (xrf0);
	s8 =	sadd.s32 s28, s9  }
0xb4: {  	v56 =	vbroadcast v44, $0xF;
	(v2sf) =	vpush v51, $0xF;
	s29 =	spop (v2sf);
	v53 =	vmov s8  }
0xb5: {  	vm7 =	vgt.s32 v50, $0xFFFFFFFF;
	s8 =	sadd.s32 s29, s8;
	v53 =	vadd.s32 $0xFFFFFFFF, v53  }
0xb6: {  	v46 =	vadd.s32 v46, v56;
	s26 =	spop (v2sf);
	v58 =	vmov s8;
	v57 =	vbroadcast v53, $0x0  }
0xb7: {  	v52 =	vsel vm7, $0x1, v42;
	v63 =	vld [tilespmem:$0x1FFA0];
	s8 =	sadd.s32 s26, s8;
	v53 =	vadd.s32 $0xFFFFFFFF, v58  }
0xb8: {  	v60 =	vmov s8;
	v59 =	vbroadcast v53, $0x0;
	v47 =	vadd.s32 v47, v57  }
0xb9: {  	[tilespmem:v44+s31+$0x0] =	vst.idx.msk vm6, v2;
	(xrf0) =	vadd.scan.msk.s32 $0xffff, v52;
	v2 =	vadd.s32 $0xFFFFFFFF, v60;
	v53 =	vld [tilespmem:$0x1FFB0]  }
0xba: {  	[tilespmem:v44+s0+$0x0] =	vst.idx.msk vm6, v15;
	v2 =	vbroadcast v2, $0x0;
	v61 =	vadd.s32 v48, v59  }
0xbb: {  	[tilespmem:v46+s31+$0x0] =	vst.idx.msk vm4, v3;
	v57 =	vld [tilespmem:$0x1FFC0]  }
0xbc: {  	[tilespmem:v46+s0+$0x0] =	vst.idx.msk vm4, v63;
	s28 =	spop (v2sf);
	v2 =	vadd.s32 v45, v2  }
0xbd: {  	s8 =	sadd.s32 s28, s8;
	[tilespmem:v47+s31+$0x0] =	vst.idx.msk vm3, v4  }
0xbe: {  	v62 =	vmov s8;
	[tilespmem:v47+s0+$0x0] =	vst.idx.msk vm3, v53  }
0xbf: {  	v54, _, _ =	vpop (xrf0);
	v3 =	vadd.s32 $0xFFFFFFFF, v62;
	[tilespmem:v61+s31+$0x0] =	vst.idx.msk vm15, v5  }
0xc0: {  	(v2sf) =	vpush v54, $0xF;
	v3 =	vbroadcast v3, $0x0;
	[tilespmem:v61+s0+$0x0] =	vst.idx.msk vm15, v57  }
0xc1: {  	s29 =	spop (v2sf);
	[tilespmem:v2+s31+$0x0] =	vst.idx.msk vm1, v7;
	v7 =	vld [tilespmem:$0x1FFD0]  }
0xc2: {  	s8 =	sadd.s32 s29, s8;
	v3 =	vadd.s32 v49, v3  }
0xc3: {  	v58 =	vld [tilespmem:$0x1FFE0];
	s26 =	spop (v2sf);
	v48 =	vmov s8  }
0xc4: {  	s26 =	sadd.s32 s26, s8;
	v52 =	vadd.s32 $0xFFFFFFFF, v48  }
0xc5: {  	v55 =	vmov s26;
	v4 =	vbroadcast v52, $0x0  }
0xc6: {  	v56 =	vadd.s32 $0xFFFFFFFF, v55;
	[tilespmem:v2+s0+$0x0] =	vst.idx.msk vm1, v7  }
0xc7: {  	v4 =	vadd.s32 v51, v4;
	v5 =	vbroadcast v56, $0x0;
	[tilespmem:v3+s31+$0x0] =	vst.idx.msk vm2, v6  }
0xc8: {  	[tilespmem:v3+s0+$0x0] =	vst.idx.msk vm2, v58;
	v3 =	vld [tilespmem:$0x1FFF0]  }
0xc9: {  	v2 =	vadd.s32 v54, v5;
	_ =	sdelay $0x2  }
0xca: {  	[tilespmem:v4+s31+$0x0] =	vst.idx.msk vm5, v43  }
0xcb: {  	[tilespmem:v4+s0+$0x0] =	vst.idx.msk vm5, v3  }
0xcc: {  	[tilespmem:v2+s31+$0x0] =	vst.idx.msk vm7, v50  }
0xcd: {  	s28 =	spop (v2sf);
	[tilespmem:v2+s0+$0x0] =	vst.idx.msk vm7, v8  }
0xce: {  	_ =	swait.ge [sflag:s4], $0x80  }
0xcf: {  	[sflag:s4] =	ssyncset.done $0x0  }
0xd0: {  	[sflag:s4] =	ssyncadd.s32 $0xFFFFFF80  }
0xd1: {  	v2 =	vld [tilespmem:$0x7480];
	_ =	sdelay $0x1  }
0xd2: {  	v3 =	vld [tilespmem:$0x7490];
	_ =	sdelay $0x1  }
0xd3: {  	v4 =	vld [tilespmem:$0x74A0]  }
0xd4: {  	vm6 =	vgt.s32 v2, $0xFFFFFFFF  }
0xd5: {  	v5 =	vld [tilespmem:$0x74B0];
	v6 =	vsel vm6, $0x1, v42  }
0xd6: {  	vm9 =	vgt.s32 v3, $0xFFFFFFFF;
	(xrf0) =	vadd.scan.msk.s32 $0xffff, v6  }
0xd7: {  	v7 =	vsel vm9, $0x1, v42;
	v6 =	vld [tilespmem:$0x74C0]  }
0xd8: {  	vm10 =	vgt.s32 v4, $0xFFFFFFFF;
	(xrf0) =	vadd.scan.msk.s32 $0xffff, v7  }
0xd9: {  	v59 =	vsel vm10, $0x1, v42;
	v7 =	vld [tilespmem:$0x74D0]  }
0xda: {  	vm11 =	vgt.s32 v5, $0xFFFFFFFF;
	(xrf0) =	vadd.scan.msk.s32 $0xffff, v59  }
0xdb: {  	v43 =	vld [tilespmem:$0x74E0];
	v60 =	vsel vm11, $0x1, v42  }
0xdc: {  	vm12 =	vgt.s32 v6, $0xFFFFFFFF;
	v61, _, _ =	vpop (xrf0);
	(xrf0) =	vadd.scan.msk.s32 $0xffff, v60  }
0xdd: {  	v62 =	vsel vm12, $0x1, v42;
	(v2sf) =	vpush v61, $0xF  }
0xde: {  	vm13 =	vgt.s32 v7, $0xFFFFFFFF;
	v63, _, _ =	vpop (xrf0);
	(xrf0) =	vadd.scan.msk.s32 $0xffff, v62  }
0xdf: {  	v56 =	vsel vm13, $0x1, v42;
	(v2sf) =	vpush v63, $0xF  }
0xe0: {  	vm14 =	vgt.s32 v43, $0xFFFFFFFF;
	v47, _, _ =	vpop (xrf0);
	(xrf0) =	vadd.scan.msk.s32 $0xffff, v56  }
0xe1: {  	v57 =	vsel vm14, $0x1, v42;
	(v2sf) =	vpush v47, $0xF  }
0xe2: {  	v48, _, _ =	vpop (xrf0);
	(xrf0) =	vadd.scan.msk.s32 $0xffff, v57  }
0xe3: {  	(v2sf) =	vpush v48, $0xF  }
0xe4: {  	v44, _, _ =	vpop (xrf0)  }
0xe5: {  	(v2sf) =	vpush v44, $0xF  }
0xe6: {  	v49, _, _ =	vpop (xrf0)  }
0xe7: {  	v50 =	vld [tilespmem:$0x74F0];
	(v2sf) =	vpush v49, $0xF  }
0xe8: {  	v51, _, _ =	vpop (xrf0)  }
0xe9: {  	(v2sf) =	vpush v51, $0xF;
	_ =	sdelay $0x1  }
0xea: {  	s8 =	sadd.s32 s28, s26  }
0xeb: {  	v58 =	vmov s8;
	vm15 =	vgt.s32 v50, $0xFFFFFFFF;
	s29 =	spop (v2sf)  }
0xec: {  	v52 =	vadd.s32 $0xFFFFFFFF, v58;
	v59 =	vsel vm15, $0x1, v42;
	s8 =	sadd.s32 s8, s29  }
0xed: {  	v52 =	vbroadcast v52, $0x0;
	(xrf0) =	vadd.scan.msk.s32 $0xffff, v59;
	s26 =	spop (v2sf);
	v60 =	vmov s8  }
0xee: {  	s8 =	sadd.s32 s26, s8;
	v53 =	vadd.s32 $0xFFFFFFFF, v60  }
0xef: {  	v45 =	vadd.s32 v52, v61;
	s28 =	spop (v2sf);
	v62 =	vmov s8;
	v61 =	vbroadcast v53, $0x0  }
0xf0: {  	s8 =	sadd.s32 s28, s8;
	v53 =	vadd.s32 $0xFFFFFFFF, v62  }
0xf1: {  	v57 =	vmov s8;
	s29 =	spop (v2sf);
	v46 =	vadd.s32 v63, v61;
	v63 =	vbroadcast v53, $0x0  }
0xf2: {  	v53 =	vadd.s32 $0xFFFFFFFF, v57;
	s8 =	sadd.s32 s29, s8  }
0xf3: {  	v58, _, _ =	vpop (xrf0);
	s26 =	spop (v2sf);
	v59 =	vbroadcast v53, $0x0;
	v47 =	vadd.s32 v47, v63;
	v60 =	vmov s8  }
0xf4: {  	[tilespmem:v45+s31+$0x0] =	vst.idx.msk vm6, v2;
	(v2sf) =	vpush v58, $0xF;
	s8 =	sadd.s32 s26, s8;
	v2 =	vadd.s32 $0xFFFFFFFF, v60  }
0xf5: {  	[tilespmem:v45+s0+$0x0] =	vst.idx.msk vm6, v9;
	s28 =	spop (v2sf);
	v61 =	vadd.s32 v48, v59;
	v62 =	vmov s8;
	v2 =	vbroadcast v2, $0x0  }
0xf6: {  	s8 =	sadd.s32 s28, s8;
	[tilespmem:v46+s31+$0x0] =	vst.idx.msk vm9, v3;
	v3 =	vadd.s32 $0xFFFFFFFF, v62  }
0xf7: {  	v63 =	vmov s8;
	s29 =	spop (v2sf);
	[tilespmem:v46+s0+$0x0] =	vst.idx.msk vm9, v10;
	v2 =	vadd.s32 v44, v2;
	v3 =	vbroadcast v3, $0x0  }
0xf8: {  	v48 =	vadd.s32 $0xFFFFFFFF, v63;
	[tilespmem:v47+s31+$0x0] =	vst.idx.msk vm10, v4;
	s9 =	sadd.s32 s29, s8  }
0xf9: {  	v4 =	vbroadcast v48, $0x0;
	[tilespmem:v47+s0+$0x0] =	vst.idx.msk vm10, v11;
	v3 =	vadd.s32 v49, v3;
	v52 =	vmov s9  }
0xfa: {  	[tilespmem:v61+s31+$0x0] =	vst.idx.msk vm11, v5;
	v53 =	vadd.s32 $0xFFFFFFFF, v52  }
0xfb: {  	v4 =	vadd.s32 v51, v4;
	[tilespmem:v61+s0+$0x0] =	vst.idx.msk vm11, v12;
	v5 =	vbroadcast v53, $0x0  }
0xfc: {  	[tilespmem:v2+s31+$0x0] =	vst.idx.msk vm12, v6  }
0xfd: {  	[tilespmem:v2+s0+$0x0] =	vst.idx.msk vm12, v13;
	v2 =	vadd.s32 v58, v5  }
0xfe: {  	[tilespmem:v3+s31+$0x0] =	vst.idx.msk vm13, v7  }
0xff: {  	[tilespmem:v3+s0+$0x0] =	vst.idx.msk vm13, v14  }
0x100: {  	[tilespmem:v4+s31+$0x0] =	vst.idx.msk vm14, v43  }
0x101: {  	[tilespmem:v4+s0+$0x0] =	vst.idx.msk vm14, v16  }
0x102: {  	[tilespmem:v2+s31+$0x0] =	vst.idx.msk vm15, v50  }
0x103: {  	s28 =	spop (v2sf);
	[tilespmem:v2+s0+$0x0] =	vst.idx.msk vm15, v17  }
0x104: {  	_ =	swait.ge [sflag:s3], $0x80  }
0x105: {  	[sflag:s3] =	ssyncset.done $0x0  }
0x106: {  	[sflag:s3] =	ssyncadd.s32 $0xFFFFFF80  }
0x107: {  	v2 =	vld [tilespmem:$0x7500];
	_ =	sdelay $0x1  }
0x108: {  	v3 =	vld [tilespmem:$0x7510];
	_ =	sdelay $0x1  }
0x109: {  	v4 =	vld [tilespmem:$0x7520]  }
0x10a: {  	vm6 =	vgt.s32 v2, $0xFFFFFFFF  }
0x10b: {  	v5 =	vld [tilespmem:$0x7530];
	v6 =	vsel vm6, $0x1, v42  }
0x10c: {  	vm9 =	vgt.s32 v3, $0xFFFFFFFF;
	(xrf0) =	vadd.scan.msk.s32 $0xffff, v6  }
0x10d: {  	v7 =	vsel vm9, $0x1, v42;
	v6 =	vld [tilespmem:$0x7540]  }
0x10e: {  	vm10 =	vgt.s32 v4, $0xFFFFFFFF;
	(xrf0) =	vadd.scan.msk.s32 $0xffff, v7  }
0x10f: {  	v55 =	vsel vm10, $0x1, v42;
	v7 =	vld [tilespmem:$0x7550]  }
0x110: {  	vm11 =	vgt.s32 v5, $0xFFFFFFFF;
	(xrf0) =	vadd.scan.msk.s32 $0xffff, v55  }
0x111: {  	v43 =	vld [tilespmem:$0x7560];
	v56 =	vsel vm11, $0x1, v42  }
0x112: {  	vm12 =	vgt.s32 v6, $0xFFFFFFFF;
	v57, _, _ =	vpop (xrf0);
	(xrf0) =	vadd.scan.msk.s32 $0xffff, v56  }
0x113: {  	v58 =	vsel vm12, $0x1, v42;
	(v2sf) =	vpush v57, $0xF  }
0x114: {  	vm13 =	vgt.s32 v7, $0xFFFFFFFF;
	v59, _, _ =	vpop (xrf0);
	(xrf0) =	vadd.scan.msk.s32 $0xffff, v58  }
0x115: {  	v60 =	vsel vm13, $0x1, v42;
	(v2sf) =	vpush v59, $0xF  }
0x116: {  	vm14 =	vgt.s32 v43, $0xFFFFFFFF;
	v47, _, _ =	vpop (xrf0);
	(xrf0) =	vadd.scan.msk.s32 $0xffff, v60  }
0x117: {  	v61 =	vsel vm14, $0x1, v42;
	(v2sf) =	vpush v47, $0xF  }
0x118: {  	v48, _, _ =	vpop (xrf0);
	(xrf0) =	vadd.scan.msk.s32 $0xffff, v61  }
0x119: {  	(v2sf) =	vpush v48, $0xF  }
0x11a: {  	v44, _, _ =	vpop (xrf0)  }
0x11b: {  	(v2sf) =	vpush v44, $0xF  }
0x11c: {  	v49, _, _ =	vpop (xrf0)  }
0x11d: {  	v50 =	vld [tilespmem:$0x7570];
	(v2sf) =	vpush v49, $0xF  }
0x11e: {  	v51, _, _ =	vpop (xrf0)  }
0x11f: {  	(v2sf) =	vpush v51, $0xF;
	_ =	sdelay $0x1  }
0x120: {  	s8 =	sadd.s32 s28, s9  }
0x121: {  	v62 =	vmov s8;
	vm15 =	vgt.s32 v50, $0xFFFFFFFF;
	s29 =	spop (v2sf)  }
0x122: {  	v52 =	vadd.s32 $0xFFFFFFFF, v62;
	v63 =	vsel vm15, $0x1, v42;
	s8 =	sadd.s32 s8, s29  }
0x123: {  	v52 =	vbroadcast v52, $0x0;
	(xrf0) =	vadd.scan.msk.s32 $0xffff, v63;
	s26 =	spop (v2sf);
	v56 =	vmov s8  }
0x124: {  	s8 =	sadd.s32 s26, s8;
	v53 =	vadd.s32 $0xFFFFFFFF, v56  }
0x125: {  	v45 =	vadd.s32 v52, v57;
	s28 =	spop (v2sf);
	v58 =	vmov s8;
	v57 =	vbroadcast v53, $0x0  }
0x126: {  	s8 =	sadd.s32 s28, s8;
	v53 =	vadd.s32 $0xFFFFFFFF, v58  }
0x127: {  	v60 =	vmov s8;
	s29 =	spop (v2sf);
	v46 =	vadd.s32 v59, v57;
	v59 =	vbroadcast v53, $0x0  }
0x128: {  	v53 =	vadd.s32 $0xFFFFFFFF, v60;
	s8 =	sadd.s32 s29, s8  }
0x129: {  	v61, _, _ =	vpop (xrf0);
	s26 =	spop (v2sf);
	v62 =	vbroadcast v53, $0x0;
	v47 =	vadd.s32 v47, v59;
	v63 =	vmov s8  }
0x12a: {  	[tilespmem:v45+s31+$0x0] =	vst.idx.msk vm6, v2;
	(v2sf) =	vpush v61, $0xF;
	s8 =	sadd.s32 s26, s8;
	v2 =	vadd.s32 $0xFFFFFFFF, v63  }
0x12b: {  	[tilespmem:v45+s0+$0x0] =	vst.idx.msk vm6, v18;
	s28 =	spop (v2sf);
	v55 =	vadd.s32 v48, v62;
	v56 =	vmov s8;
	v2 =	vbroadcast v2, $0x0  }
0x12c: {  	s8 =	sadd.s32 s28, s8;
	[tilespmem:v46+s31+$0x0] =	vst.idx.msk vm9, v3;
	v3 =	vadd.s32 $0xFFFFFFFF, v56  }
0x12d: {  	v57 =	vmov s8;
	s29 =	spop (v2sf);
	[tilespmem:v46+s0+$0x0] =	vst.idx.msk vm9, v19;
	v2 =	vadd.s32 v44, v2;
	v3 =	vbroadcast v3, $0x0  }
0x12e: {  	v58 =	vadd.s32 $0xFFFFFFFF, v57;
	[tilespmem:v47+s31+$0x0] =	vst.idx.msk vm10, v4;
	s8 =	sadd.s32 s29, s8  }
0x12f: {  	v4 =	vbroadcast v58, $0x0;
	[tilespmem:v47+s0+$0x0] =	vst.idx.msk vm10, v20;
	v3 =	vadd.s32 v49, v3;
	v59 =	vmov s8  }
0x130: {  	[tilespmem:v55+s31+$0x0] =	vst.idx.msk vm11, v5;
	v60 =	vadd.s32 $0xFFFFFFFF, v59  }
0x131: {  	v4 =	vadd.s32 v51, v4;
	[tilespmem:v55+s0+$0x0] =	vst.idx.msk vm11, v21;
	v5 =	vbroadcast v60, $0x0  }
0x132: {  	[tilespmem:v2+s31+$0x0] =	vst.idx.msk vm12, v6  }
0x133: {  	[tilespmem:v2+s0+$0x0] =	vst.idx.msk vm12, v22;
	v2 =	vadd.s32 v61, v5  }
0x134: {  	[tilespmem:v3+s31+$0x0] =	vst.idx.msk vm13, v7  }
0x135: {  	[tilespmem:v3+s0+$0x0] =	vst.idx.msk vm13, v23  }
0x136: {  	[tilespmem:v4+s31+$0x0] =	vst.idx.msk vm14, v43  }
0x137: {  	[tilespmem:v4+s0+$0x0] =	vst.idx.msk vm14, v24  }
0x138: {  	[tilespmem:v2+s31+$0x0] =	vst.idx.msk vm15, v50  }
0x139: {  	s9 =	spop (v2sf);
	[tilespmem:v2+s0+$0x0] =	vst.idx.msk vm15, v25  }
0x13a: {  	_ =	swait.ge [sflag:s17], $0x80  }
0x13b: {  	[sflag:s17] =	ssyncset.done $0x0  }
0x13c: {  	[sflag:s17] =	ssyncadd.s32 $0xFFFFFF80  }
0x13d: {  	v2 =	vld [tilespmem:$0x7580];
	_ =	sdelay $0x1  }
0x13e: {  	v3 =	vld [tilespmem:$0x7590];
	_ =	sdelay $0x1  }
0x13f: {  	v4 =	vld [tilespmem:$0x75A0]  }
0x140: {  	vm6 =	vgt.s32 v2, $0xFFFFFFFF  }
0x141: {  	v5 =	vld [tilespmem:$0x75B0];
	v6 =	vsel vm6, $0x1, v42  }
0x142: {  	vm9 =	vgt.s32 v3, $0xFFFFFFFF;
	(xrf0) =	vadd.scan.msk.s32 $0xffff, v6  }
0x143: {  	v7 =	vsel vm9, $0x1, v42;
	v6 =	vld [tilespmem:$0x75C0]  }
0x144: {  	vm10 =	vgt.s32 v4, $0xFFFFFFFF;
	(xrf0) =	vadd.scan.msk.s32 $0xffff, v7  }
0x145: {  	v61 =	vsel vm10, $0x1, v42;
	v7 =	vld [tilespmem:$0x75D0]  }
0x146: {  	vm11 =	vgt.s32 v5, $0xFFFFFFFF;
	(xrf0) =	vadd.scan.msk.s32 $0xffff, v61  }
0x147: {  	v43 =	vld [tilespmem:$0x75E0];
	v62 =	vsel vm11, $0x1, v42  }
0x148: {  	vm12 =	vgt.s32 v6, $0xFFFFFFFF;
	v63, _, _ =	vpop (xrf0);
	(xrf0) =	vadd.scan.msk.s32 $0xffff, v62  }
0x149: {  	v56 =	vsel vm12, $0x1, v42;
	(v2sf) =	vpush v63, $0xF  }
0x14a: {  	vm13 =	vgt.s32 v7, $0xFFFFFFFF;
	v46, _, _ =	vpop (xrf0);
	(xrf0) =	vadd.scan.msk.s32 $0xffff, v56  }
0x14b: {  	v57 =	vsel vm13, $0x1, v42;
	(v2sf) =	vpush v46, $0xF  }
0x14c: {  	vm14 =	vgt.s32 v43, $0xFFFFFFFF;
	v47, _, _ =	vpop (xrf0);
	(xrf0) =	vadd.scan.msk.s32 $0xffff, v57  }
0x14d: {  	v58 =	vsel vm14, $0x1, v42;
	(v2sf) =	vpush v47, $0xF  }
0x14e: {  	v48, _, _ =	vpop (xrf0);
	(xrf0) =	vadd.scan.msk.s32 $0xffff, v58  }
0x14f: {  	(v2sf) =	vpush v48, $0xF  }
0x150: {  	v44, _, _ =	vpop (xrf0)  }
0x151: {  	(v2sf) =	vpush v44, $0xF  }
0x152: {  	v49, _, _ =	vpop (xrf0)  }
0x153: {  	(v2sf) =	vpush v49, $0xF  }
0x154: {  	v50, _, _ =	vpop (xrf0)  }
0x155: {  	(v2sf) =	vpush v50, $0xF  }
0x156: {  	v51 =	vld [tilespmem:$0x75F0]  }
0x157: {  	s8 =	sadd.s32 s9, s8  }
0x158: {  	v59 =	vmov s8;
	s26 =	spop (v2sf)  }
0x159: {  	v52 =	vadd.s32 $0xFFFFFFFF, v59;
	s8 =	sadd.s32 s8, s26  }
0x15a: {  	v52 =	vbroadcast v52, $0x0;
	s28 =	spop (v2sf);
	v60 =	vmov s8  }
0x15b: {  	vm15 =	vgt.s32 v51, $0xFFFFFFFF;
	s8 =	sadd.s32 s28, s8;
	v53 =	vadd.s32 $0xFFFFFFFF, v60  }
0x15c: {  	v45 =	vadd.s32 v52, v63;
	s29 =	spop (v2sf);
	v62 =	vmov s8;
	v61 =	vbroadcast v53, $0x0  }
0x15d: {  	v63 =	vsel vm15, $0x1, v42;
	s8 =	sadd.s32 s29, s8;
	v53 =	vadd.s32 $0xFFFFFFFF, v62  }
0x15e: {  	(xrf0) =	vadd.scan.msk.s32 $0xffff, v63;
	v57 =	vmov s8;
	v56 =	vbroadcast v53, $0x0;
	s26 =	spop (v2sf);
	v46 =	vadd.s32 v46, v61  }
0x15f: {  	v53 =	vadd.s32 $0xFFFFFFFF, v57;
	s8 =	sadd.s32 s26, s8  }
0x160: {  	v58 =	vbroadcast v53, $0x0;
	s28 =	spop (v2sf);
	v47 =	vadd.s32 v47, v56;
	v59 =	vmov s8  }
0x161: {  	[tilespmem:v45+s31+$0x0] =	vst.idx.msk vm6, v2;
	s8 =	sadd.s32 s28, s8;
	v2 =	vadd.s32 $0xFFFFFFFF, v59  }
0x162: {  	[tilespmem:v45+s0+$0x0] =	vst.idx.msk vm6, v26;
	s29 =	spop (v2sf);
	v60 =	vadd.s32 v48, v58;
	v61 =	vmov s8;
	v2 =	vbroadcast v2, $0x0  }
0x163: {  	s8 =	sadd.s32 s29, s8;
	[tilespmem:v46+s31+$0x0] =	vst.idx.msk vm9, v3;
	v3 =	vadd.s32 $0xFFFFFFFF, v61  }
0x164: {  	v62, _, _ =	vpop (xrf0);
	v63 =	vmov s8;
	s26 =	spop (v2sf);
	[tilespmem:v46+s0+$0x0] =	vst.idx.msk vm9, v27;
	v2 =	vadd.s32 v44, v2;
	v3 =	vbroadcast v3, $0x0  }
0x165: {  	(v2sf) =	vpush v62, $0xF;
	v46 =	vadd.s32 $0xFFFFFFFF, v63;
	[tilespmem:v47+s31+$0x0] =	vst.idx.msk vm10, v4;
	s8 =	sadd.s32 s26, s8  }
0x166: {  	v4 =	vbroadcast v46, $0x0;
	[tilespmem:v47+s0+$0x0] =	vst.idx.msk vm10, v28;
	v3 =	vadd.s32 v49, v3;
	v49 =	vmov s8  }
0x167: {  	[tilespmem:v60+s31+$0x0] =	vst.idx.msk vm11, v5;
	v52 =	vadd.s32 $0xFFFFFFFF, v49  }
0x168: {  	v4 =	vadd.s32 v50, v4;
	[tilespmem:v60+s0+$0x0] =	vst.idx.msk vm11, v29;
	v5 =	vbroadcast v52, $0x0  }
0x169: {  	[tilespmem:v2+s31+$0x0] =	vst.idx.msk vm12, v6  }
0x16a: {  	[tilespmem:v2+s0+$0x0] =	vst.idx.msk vm12, v30;
	v2 =	vadd.s32 v62, v5  }
0x16b: {  	[tilespmem:v3+s31+$0x0] =	vst.idx.msk vm13, v7  }
0x16c: {  	[tilespmem:v3+s0+$0x0] =	vst.idx.msk vm13, v31  }
0x16d: {  	[tilespmem:v4+s31+$0x0] =	vst.idx.msk vm14, v43  }
0x16e: {  	[tilespmem:v4+s0+$0x0] =	vst.idx.msk vm14, v32  }
0x16f: {  	[tilespmem:v2+s31+$0x0] =	vst.idx.msk vm15, v51  }
0x170: {  	[tilespmem:v2+s0+$0x0] =	vst.idx.msk vm15, v33  }
0x171: {  	v2 =	vld [tilespmem:$0x7600]  }
0x172: {  	v3 =	vld [tilespmem:$0x7800];
	_ =	sdelay $0x1  }
0x173: {  	s28 =	spop (v2sf);
	v4 =	vld [tilespmem:$0x7800]  }
0x174: {  	s29 =	sadd.s32 s28, s8;
	v53 =	vld [tilespmem:$0x7610]  }
0x175: {  	v45 =	vmov s29;
	v6 =	vld [tilespmem:$0x7810];
	v43 =	vperm.xlane v2, v42  }
0x176: {  	vm8 =	vgt.s32 v45, v0;
	v44 =	vperm.xlane v3, v42;
	v3 =	vld [tilespmem:$0x7620]  }
0x177: {  	v7 =	vld [tilespmem:$0x7820];
	v2 =	vsel vm8, v2, v43  }
0x178: {  	vm9 =	vgt.s32 v45, v35;
	v54 =	vld [tilespmem:$0x7630];
	[tilespmem:$0x7A00] =	vst v2;
	v2 =	vsel vm8, v4, v44  }
0x179: {  	v55 =	vld [tilespmem:$0x7830];
	[tilespmem:$0x7C00] =	vst v2;
	v2 =	vsel vm9, v53, v43  }
0x17a: {  	vm10 =	vgt.s32 v45, v36;
	[tilespmem:$0x7A10] =	vst v2;
	v2 =	vsel vm9, v6, v44;
	v6 =	vld [tilespmem:$0x7640]  }
0x17b: {  	[tilespmem:$0x7C10] =	vst v2;
	v2 =	vsel vm10, v3, v43;
	v3 =	vld [tilespmem:$0x7840]  }
0x17c: {  	vm11 =	vgt.s32 v45, v37;
	[tilespmem:$0x7A20] =	vst v2;
	v2 =	vsel vm10, v7, v44;
	v7 =	vld [tilespmem:$0x7650]  }
0x17d: {  	v56 =	vld [tilespmem:$0x7850];
	[tilespmem:$0x7C20] =	vst v2;
	v2 =	vsel vm11, v54, v43  }
0x17e: {  	vm12 =	vgt.s32 v45, v38;
	v57 =	vld [tilespmem:$0x7660];
	[tilespmem:$0x7A30] =	vst v2;
	v2 =	vsel vm11, v55, v44  }
0x17f: {  	[tilespmem:$0x7C30] =	vst v2;
	v2 =	vsel vm12, v6, v43;
	v6 =	vld [tilespmem:$0x7860]  }
0x180: {  	vm13 =	vgt.s32 v45, v39;
	[tilespmem:$0x7A40] =	vst v2;
	v2 =	vsel vm12, v3, v44;
	v3 =	vld [tilespmem:$0x7670]  }
0x181: {  	[tilespmem:$0x7C40] =	vst v2;
	v2 =	vsel vm13, v7, v43;
	v7 =	vld [tilespmem:$0x7870]  }
0x182: {  	vm14 =	vgt.s32 v45, v40;
	v58 =	vld [tilespmem:$0x7680];
	[tilespmem:$0x7A50] =	vst v2;
	v2 =	vsel vm13, v56, v44  }
0x183: {  	v59 =	vld [tilespmem:$0x7880];
	[tilespmem:$0x7C50] =	vst v2;
	v2 =	vsel vm14, v57, v43  }
0x184: {  	vm15 =	vgt.s32 v45, v41;
	[tilespmem:$0x7A60] =	vst v2;
	v2 =	vsel vm14, v6, v44;
	v6 =	vld [tilespmem:$0x7690]  }
0x185: {  	v46 =	vld [tilespmem:$0x7890];
	[tilespmem:$0x7C60] =	vst v2;
	v2 =	vsel vm15, v3, v43;
	v3 =	vor.u32 $0x80, v0  }
0x186: {  	[tilespmem:$0x7A70] =	vst v2;
	v2 =	vsel vm15, v7, v44;
	vm4 =	vgt.s32 v45, v3;
	v3 =	vld [tilespmem:$0x76A0]  }
0x187: {  	v60 =	vor.u32 $0x90, v0;
	v7 =	vld [tilespmem:$0x78A0];
	[tilespmem:$0x7C70] =	vst v2;
	v2 =	vsel vm4, v58, v43  }
0x188: {  	vm5 =	vgt.s32 v45, v60;
	v61 =	vld [tilespmem:$0x76B0];
	[tilespmem:$0x7A80] =	vst v2;
	v2 =	vsel vm4, v59, v44  }
0x189: {  	v62 =	vor.u32 $0xA0, v0;
	[tilespmem:$0x7C80] =	vst v2;
	v2 =	vsel vm5, v6, v43;
	v6 =	vld [tilespmem:$0x78B0]  }
0x18a: {  	vm6 =	vgt.s32 v45, v62;
	v63 =	vld [tilespmem:$0x76C0];
	[tilespmem:$0x7A90] =	vst v2;
	v2 =	vsel vm5, v46, v44  }
0x18b: {  	v48 =	vld [tilespmem:$0x78C0];
	[tilespmem:$0x7C90] =	vst v2;
	v2 =	vsel vm6, v3, v43;
	v3 =	vor.u32 $0xB0, v0  }
0x18c: {  	[tilespmem:$0x7AA0] =	vst v2;
	v2 =	vsel vm6, v7, v44;
	vm7 =	vgt.s32 v45, v3;
	v3 =	vld [tilespmem:$0x76D0]  }
0x18d: {  	v49 =	vor.u32 $0xC0, v0;
	v7 =	vld [tilespmem:$0x78D0];
	[tilespmem:$0x7CA0] =	vst v2;
	v2 =	vsel vm7, v61, v43  }
0x18e: {  	v50 =	vld [tilespmem:$0x76E0];
	vm8 =	vgt.s32 v45, v49;
	[tilespmem:$0x7AB0] =	vst v2;
	v2 =	vsel vm7, v6, v44  }
0x18f: {  	v51 =	vor.u32 $0xD0, v0;
	v6 =	vld [tilespmem:$0x78E0];
	[tilespmem:$0x7CB0] =	vst v2;
	v2 =	vsel vm8, v63, v43  }
0x190: {  	v52 =	vld [tilespmem:$0x76F0];
	vm9 =	vgt.s32 v45, v51;
	[tilespmem:$0x7AC0] =	vst v2;
	v2 =	vsel vm8, v48, v44  }
0x191: {  	v53 =	vld [tilespmem:$0x78F0];
	[tilespmem:$0x7CC0] =	vst v2;
	v2 =	vsel vm9, v3, v43;
	v3 =	vor.u32 $0xE0, v0  }
0x192: {  	[tilespmem:$0x7AD0] =	vst v2;
	v2 =	vsel vm9, v7, v44;
	vm10 =	vgt.s32 v45, v3;
	v3 =	vld [tilespmem:$0x7700]  }
0x193: {  	v54 =	vor.u32 $0xF0, v0;
	v7 =	vld [tilespmem:$0x7900];
	[tilespmem:$0x7CD0] =	vst v2;
	v2 =	vsel vm10, v50, v43  }
0x194: {  	vm11 =	vgt.s32 v45, v54;
	v55 =	vld [tilespmem:$0x7710];
	[tilespmem:$0x7AE0] =	vst v2;
	v2 =	vsel vm10, v6, v44  }
0x195: {  	v56 =	vor.u32 $0x100, v0;
	v6 =	vld [tilespmem:$0x7910];
	[tilespmem:$0x7CE0] =	vst v2;
	v2 =	vsel vm11, v52, v43  }
0x196: {  	vm12 =	vgt.s32 v45, v56;
	v57 =	vld [tilespmem:$0x7720];
	[tilespmem:$0x7AF0] =	vst v2;
	v2 =	vsel vm11, v53, v44  }
0x197: {  	v58 =	vld [tilespmem:$0x7920];
	[tilespmem:$0x7CF0] =	vst v2;
	v2 =	vsel vm12, v3, v43;
	v3 =	vor.u32 $0x110, v0  }
0x198: {  	[tilespmem:$0x7B00] =	vst v2;
	v2 =	vsel vm12, v7, v44;
	vm13 =	vgt.s32 v45, v3;
	v3 =	vld [tilespmem:$0x7730]  }
0x199: {  	v59 =	vor.u32 $0x120, v0;
	v7 =	vld [tilespmem:$0x7930];
	[tilespmem:$0x7D00] =	vst v2;
	v2 =	vsel vm13, v55, v43  }
0x19a: {  	v60 =	vld [tilespmem:$0x7740];
	vm14 =	vgt.s32 v45, v59;
	[tilespmem:$0x7B10] =	vst v2;
	v2 =	vsel vm13, v6, v44  }
0x19b: {  	v61 =	vor.u32 $0x130, v0;
	v6 =	vld [tilespmem:$0x7940];
	[tilespmem:$0x7D10] =	vst v2;
	v2 =	vsel vm14, v57, v43  }
0x19c: {  	v62 =	vld [tilespmem:$0x7750];
	vm15 =	vgt.s32 v45, v61;
	[tilespmem:$0x7B20] =	vst v2;
	v2 =	vsel vm14, v58, v44  }
0x19d: {  	v63 =	vld [tilespmem:$0x7950];
	[tilespmem:$0x7D20] =	vst v2;
	v2 =	vsel vm15, v3, v43;
	v3 =	vor.u32 $0x140, v0  }
0x19e: {  	[tilespmem:$0x7B30] =	vst v2;
	v2 =	vsel vm15, v7, v44;
	vm4 =	vgt.s32 v45, v3;
	v3 =	vld [tilespmem:$0x7760]  }
0x19f: {  	v47 =	vor.u32 $0x150, v0;
	v7 =	vld [tilespmem:$0x7960];
	[tilespmem:$0x7D30] =	vst v2;
	v2 =	vsel vm4, v60, v43  }
0x1a0: {  	vm5 =	vgt.s32 v45, v47;
	v48 =	vld [tilespmem:$0x7770];
	[tilespmem:$0x7B40] =	vst v2;
	v2 =	vsel vm4, v6, v44  }
0x1a1: {  	v49 =	vor.u32 $0x160, v0;
	v6 =	vld [tilespmem:$0x7970];
	[tilespmem:$0x7D40] =	vst v2;
	v2 =	vsel vm5, v62, v43  }
0x1a2: {  	vm6 =	vgt.s32 v45, v49;
	v50 =	vld [tilespmem:$0x7780];
	[tilespmem:$0x7B50] =	vst v2;
	v2 =	vsel vm5, v63, v44  }
0x1a3: {  	v51 =	vld [tilespmem:$0x7980];
	[tilespmem:$0x7D50] =	vst v2;
	v2 =	vsel vm6, v3, v43;
	v3 =	vor.u32 $0x170, v0  }
0x1a4: {  	[tilespmem:$0x7B60] =	vst v2;
	v2 =	vsel vm6, v7, v44;
	vm7 =	vgt.s32 v45, v3;
	v3 =	vld [tilespmem:$0x7790]  }
0x1a5: {  	v52 =	vor.u32 $0x180, v0;
	v7 =	vld [tilespmem:$0x7990];
	[tilespmem:$0x7D60] =	vst v2;
	v2 =	vsel vm7, v48, v43  }
0x1a6: {  	vm8 =	vgt.s32 v45, v52;
	v53 =	vld [tilespmem:$0x77A0];
	[tilespmem:$0x7B70] =	vst v2;
	v2 =	vsel vm7, v6, v44  }
0x1a7: {  	v54 =	vor.u32 $0x190, v0;
	v6 =	vld [tilespmem:$0x79A0];
	[tilespmem:$0x7D70] =	vst v2;
	v2 =	vsel vm8, v50, v43  }
0x1a8: {  	vm9 =	vgt.s32 v45, v54;
	v55 =	vld [tilespmem:$0x77B0];
	[tilespmem:$0x7B80] =	vst v2;
	v2 =	vsel vm8, v51, v44  }
0x1a9: {  	v56 =	vld [tilespmem:$0x79B0];
	[tilespmem:$0x7D80] =	vst v2;
	v2 =	vsel vm9, v3, v43;
	v3 =	vor.u32 $0x1A0, v0  }
0x1aa: {  	[tilespmem:$0x7B90] =	vst v2;
	v2 =	vsel vm9, v7, v44;
	vm10 =	vgt.s32 v45, v3;
	v3 =	vld [tilespmem:$0x77C0]  }
0x1ab: {  	v57 =	vor.u32 $0x1B0, v0;
	v7 =	vld [tilespmem:$0x79C0];
	[tilespmem:$0x7D90] =	vst v2;
	v2 =	vsel vm10, v53, v43  }
0x1ac: {  	vm11 =	vgt.s32 v45, v57;
	v58 =	vld [tilespmem:$0x77D0];
	[tilespmem:$0x7BA0] =	vst v2;
	v2 =	vsel vm10, v6, v44  }
0x1ad: {  	v59 =	vor.u32 $0x1C0, v0;
	v6 =	vld [tilespmem:$0x79D0];
	[tilespmem:$0x7DA0] =	vst v2;
	v2 =	vsel vm11, v55, v43  }
0x1ae: {  	vm12 =	vgt.s32 v45, v59;
	v60 =	vld [tilespmem:$0x77E0];
	[tilespmem:$0x7BB0] =	vst v2;
	v2 =	vsel vm11, v56, v44  }
0x1af: {  	v61 =	vld [tilespmem:$0x79E0];
	[tilespmem:$0x7DB0] =	vst v2;
	v2 =	vsel vm12, v3, v43;
	v3 =	vor.u32 $0x1D0, v0  }
0x1b0: {  	[tilespmem:$0x7BC0] =	vst v2;
	v2 =	vsel vm12, v7, v44;
	vm13 =	vgt.s32 v45, v3;
	v3 =	vld [tilespmem:$0x77F0]  }
0x1b1: {  	v62 =	vor.u32 $0x1E0, v0;
	v7 =	vld [tilespmem:$0x79F0];
	[tilespmem:$0x7DC0] =	vst v2;
	v2 =	vsel vm13, v58, v43  }
0x1b2: {  	vm14 =	vgt.s32 v45, v62;
	[tilespmem:$0x7BD0] =	vst v2;
	v2 =	vsel vm13, v6, v44  }
0x1b3: {  	s8 =	sadd.s32 $0x7F, s29;
	v63 =	vor.u32 $0x1F0, v0;
	[tilespmem:$0x7DD0] =	vst v2;
	v2 =	vsel vm14, v60, v43  }
0x1b4: {  	s26 =	sshra.s32 s8, $0x7;
	vm15 =	vgt.s32 v45, v63;
	[tilespmem:$0x7BE0] =	vst v2;
	v2 =	vsel vm14, v61, v44  }
0x1b5: {  	p0 =	slt.s32 s26, $0x1;
	[tilespmem:$0x7DE0] =	vst v2;
	v2 =	vsel vm15, v3, v43  }
.Ltmp4:
0x1b6: {  	[tilespmem:$0x7BF0] =	vst v2;
	v2 =	vsel vm15, v7, v44;
	(pc) =	sbr.rel @p0 .LBB2_7-.Ltmp4, $4  }
0x1b7: {  	[tilespmem:$0x7DF0] =	vst v2  }
0x1b8: {  	_ =	swait.ge [sflag:s19], $0x10000  }
0x1b9: {  	[sflag:s19] =	ssyncset.done $0x0  }
0x1ba: {  	[sflag:s19] =	ssyncadd.s32 $0xFFFF0000  }
0x1bb: {  	s8 =	simm.s32 $0x7A00  }
0x1bc: {  	[tilespmem:s21], [sflag:$0x2] =	stream.indirect.gather [hbm4b:s2+s14], $0x80, s8, s14, $0xb8;
	[tilespmem:$0x1BE00] =	vst v63  }
0x1bd: {  	_ =	swait.ge [sflag:s24], $0x4000  }
0x1be: {  	[sflag:s24] =	ssyncset.done $0x0  }
0x1bf: {  	s29 =	simm.s32 $0x7C00;
	[sflag:s24] =	ssyncadd.s32 $0xFFFFC000  }
0x1c0: {  	[hbm4b:s5+s14] =	stream.indirect.scatter [tilespmem:s21], [sflag:$0x2], $0x80, s29, s14, $0xb8;
	[tilespmem:$0x1BE00] =	vst v63  }
0x1c1: {  	p0 =	seq.s32 s26, $0x1;
	_ =	swait.ge [sflag:s24], $0x4000  }
0x1c2: {  	s8 =	simm.s32 @!p0 $0x80;
	[sflag:s24] =	ssyncset.done $0x0  }
0x1c3: {  	s9 =	simm.s32 @!p0 $0x7A80;
	s10 =	simm.s32 @!p0 $0x17E00;
	[sflag:s24] =	ssyncadd.s32 $0xFFFFC000  }
0x1c4: {  	[tilespmem:s10], [sflag:$0x2] =	stream.indirect.gather @!p0 [hbm4b:s2+s8], $0x80, s9, s8, $0xb8;
	[tilespmem:$0x1BE00] =	vst v63  }
0x1c5: {  	s9 =	simm.s32 @!p0 $0x2  }
0x1c6: {  	_ =	swait.ge @!p0 [sflag:s9], $0x4000  }
0x1c7: {  	[sflag:s9] =	ssyncset.done @!p0 $0x0  }
0x1c8: {  	s15 =	simm.s32 @!p0 $0x7C80;
	p1 =	slt.u32 @!p0 s26, $0x3;
	[sflag:s9] =	ssyncadd.s32 @!p0 $0xFFFFC000  }
0x1c9: {  	[hbm4b:s5+s8] =	stream.indirect.scatter @!p0 [tilespmem:s10], [sflag:$0x2], $0x80, s15, s8, $0xb8;
	[tilespmem:$0x1BE00] =	vst v63  }
0x1ca: {  	p2 =	por p1, p0;
	_ =	swait.ge @!p0 [sflag:s9], $0x4000  }
0x1cb: {  	s8 =	simm.s32 @!p2 $0x80;
	[sflag:s9] =	ssyncset.done @!p0 $0x0  }
0x1cc: {  	s10 =	simm.s32 @!p2 $0x17E00;
	[sflag:s9] =	ssyncadd.s32 @!p0 $0xFFFFC000;
	s9 =	simm.s32 @!p2 $0x7B00  }
0x1cd: {  	[tilespmem:s10], [sflag:$0x2] =	stream.indirect.gather @!p2 [hbm4b:s2+s8], $0x80, s9, s8, $0xb8;
	[tilespmem:$0x1BE00] =	vst v63  }
0x1ce: {  	s9 =	simm.s32 @!p2 $0x2  }
0x1cf: {  	_ =	swait.ge @!p2 [sflag:s9], $0x4000  }
0x1d0: {  	p3 =	seq.s32 @!p2 s26, $0x3;
	[sflag:s9] =	ssyncset.done @!p2 $0x0  }
0x1d1: {  	p1 =	por @!p0 p3, p1;
	s15 =	simm.s32 @!p2 $0x7D00;
	[sflag:s9] =	ssyncadd.s32 @!p2 $0xFFFFC000  }
0x1d2: {  	[hbm4b:s5+s8] =	stream.indirect.scatter @!p2 [tilespmem:s10], [sflag:$0x2], $0x80, s15, s8, $0xb8;
	[tilespmem:$0x1BE00] =	vst v63  }
0x1d3: {  	p0 =	por p1, p0;
	_ =	swait.ge @!p2 [sflag:s9], $0x4000  }
0x1d4: {  	s8 =	simm.s32 @!p0 $0x80;
	[sflag:s9] =	ssyncset.done @!p2 $0x0  }
0x1d5: {  	s10 =	simm.s32 @!p0 $0x17E00;
	[sflag:s9] =	ssyncadd.s32 @!p2 $0xFFFFC000;
	s9 =	simm.s32 @!p0 $0x7B80  }
0x1d6: {  	[tilespmem:s10], [sflag:$0x2] =	stream.indirect.gather @!p0 [hbm4b:s2+s8], $0x80, s9, s8, $0xb8;
	[tilespmem:$0x1BE00] =	vst v63  }
0x1d7: {  	s9 =	simm.s32 @!p0 $0x2  }
0x1d8: {  	_ =	swait.ge @!p0 [sflag:s9], $0x4000  }
0x1d9: {  	[sflag:s9] =	ssyncset.done @!p0 $0x0  }
.Ltmp5:
0x1da: {  	s15 =	simm.s32 @!p0 $0x7D80;
	[sflag:s9] =	ssyncadd.s32 @!p0 $0xFFFFC000;
	(pc) =	sbr.rel .LBB2_7-.Ltmp5, $4  }
0x1db: {  	[hbm4b:s5+s8] =	stream.indirect.scatter @!p0 [tilespmem:s10], [sflag:$0x2], $0x80, s15, s8, $0xb8;
	[tilespmem:$0x1BE00] =	vst v63  }
0x1dc: {  	_ =	swait.ge @!p0 [sflag:s9], $0x4000  }
0x1dd: {  	[sflag:s9] =	ssyncset.done @!p0 $0x0  }
0x1de: {  	s15 =	simm.s32 $0x7280;
	s10 =	simm.s32 $0x7E00;
	[sflag:s9] =	ssyncadd.s32 @!p0 $0xFFFFC000  }
.LBB2_8:
0x1df: {  	_ =	sfence.sel $0x180000  }
0x1e0: {  	[bflag:$0x0] =	sbarrier.arrive $0xFFFF  }
0x1e1: {  	_ =	strace $0x90000047  }
0x1e2: {  	s0 =	stileid.u32;
	[bflag:$0x2] =	sbarrier.arrive $0xFFFF  }
0x1e3: {  	p0 =	sne.s32 s0, $0x0;
	s0 =	rddreg [dreg:$0x6]  }
0x1e4: {  	s0 =	sadd.s32 @!p0 $0x100000, s0  }
0x1e5: {  	[sflag:s0] =	ssyncadd.tile.s32 @!p0 $0x1;
	_ =	shalt  }
.Lfunc_end2:
_tile_overlayer_lowered:
.L_overlay_start_2:
0x1e6: {  	(tag) =	ssettag $0x2  }
0x1e7: {  	s0 =	rddreg [dreg:$0x0];
	s2 =	stileid.u32  }
0x1e8: {  	s1 =	rddreg [dreg:$0x1];
	p0 =	sne.s32 s2, $0x0  }
0x1e9: {  	s3 =	rddreg [dreg:$0x2];
	[bflag:$0x3] =	sbarrier.arrive $0xFFFF;
	s2 =	simm.s32 @!p0 $0x1C08  }
0x1ea: {  	[timem:s3], [sflag:s2] =	dma.local @!p0 [hbm:s0], s1  }
0x1eb: {  	s0 =	simm.s32 @!p0 $0x8  }
0x1ec: {  	_ =	swait.ge @!p0 [sflag:s0], s1  }
0x1ed: {  	s1 =	ssub.s32 @!p0 $0x0, s1;
	[sflag:s0] =	ssyncset.done @!p0 $0x0  }
0x1ee: {  	[sflag:s0] =	ssyncadd.s32 @!p0 s1  }
0x1ef: {  	[bflag:$0x3] =	sbarrier.arrive $0xFFFF  }
0x1f0: {  	_ =	shalt  }

</sc_bundles>
